<compile_context>
chip_gen: v7x
topology: tpu7x:2x2x1
jax: 0.10.2.dev20260603
libtpu: 0.0.44.dev20260713+nightly
codegen_flags: <defaults>
</compile_context>

<pallas_src>
import jax
import jax.numpy as jnp
from jax import lax
from jax.experimental import pallas as pl
from jax.experimental.pallas import tpu as pltpu
from jax.experimental.pallas import tpu_sc as plsc

_N = 10000
_E = 320000
_DIN = 128
_HID = 256
_DOUT = 512
_DATT = 256
_NCLS = 2

_NC = 2
_NS = 16
_NW = _NC * _NS
_EPW = _E // _NW
_EPT = _E // _NS
_CH = 80
_RPT = 640
_RPT_LAST = _N - (_NS - 1) * _RPT


_SC_SCRATCH = [
    pltpu.VMEM_SHARED((_N, 128), jnp.float32),
    pltpu.VMEM((_CH,), jnp.int32),
    pltpu.VMEM((_CH,), jnp.int32),
    pltpu.VMEM((_CH,), jnp.int32),
    pltpu.VMEM((_CH,), jnp.int32),
    pltpu.VMEM((_CH,), jnp.int32),
    pltpu.VMEM((_CH,), jnp.int32),
    pltpu.VMEM((_CH, 128), jnp.float32),
    pltpu.VMEM((_CH, 128), jnp.float32),
    pltpu.VMEM((_CH, 128), jnp.float32),
    pltpu.SemaphoreType.DMA,
    pltpu.SemaphoreType.DMA,
    pltpu.SemaphoreType.DMA,
    pltpu.SemaphoreType.DMA,
    pltpu.SemaphoreType.DMA,
    pltpu.SemaphoreType.DMA,
    pltpu.SemaphoreType.DMA,
    pltpu.SemaphoreType.DMA,
    pltpu.SemaphoreType.DMA,
]


def _sc_common(src_h, dst_h, z128_h, acc_s,
               ixs0, ixs1, ixs2, ixd0, ixd1, ixd2, rw0, rw1, rw2,
               sis0, sis1, sis2, sid0, sid1, sid2, sg0, sg1, sg2):
    c = lax.axis_index("c")
    s = lax.axis_index("s")
    row0 = s * _RPT
    ixs = (ixs0, ixs1, ixs2)
    ixd = (ixd0, ixd1, ixd2)
    rws = (rw0, rw1, rw2)
    sis = (sis0, sis1, sis2)
    sid = (sid0, sid1, sid2)
    sg = (sg0, sg1, sg2)

    def zero_acc():
        @pl.when(s < _NS - 1)
        def _():
            pltpu.sync_copy(z128_h.at[pl.ds(row0, _RPT)],
                            acc_s.at[pl.ds(row0, _RPT)])

        @pl.when(s == _NS - 1)
        def _():
            pltpu.sync_copy(z128_h.at[pl.ds(row0, _RPT_LAST)],
                            acc_s.at[pl.ds(row0, _RPT_LAST)])

    def drain_acc(dst_hbm):
        @pl.when(s < _NS - 1)
        def _():
            pltpu.sync_copy(acc_s.at[pl.ds(row0, _RPT)],
                            dst_hbm.at[pl.ds(c * _N + row0, _RPT)])

        @pl.when(s == _NS - 1)
        def _():
            pltpu.sync_copy(acc_s.at[pl.ds(row0, _RPT_LAST)],
                            dst_hbm.at[pl.ds(c * _N + row0, _RPT_LAST)])

    def issue_is(base, j, b):
        pltpu.async_copy(src_h.at[pl.ds(base + j * _CH, _CH)], ixs[b], sis[b])

    def issue_id(base, j, b):
        pltpu.async_copy(dst_h.at[pl.ds(base + j * _CH, _CH)], ixd[b], sid[b])

    def wait_is(b):
        pltpu.make_async_copy(src_h.at[pl.ds(0, _CH)], ixs[b], sis[b]).wait()

    def wait_id(b):
        pltpu.make_async_copy(dst_h.at[pl.ds(0, _CH)], ixd[b], sid[b]).wait()

    def edge_phase(table_h, base, nchunk):

        def start_gather(b):
            wait_is(b)
            pltpu.async_copy(table_h.at[ixs[b]], rws[b], sg[b])

        def finish(b):
            pltpu.make_async_copy(z128_h.at[pl.ds(0, _CH)], rws[b],
                                  sg[b]).wait()
            wait_id(b)
            pltpu.sync_copy(rws[b], acc_s.at[ixd[b]], add=True)

        ntri = (nchunk - 3) // 3
        rem = nchunk - 3 * ntri

        def iss(j, b):
            issue_is(base, j, b)
            issue_id(base, j, b)

        iss(0, 0)
        iss(1, 1)
        iss(2, 2)
        start_gather(0)

        def tri(p, carry):
            j = 3 * p
            start_gather(1)
            finish(0)
            iss(j + 3, 0)
            start_gather(2)
            finish(1)
            iss(j + 4, 1)
            start_gather(0)
            finish(2)
            iss(j + 5, 2)
            return carry

        lax.fori_loop(0, ntri, tri, 0)
        j0 = 3 * ntri
        start_gather(1)
        finish(0)
        if rem >= 4:
            iss(j0 + 3, 0)
        start_gather(2)
        finish(1)
        if rem == 5:
            iss(j0 + 4, 1)
        if rem >= 4:
            start_gather(0)
        finish(2)
        if rem == 5:
            start_gather(1)
        if rem >= 4:
            finish(0)
        if rem == 5:
            finish(1)

    def cnt_phase(ones_v, base, nchunk):

        def cscat(b):
            wait_id(b)
            pltpu.sync_copy(ones_v, acc_s.at[ixd[b]], add=True)

        npair = (nchunk - 2) // 2
        rem = nchunk - 2 * npair

        issue_id(base, 0, 0)
        issue_id(base, 1, 1)

        def cpair(p, carry):
            j = 2 * p
            cscat(0)
            issue_id(base, j + 2, 0)
            cscat(1)
            issue_id(base, j + 3, 1)
            return carry

        lax.fori_loop(0, npair, cpair, 0)
        cscat(0)
        if rem == 3:
            cscat(1)
            issue_id(base, nchunk - 1, 0)
            cscat(0)
        else:
            cscat(1)

    return c, s, zero_acc, drain_acc, edge_phase, cnt_phase


def _make_sc_layer1():
    mesh = plsc.VectorSubcoreMesh(core_axis_name="c", subcore_axis_name="s")
    outs = (jax.ShapeDtypeStruct((_NC * _N, 128), jnp.float32),
            jax.ShapeDtypeStruct((_NC * _N, 128), jnp.float32))
    scratch = _SC_SCRATCH + [pltpu.VMEM((_CH, 128), jnp.float32)]

    def body(src_h, dst_h, table_h, z128_h, ones_h, out_h, cnt_h,
             acc_s, ixs0, ixs1, ixs2, ixd0, ixd1, ixd2, rw0, rw1, rw2,
             sis0, sis1, sis2, sid0, sid1, sid2, sg0, sg1, sg2, ones_v):
        c, s, zero_acc, drain_acc, edge_phase, cnt_phase = _sc_common(
            src_h, dst_h, z128_h, acc_s, ixs0, ixs1, ixs2, ixd0, ixd1, ixd2,
            rw0, rw1, rw2, sis0, sis1, sis2, sid0, sid1, sid2, sg0, sg1, sg2)
        base = (c * _NS + s) * _EPW
        nchunk = _EPW // _CH

        pltpu.sync_copy(ones_h, ones_v)
        zero_acc()
        plsc.subcore_barrier()
        cnt_phase(ones_v, base, nchunk)
        plsc.subcore_barrier()
        drain_acc(cnt_h)
        plsc.subcore_barrier()
        zero_acc()
        plsc.subcore_barrier()
        edge_phase(table_h, base, nchunk)
        plsc.subcore_barrier()
        drain_acc(out_h)

    return pl.kernel(body, out_type=outs, mesh=mesh, scratch_types=scratch)


def _make_sc_layer2():
    mesh = plsc.VectorSubcoreMesh(core_axis_name="c", subcore_axis_name="s")
    out = jax.ShapeDtypeStruct((_NC * _N, 128), jnp.float32)

    def body(src_h, dst_h, ta_h, tb_h, z128_h, out_h,
             acc_s, ixs0, ixs1, ixs2, ixd0, ixd1, ixd2, rw0, rw1, rw2,
             sis0, sis1, sis2, sid0, sid1, sid2, sg0, sg1, sg2):
        c, s, zero_acc, drain_acc, edge_phase, cnt_phase = _sc_common(
            src_h, dst_h, z128_h, acc_s, ixs0, ixs1, ixs2, ixd0, ixd1, ixd2,
            rw0, rw1, rw2, sis0, sis1, sis2, sid0, sid1, sid2, sg0, sg1, sg2)
        base = s * _EPT
        nchunk = _EPT // _CH

        zero_acc()
        plsc.subcore_barrier()

        @pl.when(c == 0)
        def _():
            edge_phase(ta_h, base, nchunk)

        @pl.when(c == 1)
        def _():
            edge_phase(tb_h, base, nchunk)

        plsc.subcore_barrier()
        drain_acc(out_h)

    return pl.kernel(body, out_type=out, mesh=mesh,
                     scratch_types=list(_SC_SCRATCH))


_BN = 1000
_G = _N // _BN


def _tc1_body(aggp, cntp, x, W1l, b1, W1r, h1a_ref, h1b_ref, cnt_ref):
    cnt = jnp.maximum(cntp[0, :, 0:1] + cntp[1, :, 0:1], 1.0)
    agg = (aggp[0] + aggp[1]) / cnt
    t = (jnp.dot(agg, W1l[...], preferred_element_type=jnp.float32)
         + jnp.dot(x[...], W1r[...], preferred_element_type=jnp.float32)
         + b1[...])
    h1 = jnp.tanh(t)
    h1a_ref[...] = h1[:, :128]
    h1b_ref[...] = h1[:, 128:]
    cnt_ref[...] = cnt


def _tc1(aggp, cntp, x, W1l, b1, W1r):
    return pl.pallas_call(
        _tc1_body,
        grid=(_G,),
        in_specs=[
            pl.BlockSpec((_NC, _BN, 128), lambda i: (0, i, 0)),
            pl.BlockSpec((_NC, _BN, 128), lambda i: (0, i, 0)),
            pl.BlockSpec((_BN, _DIN), lambda i: (i, 0)),
            pl.BlockSpec((_DIN, _HID), lambda i: (0, 0)),
            pl.BlockSpec((1, _HID), lambda i: (0, 0)),
            pl.BlockSpec((_DIN, _HID), lambda i: (0, 0)),
        ],
        out_specs=[
            pl.BlockSpec((_BN, 128), lambda i: (i, 0)),
            pl.BlockSpec((_BN, 128), lambda i: (i, 0)),
            pl.BlockSpec((_BN, 1), lambda i: (i, 0)),
        ],
        out_shape=[
            jax.ShapeDtypeStruct((_N, 128), jnp.float32),
            jax.ShapeDtypeStruct((_N, 128), jnp.float32),
            jax.ShapeDtypeStruct((_N, 1), jnp.float32),
        ],
    )(aggp, cntp, x, W1l, b1, W1r)


def _tc2_body(a2f, cnt, h1a, h1b, W2l, b2, W2r, Wfc, bfc,
              Wa, ba, Wb, bb, Wc, bc, Wcls, bcls,
              araw_ref, logits_ref, yprob_ref, yhat_ref,
              mvec_scr, den_scr, max_scr):
    i = pl.program_id(0)
    c = cnt[...]
    a2a = a2f[0] / c
    a2b = a2f[1] / c
    agg2 = jnp.concatenate([a2a, a2b], axis=1)
    h1 = jnp.concatenate([h1a[...], h1b[...]], axis=1)
    h2 = (jnp.dot(agg2, W2l[...], preferred_element_type=jnp.float32)
          + jnp.dot(h1, W2r[...], preferred_element_type=jnp.float32)
          + b2[...])
    h = jax.nn.relu(jnp.dot(h2, Wfc[...], preferred_element_type=jnp.float32) + bfc[...])
    a = jnp.tanh(jnp.dot(h, Wa[...], preferred_element_type=jnp.float32) + ba[...])
    g = jax.nn.sigmoid(jnp.dot(h, Wb[...], preferred_element_type=jnp.float32) + bb[...])
    ab = (jnp.dot(a * g, Wc[...], preferred_element_type=jnp.float32) + bc[...])

    araw_ref[...] = ab

    @pl.when(i < _G)
    def _():
        bm = jnp.max(ab)
        bd = jnp.sum(jnp.exp(ab - bm))

        @pl.when(i == 0)
        def _():
            max_scr[0] = bm
            den_scr[0] = bd

        @pl.when(i > 0)
        def _():
            m0 = max_scr[0]
            m2 = jnp.maximum(m0, bm)
            den_scr[0] = (den_scr[0] * jnp.exp(m0 - m2)
                          + bd * jnp.exp(bm - m2))
            max_scr[0] = m2

    @pl.when(i >= _G)
    def _():
        att = jnp.exp(ab - max_scr[0]) / den_scr[0]
        part = lax.dot_general(att, h, (((0,), (0,)), ((), ())),
                               preferred_element_type=jnp.float32)

        @pl.when(i == _G)
        def _():
            mvec_scr[...] = part

        @pl.when(i > _G)
        def _():
            mvec_scr[...] = mvec_scr[...] + part

        @pl.when(i == 2 * _G - 1)
        def _():
            M = mvec_scr[...]
            logits = (jnp.dot(M, Wcls[...],
                              preferred_element_type=jnp.float32)
                      + bcls[...])
            logits_ref[...] = logits
            mx = jnp.max(logits, axis=1, keepdims=True)
            ex = jnp.exp(logits - mx)
            yprob_ref[...] = ex / jnp.sum(ex, axis=1, keepdims=True)
            yhat_ref[...] = jnp.where(logits[0:1, 1:2] > logits[0:1, 0:1],
                                      1, 0).astype(jnp.int32)


def _tc2(a2f, cnt, h1a, h1b, W2l, b2, W2r, Wfc, bfc,
         Wa, ba, Wb, bb, Wc, bc, Wcls, bcls):
    full = lambda r, c: pl.BlockSpec((r, c), lambda i: (0, 0))
    return pl.pallas_call(
        _tc2_body,
        grid=(2 * _G,),
        in_specs=[
            pl.BlockSpec((_NC, _BN, 128), lambda i: (0, i % _G, 0)),
            pl.BlockSpec((_BN, 1), lambda i: (i % _G, 0)),
            pl.BlockSpec((_BN, 128), lambda i: (i % _G, 0)),
            pl.BlockSpec((_BN, 128), lambda i: (i % _G, 0)),
            full(_HID, _DOUT), full(1, _DOUT), full(_HID, _DOUT),
            full(_DOUT, _DOUT), full(1, _DOUT),
            full(_DOUT, _DATT), full(1, _DATT),
            full(_DOUT, _DATT), full(1, _DATT),
            full(_DATT, 1), full(1, 1),
            full(_DOUT, _NCLS), full(1, _NCLS),
        ],
        out_specs=[
            pl.BlockSpec((_BN, 1), lambda i: (i % _G, 0)),
            pl.BlockSpec((1, _NCLS), lambda i: (0, 0)),
            pl.BlockSpec((1, _NCLS), lambda i: (0, 0)),
            pl.BlockSpec((1, 1), lambda i: (0, 0)),
        ],
        out_shape=[
            jax.ShapeDtypeStruct((_N, 1), jnp.float32),
            jax.ShapeDtypeStruct((1, _NCLS), jnp.float32),
            jax.ShapeDtypeStruct((1, _NCLS), jnp.float32),
            jax.ShapeDtypeStruct((1, 1), jnp.int32),
        ],
        scratch_shapes=[
            pltpu.VMEM((1, _DOUT), jnp.float32),
            pltpu.SMEM((1,), jnp.float32),
            pltpu.SMEM((1,), jnp.float32),
        ],
    )(a2f, cnt, h1a, h1b, W2l, b2, W2r, Wfc, bfc,
      Wa, ba, Wb, bb, Wc, bc, Wcls, bcls)


def kernel(x, label, edge_index, batch, W1l, b1, W1r, W2l, b2, W2r,
           Wfc, bfc, Wa, ba, Wb, bb, Wc, bc, Wcls, bcls):
    src = edge_index[0]
    dst = edge_index[1]
    z128 = jnp.zeros((_N, 128), jnp.float32)
    ones = jnp.ones((_CH, 128), jnp.float32)

    agg1p, cntp = _make_sc_layer1()(src, dst, x, z128, ones)
    agg1p = agg1p.reshape(_NC, _N, 128)
    cntp = cntp.reshape(_NC, _N, 128)
    h1a, h1b, cnt = _tc1(agg1p, cntp, x, W1l, b1.reshape(1, _HID), W1r)
    a2f = _make_sc_layer2()(src, dst, h1a, h1b, z128).reshape(_NC, _N, 128)
    araw, logits, yprob, yhat = _tc2(
        a2f, cnt, h1a, h1b,
        W2l, b2.reshape(1, _DOUT), W2r,
        Wfc, bfc.reshape(1, _DOUT),
        Wa, ba.reshape(1, _DATT), Wb, bb.reshape(1, _DATT),
        Wc, bc.reshape(1, 1), Wcls, bcls.reshape(1, _NCLS))
    return (logits, yprob, yhat, araw.reshape(1, _N))

# --- scband reference (transcript-rebuilt; emitter-appended) ---
"""Pipeline reference for scband-clam-sb-55654186221762 (READ-ONLY COPY).

The authoritative reference and input builder live on the scoring server;
editing this copy changes nothing except your own understanding.
"""

import jax, jax.numpy as jnp
import numpy as np

N = 10000
E = 320000
DIN = 128
HID = 256
DOUT = 512
DATT = 256
NCLS = 2


def setup_inputs(seed: int = 0) -> dict:
    key = jax.random.key(seed)
    ks = jax.random.split(key, 20)
    s = 0.05
    inp = {}
    inp["x"] = jax.random.normal(ks[0], (N, DIN), dtype=jnp.float32)
    inp["label"] = jax.random.randint(ks[1], (1,), 0, 2, dtype=jnp.int32)
    inp["edge_index"] = jax.random.randint(ks[2], (2, E), 0, N, dtype=jnp.int32)
    inp["batch"] = jnp.zeros((N,), dtype=jnp.int32)
    # GNN (SAGEConv) params: conv1 (DIN->HID), conv2 (HID->DOUT)
    inp["W1l"] = jax.random.normal(ks[3], (DIN, HID), dtype=jnp.float32) * s
    inp["b1"] = jnp.zeros((HID,), dtype=jnp.float32)
    inp["W1r"] = jax.random.normal(ks[4], (DIN, HID), dtype=jnp.float32) * s
    inp["W2l"] = jax.random.normal(ks[5], (HID, DOUT), dtype=jnp.float32) * s
    inp["b2"] = jnp.zeros((DOUT,), dtype=jnp.float32)
    inp["W2r"] = jax.random.normal(ks[6], (HID, DOUT), dtype=jnp.float32) * s
    # attention_net: fc Linear(512,512)+ReLU then gated attention
    inp["Wfc"] = jax.random.normal(ks[7], (DOUT, DOUT), dtype=jnp.float32) * s
    inp["bfc"] = jnp.zeros((DOUT,), dtype=jnp.float32)
    inp["Wa"] = jax.random.normal(ks[8], (DOUT, DATT), dtype=jnp.float32) * s
    inp["ba"] = jnp.zeros((DATT,), dtype=jnp.float32)
    inp["Wb"] = jax.random.normal(ks[9], (DOUT, DATT), dtype=jnp.float32) * s
    inp["bb"] = jnp.zeros((DATT,), dtype=jnp.float32)
    inp["Wc"] = jax.random.normal(ks[10], (DATT, 1), dtype=jnp.float32) * s
    inp["bc"] = jnp.zeros((1,), dtype=jnp.float32)
    # bag-level classifier
    inp["Wcls"] = jax.random.normal(ks[11], (DOUT, NCLS), dtype=jnp.float32) * s
    inp["bcls"] = jnp.zeros((NCLS,), dtype=jnp.float32)
    return inp


def reference(x, label, edge_index, batch, W1l, b1, W1r, W2l, b2, W2r, Wfc, bfc, Wa, ba, Wb, bb, Wc, bc, Wcls, bcls):
    src = edge_index[0]
    dst = edge_index[1]

    def sage(h, Wl, bl, Wr):
        # SAGEConv with mean aggregation: lin_l(mean_{j in N(i)} h_j) + lin_r(h_i)
        msg = jnp.take(h, src, axis=0)
        summed = jax.ops.segment_sum(msg, dst, num_segments=N)
        cnt = jax.ops.segment_sum(jnp.ones((E, 1), h.dtype), dst, num_segments=N)
        agg = summed / jnp.clip(cnt, 1.0)
        return agg @ Wl + bl + h @ Wr

    # GNN forward (eval mode -> dropout is identity)
    h = jnp.tanh(sage(x, W1l, b1, W1r))
    h = sage(h, W2l, b2, W2r)
    # attention_net: fc + gated attention
    h = jax.nn.relu(h @ Wfc + bfc)
    a = jnp.tanh(h @ Wa + ba)
    g = jax.nn.sigmoid(h @ Wb + bb)
    A = (a * g) @ Wc + bc          # [N, 1]
    A = jnp.transpose(A, (1, 0))   # [1, N]
    A_raw = A
    A = jax.nn.softmax(A, axis=1)
    M = A @ h                      # [1, 512]
    logits = M @ Wcls + bcls       # [1, 2]
    _, Y_hat = jax.lax.top_k(logits, 1)
    Y_prob = jax.nn.softmax(logits, axis=1)
    return (logits, Y_prob, Y_hat, A_raw)

if __name__ == "__main__":
    import jax
    _d = setup_inputs()
    print(jax.jit(kernel)(*tuple(_d.values())))

</pallas_src>

<mosaic_0001>
#map = affine_map<(d0, d1) -> (0)>
#map1 = affine_map<(d0, d1) -> (0, 0)>
module attributes {stable_mosaic.version = 14 : i64} {
  func.func @body(%arg0: i32, %arg1: i32, %arg2: memref<320000xi32, #tpu.memory_space<hbm>>, %arg3: memref<320000xi32, #tpu.memory_space<hbm>>, %arg4: memref<10000x128xf32, #tpu.memory_space<hbm>>, %arg5: memref<10000x128xf32, #tpu.memory_space<hbm>>, %arg6: memref<80x128xf32, #tpu.memory_space<hbm>>, %arg7: memref<20000x128xf32, #tpu.memory_space<hbm>>, %arg8: memref<20000x128xf32, #tpu.memory_space<hbm>>, %arg9: memref<10000x128xf32, #tpu.memory_space<vmem_shared>>, %arg10: memref<80xi32, #tpu.memory_space<vmem>>, %arg11: memref<80xi32, #tpu.memory_space<vmem>>, %arg12: memref<80xi32, #tpu.memory_space<vmem>>, %arg13: memref<80xi32, #tpu.memory_space<vmem>>, %arg14: memref<80xi32, #tpu.memory_space<vmem>>, %arg15: memref<80xi32, #tpu.memory_space<vmem>>, %arg16: memref<80x128xf32, #tpu.memory_space<vmem>>, %arg17: memref<80x128xf32, #tpu.memory_space<vmem>>, %arg18: memref<80x128xf32, #tpu.memory_space<vmem>>, %arg19: memref<!tpu.dma_semaphore, #tpu.memory_space<semaphore_mem>>, %arg20: memref<!tpu.dma_semaphore, #tpu.memory_space<semaphore_mem>>, %arg21: memref<!tpu.dma_semaphore, #tpu.memory_space<semaphore_mem>>, %arg22: memref<!tpu.dma_semaphore, #tpu.memory_space<semaphore_mem>>, %arg23: memref<!tpu.dma_semaphore, #tpu.memory_space<semaphore_mem>>, %arg24: memref<!tpu.dma_semaphore, #tpu.memory_space<semaphore_mem>>, %arg25: memref<!tpu.dma_semaphore, #tpu.memory_space<semaphore_mem>>, %arg26: memref<!tpu.dma_semaphore, #tpu.memory_space<semaphore_mem>>, %arg27: memref<!tpu.dma_semaphore, #tpu.memory_space<semaphore_mem>>, %arg28: memref<80x128xf32, #tpu.memory_space<vmem>>) attributes {dimension_semantics = [#tpu.dimension_semantics<core_parallel>, #tpu.dimension_semantics<subcore_parallel>], iteration_bounds = array<i64: 2, 16>, scalar_prefetch = 0 : i64, scratch_operands = 20 : i64, tpu.core_type = #tpu.core_type<sc_vector_subcore>, window_params = [{transform_indices = #map}, {transform_indices = #map}, {transform_indices = #map1}, {transform_indices = #map1}, {transform_indices = #map1}, {transform_indices = #map1}, {transform_indices = #map1}]} {
    %mul3A = arith.constant 640 : i32
    %mul3A_0 = arith.muli %arg1, %mul3A : i32
    %mul3A_1 = arith.constant 16 : i32
    %mul3A_2 = arith.muli %arg0, %mul3A_1 : i32
    %add3A = arith.addi %mul3A_2, %arg1 : i32
    %mul3A_3 = arith.constant 10000 : i32
    %mul3A_4 = arith.muli %add3A, %mul3A_3 : i32
    "tpu.region"() ({
      %run_scoped3A = tpu.sem_alloc : memref<!tpu.dma_semaphore, #tpu.memory_space<semaphore_mem>>
      tpu.enqueue_dma source(%arg6 : memref<80x128xf32, #tpu.memory_space<hbm>>) target(%arg28 : memref<80x128xf32, #tpu.memory_space<vmem>>) target_semaphore(%run_scoped3A : memref<!tpu.dma_semaphore, #tpu.memory_space<semaphore_mem>>)
      tpu.wait_dma2 semaphore(%run_scoped3A : memref<!tpu.dma_semaphore, #tpu.memory_space<semaphore_mem>>) src(%arg6 : memref<80x128xf32, #tpu.memory_space<hbm>>) dst(%arg28 : memref<80x128xf32, #tpu.memory_space<vmem>>)
      tpu.yield
    }) : () -> ()
    %lt3A = arith.constant 15 : i32
    %lt3A_5 = arith.cmpi slt, %arg1, %lt3A : i32
    %convert_element_type3A = arith.extui %lt3A_5 : i1 to i32
    %cond3A = arith.constant 0 : i32
    %cond3A_6 = arith.cmpi ne, %convert_element_type3A, %cond3A : i32
    scf.if %cond3A_6 {
      "tpu.region"() ({
        %run_scoped3A = tpu.sem_alloc : memref<!tpu.dma_semaphore, #tpu.memory_space<semaphore_mem>>
        %dma_start3A_203 = arith.constant 0 : i32
        %dma_start3A_204 = tpu.memref_slice %arg9[%mul3A_0, %dma_start3A_203] : memref<10000x128xf32, #tpu.memory_space<vmem_shared>> -> memref<640x128xf32, #tpu.memory_space<vmem_shared>>
        %dma_start3A_205 = arith.constant 0 : i32
        %dma_start3A_206 = tpu.memref_slice %arg5[%mul3A_0, %dma_start3A_205] : memref<10000x128xf32, #tpu.memory_space<hbm>> -> memref<640x128xf32, #tpu.memory_space<hbm>>
        tpu.enqueue_dma source(%dma_start3A_206 : memref<640x128xf32, #tpu.memory_space<hbm>>) target(%dma_start3A_204 : memref<640x128xf32, #tpu.memory_space<vmem_shared>>) target_semaphore(%run_scoped3A : memref<!tpu.dma_semaphore, #tpu.memory_space<semaphore_mem>>)
        %dma_wait3A_207 = arith.constant 0 : i32
        %dma_wait3A_208 = tpu.memref_slice %arg9[%mul3A_0, %dma_wait3A_207] : memref<10000x128xf32, #tpu.memory_space<vmem_shared>> -> memref<640x128xf32, #tpu.memory_space<vmem_shared>>
        %dma_wait3A_209 = arith.constant 0 : i32
        %dma_wait3A_210 = tpu.memref_slice %arg5[%mul3A_0, %dma_wait3A_209] : memref<10000x128xf32, #tpu.memory_space<hbm>> -> memref<640x128xf32, #tpu.memory_space<hbm>>
        tpu.wait_dma2 semaphore(%run_scoped3A : memref<!tpu.dma_semaphore, #tpu.memory_space<semaphore_mem>>) src(%dma_wait3A_210 : memref<640x128xf32, #tpu.memory_space<hbm>>) dst(%dma_wait3A_208 : memref<640x128xf32, #tpu.memory_space<vmem_shared>>)
        tpu.yield
      }) : () -> ()
    } else {
    }
    %eq3A = arith.constant 15 : i32
    %eq3A_7 = arith.cmpi eq, %arg1, %eq3A : i32
    %convert_element_type3A_8 = arith.extui %eq3A_7 : i1 to i32
    %cond3A_9 = arith.constant 0 : i32
    %cond3A_10 = arith.cmpi ne, %convert_element_type3A_8, %cond3A_9 : i32
    scf.if %cond3A_10 {
      "tpu.region"() ({
        %run_scoped3A = tpu.sem_alloc : memref<!tpu.dma_semaphore, #tpu.memory_space<semaphore_mem>>
        %dma_start3A_203 = arith.constant 0 : i32
        %dma_start3A_204 = tpu.memref_slice %arg9[%mul3A_0, %dma_start3A_203] : memref<10000x128xf32, #tpu.memory_space<vmem_shared>> -> memref<400x128xf32, #tpu.memory_space<vmem_shared>>
        %dma_start3A_205 = arith.constant 0 : i32
        %dma_start3A_206 = tpu.memref_slice %arg5[%mul3A_0, %dma_start3A_205] : memref<10000x128xf32, #tpu.memory_space<hbm>> -> memref<400x128xf32, #tpu.memory_space<hbm>>
        tpu.enqueue_dma source(%dma_start3A_206 : memref<400x128xf32, #tpu.memory_space<hbm>>) target(%dma_start3A_204 : memref<400x128xf32, #tpu.memory_space<vmem_shared>>) target_semaphore(%run_scoped3A : memref<!tpu.dma_semaphore, #tpu.memory_space<semaphore_mem>>)
        %dma_wait3A_207 = arith.constant 0 : i32
        %dma_wait3A_208 = tpu.memref_slice %arg9[%mul3A_0, %dma_wait3A_207] : memref<10000x128xf32, #tpu.memory_space<vmem_shared>> -> memref<400x128xf32, #tpu.memory_space<vmem_shared>>
        %dma_wait3A_209 = arith.constant 0 : i32
        %dma_wait3A_210 = tpu.memref_slice %arg5[%mul3A_0, %dma_wait3A_209] : memref<10000x128xf32, #tpu.memory_space<hbm>> -> memref<400x128xf32, #tpu.memory_space<hbm>>
        tpu.wait_dma2 semaphore(%run_scoped3A : memref<!tpu.dma_semaphore, #tpu.memory_space<semaphore_mem>>) src(%dma_wait3A_210 : memref<400x128xf32, #tpu.memory_space<hbm>>) dst(%dma_wait3A_208 : memref<400x128xf32, #tpu.memory_space<vmem_shared>>)
        tpu.yield
      }) : () -> ()
    } else {
    }
    %barrier3A = arith.constant 0 : index
    tpu.barrier barrier_id(%barrier3A)
    %add3A_11 = arith.constant 0 : i32
    %add3A_12 = arith.addi %mul3A_4, %add3A_11 : i32
    %dma_start3A = tpu.memref_slice %arg3[%add3A_12] : memref<320000xi32, #tpu.memory_space<hbm>> -> memref<80xi32, #tpu.memory_space<hbm>>
    %dma_start3A_13 = tpu.memref_slice %arg3[%add3A_12] : memref<320000xi32, #tpu.memory_space<hbm>> -> memref<80xi32, #tpu.memory_space<hbm>>
    tpu.enqueue_dma source(%dma_start3A_13 : memref<80xi32, #tpu.memory_space<hbm>>) target(%arg13 : memref<80xi32, #tpu.memory_space<vmem>>) target_semaphore(%arg22 : memref<!tpu.dma_semaphore, #tpu.memory_space<semaphore_mem>>)
    %add3A_14 = arith.constant 80 : i32
    %add3A_15 = arith.addi %mul3A_4, %add3A_14 : i32
    %dma_start3A_16 = tpu.memref_slice %arg3[%add3A_15] : memref<320000xi32, #tpu.memory_space<hbm>> -> memref<80xi32, #tpu.memory_space<hbm>>
    %dma_start3A_17 = tpu.memref_slice %arg3[%add3A_15] : memref<320000xi32, #tpu.memory_space<hbm>> -> memref<80xi32, #tpu.memory_space<hbm>>
    tpu.enqueue_dma source(%dma_start3A_17 : memref<80xi32, #tpu.memory_space<hbm>>) target(%arg14 : memref<80xi32, #tpu.memory_space<vmem>>) target_semaphore(%arg23 : memref<!tpu.dma_semaphore, #tpu.memory_space<semaphore_mem>>)
    %scan3A = arith.constant 0 : i32
    %scan3A_18 = arith.constant 0 : i32
    %scan3A_19 = arith.constant 61 : i32
    %scan3A_20 = arith.addi %scan3A_18, %scan3A_19 : i32
    %scan3A_21 = arith.constant 1 : i32
    scf.for %scan3A_203 = %scan3A_18 to %scan3A_20 step %scan3A_21  : i32 {
      %mul3A_204 = arith.constant 2 : i32
      %mul3A_205 = arith.muli %mul3A_204, %scan3A_203 : i32
      %dma_wait3A_206 = arith.constant 0 : i32
      %dma_wait3A_207 = tpu.memref_slice %arg3[%dma_wait3A_206] : memref<320000xi32, #tpu.memory_space<hbm>> -> memref<80xi32, #tpu.memory_space<hbm>>
      %dma_wait3A_208 = arith.constant 0 : i32
      %dma_wait3A_209 = tpu.memref_slice %arg3[%dma_wait3A_208] : memref<320000xi32, #tpu.memory_space<hbm>> -> memref<80xi32, #tpu.memory_space<hbm>>
      tpu.wait_dma2 semaphore(%arg22 : memref<!tpu.dma_semaphore, #tpu.memory_space<semaphore_mem>>) src(%dma_wait3A_209 : memref<80xi32, #tpu.memory_space<hbm>>) dst(%arg13 : memref<80xi32, #tpu.memory_space<vmem>>)
      "tpu.region"() ({
        %run_scoped3A = tpu.sem_alloc : memref<!tpu.dma_semaphore, #tpu.memory_space<semaphore_mem>>
        %dma_start3A_228 = arith.constant 0 : i32
        %dma_start3A_229 = arith.constant 0 : i32
        %dma_start3A_230 = tpu.memref_slice %arg9[%dma_start3A_228, %dma_start3A_229] : memref<10000x128xf32, #tpu.memory_space<vmem_shared>> -> memref<10000x128xf32, #tpu.memory_space<vmem_shared>>
        tpu.enqueue_indirect_dma source(%arg28 : memref<80x128xf32, #tpu.memory_space<vmem>>) target(%dma_start3A_230 : memref<10000x128xf32, #tpu.memory_space<vmem_shared>>) offsets(%arg13 : memref<80xi32, #tpu.memory_space<vmem>>) semaphore(%run_scoped3A : memref<!tpu.dma_semaphore, #tpu.memory_space<semaphore_mem>>) {add = true}
        %dma_wait3A_231 = arith.constant 0 : i32
        %dma_wait3A_232 = arith.constant 0 : i32
        %dma_wait3A_233 = tpu.memref_slice %arg9[%dma_wait3A_231, %dma_wait3A_232] : memref<10000x128xf32, #tpu.memory_space<vmem_shared>> -> memref<10000x128xf32, #tpu.memory_space<vmem_shared>>
        tpu.wait_indirect_dma semaphore(%run_scoped3A : memref<!tpu.dma_semaphore, #tpu.memory_space<semaphore_mem>>) src(%arg28 : memref<80x128xf32, #tpu.memory_space<vmem>>) dst(%dma_wait3A_233 : memref<10000x128xf32, #tpu.memory_space<vmem_shared>>)
        tpu.yield
      }) : () -> ()
      %add3A_210 = arith.constant 2 : i32
      %add3A_211 = arith.addi %mul3A_205, %add3A_210 : i32
      %mul3A_212 = arith.constant 80 : i32
      %mul3A_213 = arith.muli %add3A_211, %mul3A_212 : i32
      %add3A_214 = arith.addi %mul3A_4, %mul3A_213 : i32
      %dma_start3A_215 = tpu.memref_slice %arg3[%add3A_214] : memref<320000xi32, #tpu.memory_space<hbm>> -> memref<80xi32, #tpu.memory_space<hbm>>
      %dma_start3A_216 = tpu.memref_slice %arg3[%add3A_214] : memref<320000xi32, #tpu.memory_space<hbm>> -> memref<80xi32, #tpu.memory_space<hbm>>
      tpu.enqueue_dma source(%dma_start3A_216 : memref<80xi32, #tpu.memory_space<hbm>>) target(%arg13 : memref<80xi32, #tpu.memory_space<vmem>>) target_semaphore(%arg22 : memref<!tpu.dma_semaphore, #tpu.memory_space<semaphore_mem>>)
      %dma_wait3A_217 = arith.constant 0 : i32
      %dma_wait3A_218 = tpu.memref_slice %arg3[%dma_wait3A_217] : memref<320000xi32, #tpu.memory_space<hbm>> -> memref<80xi32, #tpu.memory_space<hbm>>
      %dma_wait3A_219 = arith.constant 0 : i32
      %dma_wait3A_220 = tpu.memref_slice %arg3[%dma_wait3A_219] : memref<320000xi32, #tpu.memory_space<hbm>> -> memref<80xi32, #tpu.memory_space<hbm>>
      tpu.wait_dma2 semaphore(%arg23 : memref<!tpu.dma_semaphore, #tpu.memory_space<semaphore_mem>>) src(%dma_wait3A_220 : memref<80xi32, #tpu.memory_space<hbm>>) dst(%arg14 : memref<80xi32, #tpu.memory_space<vmem>>)
      "tpu.region"() ({
        %run_scoped3A = tpu.sem_alloc : memref<!tpu.dma_semaphore, #tpu.memory_space<semaphore_mem>>
        %dma_start3A_228 = arith.constant 0 : i32
        %dma_start3A_229 = arith.constant 0 : i32
        %dma_start3A_230 = tpu.memref_slice %arg9[%dma_start3A_228, %dma_start3A_229] : memref<10000x128xf32, #tpu.memory_space<vmem_shared>> -> memref<10000x128xf32, #tpu.memory_space<vmem_shared>>
        tpu.enqueue_indirect_dma source(%arg28 : memref<80x128xf32, #tpu.memory_space<vmem>>) target(%dma_start3A_230 : memref<10000x128xf32, #tpu.memory_space<vmem_shared>>) offsets(%arg14 : memref<80xi32, #tpu.memory_space<vmem>>) semaphore(%run_scoped3A : memref<!tpu.dma_semaphore, #tpu.memory_space<semaphore_mem>>) {add = true}
        %dma_wait3A_231 = arith.constant 0 : i32
        %dma_wait3A_232 = arith.constant 0 : i32
        %dma_wait3A_233 = tpu.memref_slice %arg9[%dma_wait3A_231, %dma_wait3A_232] : memref<10000x128xf32, #tpu.memory_space<vmem_shared>> -> memref<10000x128xf32, #tpu.memory_space<vmem_shared>>
        tpu.wait_indirect_dma semaphore(%run_scoped3A : memref<!tpu.dma_semaphore, #tpu.memory_space<semaphore_mem>>) src(%arg28 : memref<80x128xf32, #tpu.memory_space<vmem>>) dst(%dma_wait3A_233 : memref<10000x128xf32, #tpu.memory_space<vmem_shared>>)
        tpu.yield
      }) : () -> ()
      %add3A_221 = arith.constant 3 : i32
      %add3A_222 = arith.addi %mul3A_205, %add3A_221 : i32
      %mul3A_223 = arith.constant 80 : i32
      %mul3A_224 = arith.muli %add3A_222, %mul3A_223 : i32
      %add3A_225 = arith.addi %mul3A_4, %mul3A_224 : i32
      %dma_start3A_226 = tpu.memref_slice %arg3[%add3A_225] : memref<320000xi32, #tpu.memory_space<hbm>> -> memref<80xi32, #tpu.memory_space<hbm>>
      %dma_start3A_227 = tpu.memref_slice %arg3[%add3A_225] : memref<320000xi32, #tpu.memory_space<hbm>> -> memref<80xi32, #tpu.memory_space<hbm>>
      tpu.enqueue_dma source(%dma_start3A_227 : memref<80xi32, #tpu.memory_space<hbm>>) target(%arg14 : memref<80xi32, #tpu.memory_space<vmem>>) target_semaphore(%arg23 : memref<!tpu.dma_semaphore, #tpu.memory_space<semaphore_mem>>)
    }
    %scan3A_22 = arith.constant 61 : i32
    %dma_wait3A = arith.constant 0 : i32
    %dma_wait3A_23 = tpu.memref_slice %arg3[%dma_wait3A] : memref<320000xi32, #tpu.memory_space<hbm>> -> memref<80xi32, #tpu.memory_space<hbm>>
    %dma_wait3A_24 = arith.constant 0 : i32
    %dma_wait3A_25 = tpu.memref_slice %arg3[%dma_wait3A_24] : memref<320000xi32, #tpu.memory_space<hbm>> -> memref<80xi32, #tpu.memory_space<hbm>>
    tpu.wait_dma2 semaphore(%arg22 : memref<!tpu.dma_semaphore, #tpu.memory_space<semaphore_mem>>) src(%dma_wait3A_25 : memref<80xi32, #tpu.memory_space<hbm>>) dst(%arg13 : memref<80xi32, #tpu.memory_space<vmem>>)
    "tpu.region"() ({
      %run_scoped3A = tpu.sem_alloc : memref<!tpu.dma_semaphore, #tpu.memory_space<semaphore_mem>>
      %dma_start3A_203 = arith.constant 0 : i32
      %dma_start3A_204 = arith.constant 0 : i32
      %dma_start3A_205 = tpu.memref_slice %arg9[%dma_start3A_203, %dma_start3A_204] : memref<10000x128xf32, #tpu.memory_space<vmem_shared>> -> memref<10000x128xf32, #tpu.memory_space<vmem_shared>>
      tpu.enqueue_indirect_dma source(%arg28 : memref<80x128xf32, #tpu.memory_space<vmem>>) target(%dma_start3A_205 : memref<10000x128xf32, #tpu.memory_space<vmem_shared>>) offsets(%arg13 : memref<80xi32, #tpu.memory_space<vmem>>) semaphore(%run_scoped3A : memref<!tpu.dma_semaphore, #tpu.memory_space<semaphore_mem>>) {add = true}
      %dma_wait3A_206 = arith.constant 0 : i32
      %dma_wait3A_207 = arith.constant 0 : i32
      %dma_wait3A_208 = tpu.memref_slice %arg9[%dma_wait3A_206, %dma_wait3A_207] : memref<10000x128xf32, #tpu.memory_space<vmem_shared>> -> memref<10000x128xf32, #tpu.memory_space<vmem_shared>>
      tpu.wait_indirect_dma semaphore(%run_scoped3A : memref<!tpu.dma_semaphore, #tpu.memory_space<semaphore_mem>>) src(%arg28 : memref<80x128xf32, #tpu.memory_space<vmem>>) dst(%dma_wait3A_208 : memref<10000x128xf32, #tpu.memory_space<vmem_shared>>)
      tpu.yield
    }) : () -> ()
    %dma_wait3A_26 = arith.constant 0 : i32
    %dma_wait3A_27 = tpu.memref_slice %arg3[%dma_wait3A_26] : memref<320000xi32, #tpu.memory_space<hbm>> -> memref<80xi32, #tpu.memory_space<hbm>>
    %dma_wait3A_28 = arith.constant 0 : i32
    %dma_wait3A_29 = tpu.memref_slice %arg3[%dma_wait3A_28] : memref<320000xi32, #tpu.memory_space<hbm>> -> memref<80xi32, #tpu.memory_space<hbm>>
    tpu.wait_dma2 semaphore(%arg23 : memref<!tpu.dma_semaphore, #tpu.memory_space<semaphore_mem>>) src(%dma_wait3A_29 : memref<80xi32, #tpu.memory_space<hbm>>) dst(%arg14 : memref<80xi32, #tpu.memory_space<vmem>>)
    "tpu.region"() ({
      %run_scoped3A = tpu.sem_alloc : memref<!tpu.dma_semaphore, #tpu.memory_space<semaphore_mem>>
      %dma_start3A_203 = arith.constant 0 : i32
      %dma_start3A_204 = arith.constant 0 : i32
      %dma_start3A_205 = tpu.memref_slice %arg9[%dma_start3A_203, %dma_start3A_204] : memref<10000x128xf32, #tpu.memory_space<vmem_shared>> -> memref<10000x128xf32, #tpu.memory_space<vmem_shared>>
      tpu.enqueue_indirect_dma source(%arg28 : memref<80x128xf32, #tpu.memory_space<vmem>>) target(%dma_start3A_205 : memref<10000x128xf32, #tpu.memory_space<vmem_shared>>) offsets(%arg14 : memref<80xi32, #tpu.memory_space<vmem>>) semaphore(%run_scoped3A : memref<!tpu.dma_semaphore, #tpu.memory_space<semaphore_mem>>) {add = true}
      %dma_wait3A_206 = arith.constant 0 : i32
      %dma_wait3A_207 = arith.constant 0 : i32
      %dma_wait3A_208 = tpu.memref_slice %arg9[%dma_wait3A_206, %dma_wait3A_207] : memref<10000x128xf32, #tpu.memory_space<vmem_shared>> -> memref<10000x128xf32, #tpu.memory_space<vmem_shared>>
      tpu.wait_indirect_dma semaphore(%run_scoped3A : memref<!tpu.dma_semaphore, #tpu.memory_space<semaphore_mem>>) src(%arg28 : memref<80x128xf32, #tpu.memory_space<vmem>>) dst(%dma_wait3A_208 : memref<10000x128xf32, #tpu.memory_space<vmem_shared>>)
      tpu.yield
    }) : () -> ()
    %add3A_30 = arith.constant 9920 : i32
    %add3A_31 = arith.addi %mul3A_4, %add3A_30 : i32
    %dma_start3A_32 = tpu.memref_slice %arg3[%add3A_31] : memref<320000xi32, #tpu.memory_space<hbm>> -> memref<80xi32, #tpu.memory_space<hbm>>
    %dma_start3A_33 = tpu.memref_slice %arg3[%add3A_31] : memref<320000xi32, #tpu.memory_space<hbm>> -> memref<80xi32, #tpu.memory_space<hbm>>
    tpu.enqueue_dma source(%dma_start3A_33 : memref<80xi32, #tpu.memory_space<hbm>>) target(%arg13 : memref<80xi32, #tpu.memory_space<vmem>>) target_semaphore(%arg22 : memref<!tpu.dma_semaphore, #tpu.memory_space<semaphore_mem>>)
    %dma_wait3A_34 = arith.constant 0 : i32
    %dma_wait3A_35 = tpu.memref_slice %arg3[%dma_wait3A_34] : memref<320000xi32, #tpu.memory_space<hbm>> -> memref<80xi32, #tpu.memory_space<hbm>>
    %dma_wait3A_36 = arith.constant 0 : i32
    %dma_wait3A_37 = tpu.memref_slice %arg3[%dma_wait3A_36] : memref<320000xi32, #tpu.memory_space<hbm>> -> memref<80xi32, #tpu.memory_space<hbm>>
    tpu.wait_dma2 semaphore(%arg22 : memref<!tpu.dma_semaphore, #tpu.memory_space<semaphore_mem>>) src(%dma_wait3A_37 : memref<80xi32, #tpu.memory_space<hbm>>) dst(%arg13 : memref<80xi32, #tpu.memory_space<vmem>>)
    "tpu.region"() ({
      %run_scoped3A = tpu.sem_alloc : memref<!tpu.dma_semaphore, #tpu.memory_space<semaphore_mem>>
      %dma_start3A_203 = arith.constant 0 : i32
      %dma_start3A_204 = arith.constant 0 : i32
      %dma_start3A_205 = tpu.memref_slice %arg9[%dma_start3A_203, %dma_start3A_204] : memref<10000x128xf32, #tpu.memory_space<vmem_shared>> -> memref<10000x128xf32, #tpu.memory_space<vmem_shared>>
      tpu.enqueue_indirect_dma source(%arg28 : memref<80x128xf32, #tpu.memory_space<vmem>>) target(%dma_start3A_205 : memref<10000x128xf32, #tpu.memory_space<vmem_shared>>) offsets(%arg13 : memref<80xi32, #tpu.memory_space<vmem>>) semaphore(%run_scoped3A : memref<!tpu.dma_semaphore, #tpu.memory_space<semaphore_mem>>) {add = true}
      %dma_wait3A_206 = arith.constant 0 : i32
      %dma_wait3A_207 = arith.constant 0 : i32
      %dma_wait3A_208 = tpu.memref_slice %arg9[%dma_wait3A_206, %dma_wait3A_207] : memref<10000x128xf32, #tpu.memory_space<vmem_shared>> -> memref<10000x128xf32, #tpu.memory_space<vmem_shared>>
      tpu.wait_indirect_dma semaphore(%run_scoped3A : memref<!tpu.dma_semaphore, #tpu.memory_space<semaphore_mem>>) src(%arg28 : memref<80x128xf32, #tpu.memory_space<vmem>>) dst(%dma_wait3A_208 : memref<10000x128xf32, #tpu.memory_space<vmem_shared>>)
      tpu.yield
    }) : () -> ()
    %barrier3A_38 = arith.constant 0 : index
    tpu.barrier barrier_id(%barrier3A_38)
    %lt3A_39 = arith.constant 15 : i32
    %lt3A_40 = arith.cmpi slt, %arg1, %lt3A_39 : i32
    %convert_element_type3A_41 = arith.extui %lt3A_40 : i1 to i32
    %cond3A_42 = arith.constant 0 : i32
    %cond3A_43 = arith.cmpi ne, %convert_element_type3A_41, %cond3A_42 : i32
    scf.if %cond3A_43 {
      %mul3A_203 = arith.constant 10000 : i32
      %mul3A_204 = arith.muli %arg0, %mul3A_203 : i32
      %add3A_205 = arith.addi %mul3A_204, %mul3A_0 : i32
      "tpu.region"() ({
        %run_scoped3A = tpu.sem_alloc : memref<!tpu.dma_semaphore, #tpu.memory_space<semaphore_mem>>
        %dma_start3A_206 = arith.constant 0 : i32
        %dma_start3A_207 = tpu.memref_slice %arg8[%add3A_205, %dma_start3A_206] : memref<20000x128xf32, #tpu.memory_space<hbm>> -> memref<640x128xf32, #tpu.memory_space<hbm>>
        %dma_start3A_208 = arith.constant 0 : i32
        %dma_start3A_209 = tpu.memref_slice %arg9[%mul3A_0, %dma_start3A_208] : memref<10000x128xf32, #tpu.memory_space<vmem_shared>> -> memref<640x128xf32, #tpu.memory_space<vmem_shared>>
        tpu.enqueue_dma source(%dma_start3A_209 : memref<640x128xf32, #tpu.memory_space<vmem_shared>>) target(%dma_start3A_207 : memref<640x128xf32, #tpu.memory_space<hbm>>) target_semaphore(%run_scoped3A : memref<!tpu.dma_semaphore, #tpu.memory_space<semaphore_mem>>)
        %dma_wait3A_210 = arith.constant 0 : i32
        %dma_wait3A_211 = tpu.memref_slice %arg8[%add3A_205, %dma_wait3A_210] : memref<20000x128xf32, #tpu.memory_space<hbm>> -> memref<640x128xf32, #tpu.memory_space<hbm>>
        %dma_wait3A_212 = arith.constant 0 : i32
        %dma_wait3A_213 = tpu.memref_slice %arg9[%mul3A_0, %dma_wait3A_212] : memref<10000x128xf32, #tpu.memory_space<vmem_shared>> -> memref<640x128xf32, #tpu.memory_space<vmem_shared>>
        tpu.wait_dma2 semaphore(%run_scoped3A : memref<!tpu.dma_semaphore, #tpu.memory_space<semaphore_mem>>) src(%dma_wait3A_213 : memref<640x128xf32, #tpu.memory_space<vmem_shared>>) dst(%dma_wait3A_211 : memref<640x128xf32, #tpu.memory_space<hbm>>)
        tpu.yield
      }) : () -> ()
    } else {
    }
    %eq3A_44 = arith.constant 15 : i32
    %eq3A_45 = arith.cmpi eq, %arg1, %eq3A_44 : i32
    %convert_element_type3A_46 = arith.extui %eq3A_45 : i1 to i32
    %cond3A_47 = arith.constant 0 : i32
    %cond3A_48 = arith.cmpi ne, %convert_element_type3A_46, %cond3A_47 : i32
    scf.if %cond3A_48 {
      %mul3A_203 = arith.constant 10000 : i32
      %mul3A_204 = arith.muli %arg0, %mul3A_203 : i32
      %add3A_205 = arith.addi %mul3A_204, %mul3A_0 : i32
      "tpu.region"() ({
        %run_scoped3A = tpu.sem_alloc : memref<!tpu.dma_semaphore, #tpu.memory_space<semaphore_mem>>
        %dma_start3A_206 = arith.constant 0 : i32
        %dma_start3A_207 = tpu.memref_slice %arg8[%add3A_205, %dma_start3A_206] : memref<20000x128xf32, #tpu.memory_space<hbm>> -> memref<400x128xf32, #tpu.memory_space<hbm>>
        %dma_start3A_208 = arith.constant 0 : i32
        %dma_start3A_209 = tpu.memref_slice %arg9[%mul3A_0, %dma_start3A_208] : memref<10000x128xf32, #tpu.memory_space<vmem_shared>> -> memref<400x128xf32, #tpu.memory_space<vmem_shared>>
        tpu.enqueue_dma source(%dma_start3A_209 : memref<400x128xf32, #tpu.memory_space<vmem_shared>>) target(%dma_start3A_207 : memref<400x128xf32, #tpu.memory_space<hbm>>) target_semaphore(%run_scoped3A : memref<!tpu.dma_semaphore, #tpu.memory_space<semaphore_mem>>)
        %dma_wait3A_210 = arith.constant 0 : i32
        %dma_wait3A_211 = tpu.memref_slice %arg8[%add3A_205, %dma_wait3A_210] : memref<20000x128xf32, #tpu.memory_space<hbm>> -> memref<400x128xf32, #tpu.memory_space<hbm>>
        %dma_wait3A_212 = arith.constant 0 : i32
        %dma_wait3A_213 = tpu.memref_slice %arg9[%mul3A_0, %dma_wait3A_212] : memref<10000x128xf32, #tpu.memory_space<vmem_shared>> -> memref<400x128xf32, #tpu.memory_space<vmem_shared>>
        tpu.wait_dma2 semaphore(%run_scoped3A : memref<!tpu.dma_semaphore, #tpu.memory_space<semaphore_mem>>) src(%dma_wait3A_213 : memref<400x128xf32, #tpu.memory_space<vmem_shared>>) dst(%dma_wait3A_211 : memref<400x128xf32, #tpu.memory_space<hbm>>)
        tpu.yield
      }) : () -> ()
    } else {
    }
    %barrier3A_49 = arith.constant 0 : index
    tpu.barrier barrier_id(%barrier3A_49)
    %lt3A_50 = arith.constant 15 : i32
    %lt3A_51 = arith.cmpi slt, %arg1, %lt3A_50 : i32
    %convert_element_type3A_52 = arith.extui %lt3A_51 : i1 to i32
    %cond3A_53 = arith.constant 0 : i32
    %cond3A_54 = arith.cmpi ne, %convert_element_type3A_52, %cond3A_53 : i32
    scf.if %cond3A_54 {
      "tpu.region"() ({
        %run_scoped3A = tpu.sem_alloc : memref<!tpu.dma_semaphore, #tpu.memory_space<semaphore_mem>>
        %dma_start3A_203 = arith.constant 0 : i32
        %dma_start3A_204 = tpu.memref_slice %arg9[%mul3A_0, %dma_start3A_203] : memref<10000x128xf32, #tpu.memory_space<vmem_shared>> -> memref<640x128xf32, #tpu.memory_space<vmem_shared>>
        %dma_start3A_205 = arith.constant 0 : i32
        %dma_start3A_206 = tpu.memref_slice %arg5[%mul3A_0, %dma_start3A_205] : memref<10000x128xf32, #tpu.memory_space<hbm>> -> memref<640x128xf32, #tpu.memory_space<hbm>>
        tpu.enqueue_dma source(%dma_start3A_206 : memref<640x128xf32, #tpu.memory_space<hbm>>) target(%dma_start3A_204 : memref<640x128xf32, #tpu.memory_space<vmem_shared>>) target_semaphore(%run_scoped3A : memref<!tpu.dma_semaphore, #tpu.memory_space<semaphore_mem>>)
        %dma_wait3A_207 = arith.constant 0 : i32
        %dma_wait3A_208 = tpu.memref_slice %arg9[%mul3A_0, %dma_wait3A_207] : memref<10000x128xf32, #tpu.memory_space<vmem_shared>> -> memref<640x128xf32, #tpu.memory_space<vmem_shared>>
        %dma_wait3A_209 = arith.constant 0 : i32
        %dma_wait3A_210 = tpu.memref_slice %arg5[%mul3A_0, %dma_wait3A_209] : memref<10000x128xf32, #tpu.memory_space<hbm>> -> memref<640x128xf32, #tpu.memory_space<hbm>>
        tpu.wait_dma2 semaphore(%run_scoped3A : memref<!tpu.dma_semaphore, #tpu.memory_space<semaphore_mem>>) src(%dma_wait3A_210 : memref<640x128xf32, #tpu.memory_space<hbm>>) dst(%dma_wait3A_208 : memref<640x128xf32, #tpu.memory_space<vmem_shared>>)
        tpu.yield
      }) : () -> ()
    } else {
    }
    %eq3A_55 = arith.constant 15 : i32
    %eq3A_56 = arith.cmpi eq, %arg1, %eq3A_55 : i32
    %convert_element_type3A_57 = arith.extui %eq3A_56 : i1 to i32
    %cond3A_58 = arith.constant 0 : i32
    %cond3A_59 = arith.cmpi ne, %convert_element_type3A_57, %cond3A_58 : i32
    scf.if %cond3A_59 {
      "tpu.region"() ({
        %run_scoped3A = tpu.sem_alloc : memref<!tpu.dma_semaphore, #tpu.memory_space<semaphore_mem>>
        %dma_start3A_203 = arith.constant 0 : i32
        %dma_start3A_204 = tpu.memref_slice %arg9[%mul3A_0, %dma_start3A_203] : memref<10000x128xf32, #tpu.memory_space<vmem_shared>> -> memref<400x128xf32, #tpu.memory_space<vmem_shared>>
        %dma_start3A_205 = arith.constant 0 : i32
        %dma_start3A_206 = tpu.memref_slice %arg5[%mul3A_0, %dma_start3A_205] : memref<10000x128xf32, #tpu.memory_space<hbm>> -> memref<400x128xf32, #tpu.memory_space<hbm>>
        tpu.enqueue_dma source(%dma_start3A_206 : memref<400x128xf32, #tpu.memory_space<hbm>>) target(%dma_start3A_204 : memref<400x128xf32, #tpu.memory_space<vmem_shared>>) target_semaphore(%run_scoped3A : memref<!tpu.dma_semaphore, #tpu.memory_space<semaphore_mem>>)
        %dma_wait3A_207 = arith.constant 0 : i32
        %dma_wait3A_208 = tpu.memref_slice %arg9[%mul3A_0, %dma_wait3A_207] : memref<10000x128xf32, #tpu.memory_space<vmem_shared>> -> memref<400x128xf32, #tpu.memory_space<vmem_shared>>
        %dma_wait3A_209 = arith.constant 0 : i32
        %dma_wait3A_210 = tpu.memref_slice %arg5[%mul3A_0, %dma_wait3A_209] : memref<10000x128xf32, #tpu.memory_space<hbm>> -> memref<400x128xf32, #tpu.memory_space<hbm>>
        tpu.wait_dma2 semaphore(%run_scoped3A : memref<!tpu.dma_semaphore, #tpu.memory_space<semaphore_mem>>) src(%dma_wait3A_210 : memref<400x128xf32, #tpu.memory_space<hbm>>) dst(%dma_wait3A_208 : memref<400x128xf32, #tpu.memory_space<vmem_shared>>)
        tpu.yield
      }) : () -> ()
    } else {
    }
    %barrier3A_60 = arith.constant 0 : index
    tpu.barrier barrier_id(%barrier3A_60)
    %add3A_61 = arith.constant 0 : i32
    %add3A_62 = arith.addi %mul3A_4, %add3A_61 : i32
    %dma_start3A_63 = tpu.memref_slice %arg2[%add3A_62] : memref<320000xi32, #tpu.memory_space<hbm>> -> memref<80xi32, #tpu.memory_space<hbm>>
    %dma_start3A_64 = tpu.memref_slice %arg2[%add3A_62] : memref<320000xi32, #tpu.memory_space<hbm>> -> memref<80xi32, #tpu.memory_space<hbm>>
    tpu.enqueue_dma source(%dma_start3A_64 : memref<80xi32, #tpu.memory_space<hbm>>) target(%arg10 : memref<80xi32, #tpu.memory_space<vmem>>) target_semaphore(%arg19 : memref<!tpu.dma_semaphore, #tpu.memory_space<semaphore_mem>>)
    %add3A_65 = arith.constant 0 : i32
    %add3A_66 = arith.addi %mul3A_4, %add3A_65 : i32
    %dma_start3A_67 = tpu.memref_slice %arg3[%add3A_66] : memref<320000xi32, #tpu.memory_space<hbm>> -> memref<80xi32, #tpu.memory_space<hbm>>
    %dma_start3A_68 = tpu.memref_slice %arg3[%add3A_66] : memref<320000xi32, #tpu.memory_space<hbm>> -> memref<80xi32, #tpu.memory_space<hbm>>
    tpu.enqueue_dma source(%dma_start3A_68 : memref<80xi32, #tpu.memory_space<hbm>>) target(%arg13 : memref<80xi32, #tpu.memory_space<vmem>>) target_semaphore(%arg22 : memref<!tpu.dma_semaphore, #tpu.memory_space<semaphore_mem>>)
    %add3A_69 = arith.constant 80 : i32
    %add3A_70 = arith.addi %mul3A_4, %add3A_69 : i32
    %dma_start3A_71 = tpu.memref_slice %arg2[%add3A_70] : memref<320000xi32, #tpu.memory_space<hbm>> -> memref<80xi32, #tpu.memory_space<hbm>>
    %dma_start3A_72 = tpu.memref_slice %arg2[%add3A_70] : memref<320000xi32, #tpu.memory_space<hbm>> -> memref<80xi32, #tpu.memory_space<hbm>>
    tpu.enqueue_dma source(%dma_start3A_72 : memref<80xi32, #tpu.memory_space<hbm>>) target(%arg11 : memref<80xi32, #tpu.memory_space<vmem>>) target_semaphore(%arg20 : memref<!tpu.dma_semaphore, #tpu.memory_space<semaphore_mem>>)
    %add3A_73 = arith.constant 80 : i32
    %add3A_74 = arith.addi %mul3A_4, %add3A_73 : i32
    %dma_start3A_75 = tpu.memref_slice %arg3[%add3A_74] : memref<320000xi32, #tpu.memory_space<hbm>> -> memref<80xi32, #tpu.memory_space<hbm>>
    %dma_start3A_76 = tpu.memref_slice %arg3[%add3A_74] : memref<320000xi32, #tpu.memory_space<hbm>> -> memref<80xi32, #tpu.memory_space<hbm>>
    tpu.enqueue_dma source(%dma_start3A_76 : memref<80xi32, #tpu.memory_space<hbm>>) target(%arg14 : memref<80xi32, #tpu.memory_space<vmem>>) target_semaphore(%arg23 : memref<!tpu.dma_semaphore, #tpu.memory_space<semaphore_mem>>)
    %add3A_77 = arith.constant 160 : i32
    %add3A_78 = arith.addi %mul3A_4, %add3A_77 : i32
    %dma_start3A_79 = tpu.memref_slice %arg2[%add3A_78] : memref<320000xi32, #tpu.memory_space<hbm>> -> memref<80xi32, #tpu.memory_space<hbm>>
    %dma_start3A_80 = tpu.memref_slice %arg2[%add3A_78] : memref<320000xi32, #tpu.memory_space<hbm>> -> memref<80xi32, #tpu.memory_space<hbm>>
    tpu.enqueue_dma source(%dma_start3A_80 : memref<80xi32, #tpu.memory_space<hbm>>) target(%arg12 : memref<80xi32, #tpu.memory_space<vmem>>) target_semaphore(%arg21 : memref<!tpu.dma_semaphore, #tpu.memory_space<semaphore_mem>>)
    %add3A_81 = arith.constant 160 : i32
    %add3A_82 = arith.addi %mul3A_4, %add3A_81 : i32
    %dma_start3A_83 = tpu.memref_slice %arg3[%add3A_82] : memref<320000xi32, #tpu.memory_space<hbm>> -> memref<80xi32, #tpu.memory_space<hbm>>
    %dma_start3A_84 = tpu.memref_slice %arg3[%add3A_82] : memref<320000xi32, #tpu.memory_space<hbm>> -> memref<80xi32, #tpu.memory_space<hbm>>
    tpu.enqueue_dma source(%dma_start3A_84 : memref<80xi32, #tpu.memory_space<hbm>>) target(%arg15 : memref<80xi32, #tpu.memory_space<vmem>>) target_semaphore(%arg24 : memref<!tpu.dma_semaphore, #tpu.memory_space<semaphore_mem>>)
    %dma_wait3A_85 = arith.constant 0 : i32
    %dma_wait3A_86 = tpu.memref_slice %arg2[%dma_wait3A_85] : memref<320000xi32, #tpu.memory_space<hbm>> -> memref<80xi32, #tpu.memory_space<hbm>>
    %dma_wait3A_87 = arith.constant 0 : i32
    %dma_wait3A_88 = tpu.memref_slice %arg2[%dma_wait3A_87] : memref<320000xi32, #tpu.memory_space<hbm>> -> memref<80xi32, #tpu.memory_space<hbm>>
    tpu.wait_dma2 semaphore(%arg19 : memref<!tpu.dma_semaphore, #tpu.memory_space<semaphore_mem>>) src(%dma_wait3A_88 : memref<80xi32, #tpu.memory_space<hbm>>) dst(%arg10 : memref<80xi32, #tpu.memory_space<vmem>>)
    %dma_start3A_89 = arith.constant 0 : i32
    %dma_start3A_90 = arith.constant 0 : i32
    %dma_start3A_91 = tpu.memref_slice %arg4[%dma_start3A_89, %dma_start3A_90] : memref<10000x128xf32, #tpu.memory_space<hbm>> -> memref<10000x128xf32, #tpu.memory_space<hbm>>
    tpu.enqueue_indirect_dma source(%dma_start3A_91 : memref<10000x128xf32, #tpu.memory_space<hbm>>) target(%arg16 : memref<80x128xf32, #tpu.memory_space<vmem>>) offsets(%arg10 : memref<80xi32, #tpu.memory_space<vmem>>) semaphore(%arg25 : memref<!tpu.dma_semaphore, #tpu.memory_space<semaphore_mem>>)
    %scan3A_92 = arith.constant 0 : i32
    %scan3A_93 = arith.constant 0 : i32
    %scan3A_94 = arith.constant 40 : i32
    %scan3A_95 = arith.addi %scan3A_93, %scan3A_94 : i32
    %scan3A_96 = arith.constant 1 : i32
    scf.for %scan3A_203 = %scan3A_93 to %scan3A_95 step %scan3A_96  : i32 {
      %mul3A_204 = arith.constant 3 : i32
      %mul3A_205 = arith.muli %mul3A_204, %scan3A_203 : i32
      %dma_wait3A_206 = arith.constant 0 : i32
      %dma_wait3A_207 = tpu.memref_slice %arg2[%dma_wait3A_206] : memref<320000xi32, #tpu.memory_space<hbm>> -> memref<80xi32, #tpu.memory_space<hbm>>
      %dma_wait3A_208 = arith.constant 0 : i32
      %dma_wait3A_209 = tpu.memref_slice %arg2[%dma_wait3A_208] : memref<320000xi32, #tpu.memory_space<hbm>> -> memref<80xi32, #tpu.memory_space<hbm>>
      tpu.wait_dma2 semaphore(%arg20 : memref<!tpu.dma_semaphore, #tpu.memory_space<semaphore_mem>>) src(%dma_wait3A_209 : memref<80xi32, #tpu.memory_space<hbm>>) dst(%arg11 : memref<80xi32, #tpu.memory_space<vmem>>)
      %dma_start3A_210 = arith.constant 0 : i32
      %dma_start3A_211 = arith.constant 0 : i32
      %dma_start3A_212 = tpu.memref_slice %arg4[%dma_start3A_210, %dma_start3A_211] : memref<10000x128xf32, #tpu.memory_space<hbm>> -> memref<10000x128xf32, #tpu.memory_space<hbm>>
      tpu.enqueue_indirect_dma source(%dma_start3A_212 : memref<10000x128xf32, #tpu.memory_space<hbm>>) target(%arg17 : memref<80x128xf32, #tpu.memory_space<vmem>>) offsets(%arg11 : memref<80xi32, #tpu.memory_space<vmem>>) semaphore(%arg26 : memref<!tpu.dma_semaphore, #tpu.memory_space<semaphore_mem>>)
      %dma_wait3A_213 = arith.constant 0 : i32
      %dma_wait3A_214 = arith.constant 0 : i32
      %dma_wait3A_215 = tpu.memref_slice %arg5[%dma_wait3A_213, %dma_wait3A_214] : memref<10000x128xf32, #tpu.memory_space<hbm>> -> memref<80x128xf32, #tpu.memory_space<hbm>>
      %dma_wait3A_216 = arith.constant 0 : i32
      %dma_wait3A_217 = arith.constant 0 : i32
      %dma_wait3A_218 = tpu.memref_slice %arg5[%dma_wait3A_216, %dma_wait3A_217] : memref<10000x128xf32, #tpu.memory_space<hbm>> -> memref<80x128xf32, #tpu.memory_space<hbm>>
      tpu.wait_dma2 semaphore(%arg25 : memref<!tpu.dma_semaphore, #tpu.memory_space<semaphore_mem>>) src(%dma_wait3A_218 : memref<80x128xf32, #tpu.memory_space<hbm>>) dst(%arg16 : memref<80x128xf32, #tpu.memory_space<vmem>>)
      %dma_wait3A_219 = arith.constant 0 : i32
      %dma_wait3A_220 = tpu.memref_slice %arg3[%dma_wait3A_219] : memref<320000xi32, #tpu.memory_space<hbm>> -> memref<80xi32, #tpu.memory_space<hbm>>
      %dma_wait3A_221 = arith.constant 0 : i32
      %dma_wait3A_222 = tpu.memref_slice %arg3[%dma_wait3A_221] : memref<320000xi32, #tpu.memory_space<hbm>> -> memref<80xi32, #tpu.memory_space<hbm>>
      tpu.wait_dma2 semaphore(%arg22 : memref<!tpu.dma_semaphore, #tpu.memory_space<semaphore_mem>>) src(%dma_wait3A_222 : memref<80xi32, #tpu.memory_space<hbm>>) dst(%arg13 : memref<80xi32, #tpu.memory_space<vmem>>)
      "tpu.region"() ({
        %run_scoped3A = tpu.sem_alloc : memref<!tpu.dma_semaphore, #tpu.memory_space<semaphore_mem>>
        %dma_start3A_293 = arith.constant 0 : i32
        %dma_start3A_294 = arith.constant 0 : i32
        %dma_start3A_295 = tpu.memref_slice %arg9[%dma_start3A_293, %dma_start3A_294] : memref<10000x128xf32, #tpu.memory_space<vmem_shared>> -> memref<10000x128xf32, #tpu.memory_space<vmem_shared>>
        tpu.enqueue_indirect_dma source(%arg16 : memref<80x128xf32, #tpu.memory_space<vmem>>) target(%dma_start3A_295 : memref<10000x128xf32, #tpu.memory_space<vmem_shared>>) offsets(%arg13 : memref<80xi32, #tpu.memory_space<vmem>>) semaphore(%run_scoped3A : memref<!tpu.dma_semaphore, #tpu.memory_space<semaphore_mem>>) {add = true}
        %dma_wait3A_296 = arith.constant 0 : i32
        %dma_wait3A_297 = arith.constant 0 : i32
        %dma_wait3A_298 = tpu.memref_slice %arg9[%dma_wait3A_296, %dma_wait3A_297] : memref<10000x128xf32, #tpu.memory_space<vmem_shared>> -> memref<10000x128xf32, #tpu.memory_space<vmem_shared>>
        tpu.wait_indirect_dma semaphore(%run_scoped3A : memref<!tpu.dma_semaphore, #tpu.memory_space<semaphore_mem>>) src(%arg16 : memref<80x128xf32, #tpu.memory_space<vmem>>) dst(%dma_wait3A_298 : memref<10000x128xf32, #tpu.memory_space<vmem_shared>>)
        tpu.yield
      }) : () -> ()
      %add3A_223 = arith.constant 3 : i32
      %add3A_224 = arith.addi %mul3A_205, %add3A_223 : i32
      %mul3A_225 = arith.constant 80 : i32
      %mul3A_226 = arith.muli %add3A_224, %mul3A_225 : i32
      %add3A_227 = arith.addi %mul3A_4, %mul3A_226 : i32
      %dma_start3A_228 = tpu.memref_slice %arg2[%add3A_227] : memref<320000xi32, #tpu.memory_space<hbm>> -> memref<80xi32, #tpu.memory_space<hbm>>
      %dma_start3A_229 = tpu.memref_slice %arg2[%add3A_227] : memref<320000xi32, #tpu.memory_space<hbm>> -> memref<80xi32, #tpu.memory_space<hbm>>
      tpu.enqueue_dma source(%dma_start3A_229 : memref<80xi32, #tpu.memory_space<hbm>>) target(%arg10 : memref<80xi32, #tpu.memory_space<vmem>>) target_semaphore(%arg19 : memref<!tpu.dma_semaphore, #tpu.memory_space<semaphore_mem>>)
      %mul3A_230 = arith.constant 80 : i32
      %mul3A_231 = arith.muli %add3A_224, %mul3A_230 : i32
      %add3A_232 = arith.addi %mul3A_4, %mul3A_231 : i32
      %dma_start3A_233 = tpu.memref_slice %arg3[%add3A_232] : memref<320000xi32, #tpu.memory_space<hbm>> -> memref<80xi32, #tpu.memory_space<hbm>>
      %dma_start3A_234 = tpu.memref_slice %arg3[%add3A_232] : memref<320000xi32, #tpu.memory_space<hbm>> -> memref<80xi32, #tpu.memory_space<hbm>>
      tpu.enqueue_dma source(%dma_start3A_234 : memref<80xi32, #tpu.memory_space<hbm>>) target(%arg13 : memref<80xi32, #tpu.memory_space<vmem>>) target_semaphore(%arg22 : memref<!tpu.dma_semaphore, #tpu.memory_space<semaphore_mem>>)
      %dma_wait3A_235 = arith.constant 0 : i32
      %dma_wait3A_236 = tpu.memref_slice %arg2[%dma_wait3A_235] : memref<320000xi32, #tpu.memory_space<hbm>> -> memref<80xi32, #tpu.memory_space<hbm>>
      %dma_wait3A_237 = arith.constant 0 : i32
      %dma_wait3A_238 = tpu.memref_slice %arg2[%dma_wait3A_237] : memref<320000xi32, #tpu.memory_space<hbm>> -> memref<80xi32, #tpu.memory_space<hbm>>
      tpu.wait_dma2 semaphore(%arg21 : memref<!tpu.dma_semaphore, #tpu.memory_space<semaphore_mem>>) src(%dma_wait3A_238 : memref<80xi32, #tpu.memory_space<hbm>>) dst(%arg12 : memref<80xi32, #tpu.memory_space<vmem>>)
      %dma_start3A_239 = arith.constant 0 : i32
      %dma_start3A_240 = arith.constant 0 : i32
      %dma_start3A_241 = tpu.memref_slice %arg4[%dma_start3A_239, %dma_start3A_240] : memref<10000x128xf32, #tpu.memory_space<hbm>> -> memref<10000x128xf32, #tpu.memory_space<hbm>>
      tpu.enqueue_indirect_dma source(%dma_start3A_241 : memref<10000x128xf32, #tpu.memory_space<hbm>>) target(%arg18 : memref<80x128xf32, #tpu.memory_space<vmem>>) offsets(%arg12 : memref<80xi32, #tpu.memory_space<vmem>>) semaphore(%arg27 : memref<!tpu.dma_semaphore, #tpu.memory_space<semaphore_mem>>)
      %dma_wait3A_242 = arith.constant 0 : i32
      %dma_wait3A_243 = arith.constant 0 : i32
      %dma_wait3A_244 = tpu.memref_slice %arg5[%dma_wait3A_242, %dma_wait3A_243] : memref<10000x128xf32, #tpu.memory_space<hbm>> -> memref<80x128xf32, #tpu.memory_space<hbm>>
      %dma_wait3A_245 = arith.constant 0 : i32
      %dma_wait3A_246 = arith.constant 0 : i32
      %dma_wait3A_247 = tpu.memref_slice %arg5[%dma_wait3A_245, %dma_wait3A_246] : memref<10000x128xf32, #tpu.memory_space<hbm>> -> memref<80x128xf32, #tpu.memory_space<hbm>>
      tpu.wait_dma2 semaphore(%arg26 : memref<!tpu.dma_semaphore, #tpu.memory_space<semaphore_mem>>) src(%dma_wait3A_247 : memref<80x128xf32, #tpu.memory_space<hbm>>) dst(%arg17 : memref<80x128xf32, #tpu.memory_space<vmem>>)
      %dma_wait3A_248 = arith.constant 0 : i32
      %dma_wait3A_249 = tpu.memref_slice %arg3[%dma_wait3A_248] : memref<320000xi32, #tpu.memory_space<hbm>> -> memref<80xi32, #tpu.memory_space<hbm>>
      %dma_wait3A_250 = arith.constant 0 : i32
      %dma_wait3A_251 = tpu.memref_slice %arg3[%dma_wait3A_250] : memref<320000xi32, #tpu.memory_space<hbm>> -> memref<80xi32, #tpu.memory_space<hbm>>
      tpu.wait_dma2 semaphore(%arg23 : memref<!tpu.dma_semaphore, #tpu.memory_space<semaphore_mem>>) src(%dma_wait3A_251 : memref<80xi32, #tpu.memory_space<hbm>>) dst(%arg14 : memref<80xi32, #tpu.memory_space<vmem>>)
      "tpu.region"() ({
        %run_scoped3A = tpu.sem_alloc : memref<!tpu.dma_semaphore, #tpu.memory_space<semaphore_mem>>
        %dma_start3A_293 = arith.constant 0 : i32
        %dma_start3A_294 = arith.constant 0 : i32
        %dma_start3A_295 = tpu.memref_slice %arg9[%dma_start3A_293, %dma_start3A_294] : memref<10000x128xf32, #tpu.memory_space<vmem_shared>> -> memref<10000x128xf32, #tpu.memory_space<vmem_shared>>
        tpu.enqueue_indirect_dma source(%arg17 : memref<80x128xf32, #tpu.memory_space<vmem>>) target(%dma_start3A_295 : memref<10000x128xf32, #tpu.memory_space<vmem_shared>>) offsets(%arg14 : memref<80xi32, #tpu.memory_space<vmem>>) semaphore(%run_scoped3A : memref<!tpu.dma_semaphore, #tpu.memory_space<semaphore_mem>>) {add = true}
        %dma_wait3A_296 = arith.constant 0 : i32
        %dma_wait3A_297 = arith.constant 0 : i32
        %dma_wait3A_298 = tpu.memref_slice %arg9[%dma_wait3A_296, %dma_wait3A_297] : memref<10000x128xf32, #tpu.memory_space<vmem_shared>> -> memref<10000x128xf32, #tpu.memory_space<vmem_shared>>
        tpu.wait_indirect_dma semaphore(%run_scoped3A : memref<!tpu.dma_semaphore, #tpu.memory_space<semaphore_mem>>) src(%arg17 : memref<80x128xf32, #tpu.memory_space<vmem>>) dst(%dma_wait3A_298 : memref<10000x128xf32, #tpu.memory_space<vmem_shared>>)
        tpu.yield
      }) : () -> ()
      %add3A_252 = arith.constant 4 : i32
      %add3A_253 = arith.addi %mul3A_205, %add3A_252 : i32
      %mul3A_254 = arith.constant 80 : i32
      %mul3A_255 = arith.muli %add3A_253, %mul3A_254 : i32
      %add3A_256 = arith.addi %mul3A_4, %mul3A_255 : i32
      %dma_start3A_257 = tpu.memref_slice %arg2[%add3A_256] : memref<320000xi32, #tpu.memory_space<hbm>> -> memref<80xi32, #tpu.memory_space<hbm>>
      %dma_start3A_258 = tpu.memref_slice %arg2[%add3A_256] : memref<320000xi32, #tpu.memory_space<hbm>> -> memref<80xi32, #tpu.memory_space<hbm>>
      tpu.enqueue_dma source(%dma_start3A_258 : memref<80xi32, #tpu.memory_space<hbm>>) target(%arg11 : memref<80xi32, #tpu.memory_space<vmem>>) target_semaphore(%arg20 : memref<!tpu.dma_semaphore, #tpu.memory_space<semaphore_mem>>)
      %mul3A_259 = arith.constant 80 : i32
      %mul3A_260 = arith.muli %add3A_253, %mul3A_259 : i32
      %add3A_261 = arith.addi %mul3A_4, %mul3A_260 : i32
      %dma_start3A_262 = tpu.memref_slice %arg3[%add3A_261] : memref<320000xi32, #tpu.memory_space<hbm>> -> memref<80xi32, #tpu.memory_space<hbm>>
      %dma_start3A_263 = tpu.memref_slice %arg3[%add3A_261] : memref<320000xi32, #tpu.memory_space<hbm>> -> memref<80xi32, #tpu.memory_space<hbm>>
      tpu.enqueue_dma source(%dma_start3A_263 : memref<80xi32, #tpu.memory_space<hbm>>) target(%arg14 : memref<80xi32, #tpu.memory_space<vmem>>) target_semaphore(%arg23 : memref<!tpu.dma_semaphore, #tpu.memory_space<semaphore_mem>>)
      %dma_wait3A_264 = arith.constant 0 : i32
      %dma_wait3A_265 = tpu.memref_slice %arg2[%dma_wait3A_264] : memref<320000xi32, #tpu.memory_space<hbm>> -> memref<80xi32, #tpu.memory_space<hbm>>
      %dma_wait3A_266 = arith.constant 0 : i32
      %dma_wait3A_267 = tpu.memref_slice %arg2[%dma_wait3A_266] : memref<320000xi32, #tpu.memory_space<hbm>> -> memref<80xi32, #tpu.memory_space<hbm>>
      tpu.wait_dma2 semaphore(%arg19 : memref<!tpu.dma_semaphore, #tpu.memory_space<semaphore_mem>>) src(%dma_wait3A_267 : memref<80xi32, #tpu.memory_space<hbm>>) dst(%arg10 : memref<80xi32, #tpu.memory_space<vmem>>)
      %dma_start3A_268 = arith.constant 0 : i32
      %dma_start3A_269 = arith.constant 0 : i32
      %dma_start3A_270 = tpu.memref_slice %arg4[%dma_start3A_268, %dma_start3A_269] : memref<10000x128xf32, #tpu.memory_space<hbm>> -> memref<10000x128xf32, #tpu.memory_space<hbm>>
      tpu.enqueue_indirect_dma source(%dma_start3A_270 : memref<10000x128xf32, #tpu.memory_space<hbm>>) target(%arg16 : memref<80x128xf32, #tpu.memory_space<vmem>>) offsets(%arg10 : memref<80xi32, #tpu.memory_space<vmem>>) semaphore(%arg25 : memref<!tpu.dma_semaphore, #tpu.memory_space<semaphore_mem>>)
      %dma_wait3A_271 = arith.constant 0 : i32
      %dma_wait3A_272 = arith.constant 0 : i32
      %dma_wait3A_273 = tpu.memref_slice %arg5[%dma_wait3A_271, %dma_wait3A_272] : memref<10000x128xf32, #tpu.memory_space<hbm>> -> memref<80x128xf32, #tpu.memory_space<hbm>>
      %dma_wait3A_274 = arith.constant 0 : i32
      %dma_wait3A_275 = arith.constant 0 : i32
      %dma_wait3A_276 = tpu.memref_slice %arg5[%dma_wait3A_274, %dma_wait3A_275] : memref<10000x128xf32, #tpu.memory_space<hbm>> -> memref<80x128xf32, #tpu.memory_space<hbm>>
      tpu.wait_dma2 semaphore(%arg27 : memref<!tpu.dma_semaphore, #tpu.memory_space<semaphore_mem>>) src(%dma_wait3A_276 : memref<80x128xf32, #tpu.memory_space<hbm>>) dst(%arg18 : memref<80x128xf32, #tpu.memory_space<vmem>>)
      %dma_wait3A_277 = arith.constant 0 : i32
      %dma_wait3A_278 = tpu.memref_slice %arg3[%dma_wait3A_277] : memref<320000xi32, #tpu.memory_space<hbm>> -> memref<80xi32, #tpu.memory_space<hbm>>
      %dma_wait3A_279 = arith.constant 0 : i32
      %dma_wait3A_280 = tpu.memref_slice %arg3[%dma_wait3A_279] : memref<320000xi32, #tpu.memory_space<hbm>> -> memref<80xi32, #tpu.memory_space<hbm>>
      tpu.wait_dma2 semaphore(%arg24 : memref<!tpu.dma_semaphore, #tpu.memory_space<semaphore_mem>>) src(%dma_wait3A_280 : memref<80xi32, #tpu.memory_space<hbm>>) dst(%arg15 : memref<80xi32, #tpu.memory_space<vmem>>)
      "tpu.region"() ({
        %run_scoped3A = tpu.sem_alloc : memref<!tpu.dma_semaphore, #tpu.memory_space<semaphore_mem>>
        %dma_start3A_293 = arith.constant 0 : i32
        %dma_start3A_294 = arith.constant 0 : i32
        %dma_start3A_295 = tpu.memref_slice %arg9[%dma_start3A_293, %dma_start3A_294] : memref<10000x128xf32, #tpu.memory_space<vmem_shared>> -> memref<10000x128xf32, #tpu.memory_space<vmem_shared>>
        tpu.enqueue_indirect_dma source(%arg18 : memref<80x128xf32, #tpu.memory_space<vmem>>) target(%dma_start3A_295 : memref<10000x128xf32, #tpu.memory_space<vmem_shared>>) offsets(%arg15 : memref<80xi32, #tpu.memory_space<vmem>>) semaphore(%run_scoped3A : memref<!tpu.dma_semaphore, #tpu.memory_space<semaphore_mem>>) {add = true}
        %dma_wait3A_296 = arith.constant 0 : i32
        %dma_wait3A_297 = arith.constant 0 : i32
        %dma_wait3A_298 = tpu.memref_slice %arg9[%dma_wait3A_296, %dma_wait3A_297] : memref<10000x128xf32, #tpu.memory_space<vmem_shared>> -> memref<10000x128xf32, #tpu.memory_space<vmem_shared>>
        tpu.wait_indirect_dma semaphore(%run_scoped3A : memref<!tpu.dma_semaphore, #tpu.memory_space<semaphore_mem>>) src(%arg18 : memref<80x128xf32, #tpu.memory_space<vmem>>) dst(%dma_wait3A_298 : memref<10000x128xf32, #tpu.memory_space<vmem_shared>>)
        tpu.yield
      }) : () -> ()
      %add3A_281 = arith.constant 5 : i32
      %add3A_282 = arith.addi %mul3A_205, %add3A_281 : i32
      %mul3A_283 = arith.constant 80 : i32
      %mul3A_284 = arith.muli %add3A_282, %mul3A_283 : i32
      %add3A_285 = arith.addi %mul3A_4, %mul3A_284 : i32
      %dma_start3A_286 = tpu.memref_slice %arg2[%add3A_285] : memref<320000xi32, #tpu.memory_space<hbm>> -> memref<80xi32, #tpu.memory_space<hbm>>
      %dma_start3A_287 = tpu.memref_slice %arg2[%add3A_285] : memref<320000xi32, #tpu.memory_space<hbm>> -> memref<80xi32, #tpu.memory_space<hbm>>
      tpu.enqueue_dma source(%dma_start3A_287 : memref<80xi32, #tpu.memory_space<hbm>>) target(%arg12 : memref<80xi32, #tpu.memory_space<vmem>>) target_semaphore(%arg21 : memref<!tpu.dma_semaphore, #tpu.memory_space<semaphore_mem>>)
      %mul3A_288 = arith.constant 80 : i32
      %mul3A_289 = arith.muli %add3A_282, %mul3A_288 : i32
      %add3A_290 = arith.addi %mul3A_4, %mul3A_289 : i32
      %dma_start3A_291 = tpu.memref_slice %arg3[%add3A_290] : memref<320000xi32, #tpu.memory_space<hbm>> -> memref<80xi32, #tpu.memory_space<hbm>>
      %dma_start3A_292 = tpu.memref_slice %arg3[%add3A_290] : memref<320000xi32, #tpu.memory_space<hbm>> -> memref<80xi32, #tpu.memory_space<hbm>>
      tpu.enqueue_dma source(%dma_start3A_292 : memref<80xi32, #tpu.memory_space<hbm>>) target(%arg15 : memref<80xi32, #tpu.memory_space<vmem>>) target_semaphore(%arg24 : memref<!tpu.dma_semaphore, #tpu.memory_space<semaphore_mem>>)
    }
    %scan3A_97 = arith.constant 40 : i32
    %dma_wait3A_98 = arith.constant 0 : i32
    %dma_wait3A_99 = tpu.memref_slice %arg2[%dma_wait3A_98] : memref<320000xi32, #tpu.memory_space<hbm>> -> memref<80xi32, #tpu.memory_space<hbm>>
    %dma_wait3A_100 = arith.constant 0 : i32
    %dma_wait3A_101 = tpu.memref_slice %arg2[%dma_wait3A_100] : memref<320000xi32, #tpu.memory_space<hbm>> -> memref<80xi32, #tpu.memory_space<hbm>>
    tpu.wait_dma2 semaphore(%arg20 : memref<!tpu.dma_semaphore, #tpu.memory_space<semaphore_mem>>) src(%dma_wait3A_101 : memref<80xi32, #tpu.memory_space<hbm>>) dst(%arg11 : memref<80xi32, #tpu.memory_space<vmem>>)
    %dma_start3A_102 = arith.constant 0 : i32
    %dma_start3A_103 = arith.constant 0 : i32
    %dma_start3A_104 = tpu.memref_slice %arg4[%dma_start3A_102, %dma_start3A_103] : memref<10000x128xf32, #tpu.memory_space<hbm>> -> memref<10000x128xf32, #tpu.memory_space<hbm>>
    tpu.enqueue_indirect_dma source(%dma_start3A_104 : memref<10000x128xf32, #tpu.memory_space<hbm>>) target(%arg17 : memref<80x128xf32, #tpu.memory_space<vmem>>) offsets(%arg11 : memref<80xi32, #tpu.memory_space<vmem>>) semaphore(%arg26 : memref<!tpu.dma_semaphore, #tpu.memory_space<semaphore_mem>>)
    %dma_wait3A_105 = arith.constant 0 : i32
    %dma_wait3A_106 = arith.constant 0 : i32
    %dma_wait3A_107 = tpu.memref_slice %arg5[%dma_wait3A_105, %dma_wait3A_106] : memref<10000x128xf32, #tpu.memory_space<hbm>> -> memref<80x128xf32, #tpu.memory_space<hbm>>
    %dma_wait3A_108 = arith.constant 0 : i32
    %dma_wait3A_109 = arith.constant 0 : i32
    %dma_wait3A_110 = tpu.memref_slice %arg5[%dma_wait3A_108, %dma_wait3A_109] : memref<10000x128xf32, #tpu.memory_space<hbm>> -> memref<80x128xf32, #tpu.memory_space<hbm>>
    tpu.wait_dma2 semaphore(%arg25 : memref<!tpu.dma_semaphore, #tpu.memory_space<semaphore_mem>>) src(%dma_wait3A_110 : memref<80x128xf32, #tpu.memory_space<hbm>>) dst(%arg16 : memref<80x128xf32, #tpu.memory_space<vmem>>)
    %dma_wait3A_111 = arith.constant 0 : i32
    %dma_wait3A_112 = tpu.memref_slice %arg3[%dma_wait3A_111] : memref<320000xi32, #tpu.memory_space<hbm>> -> memref<80xi32, #tpu.memory_space<hbm>>
    %dma_wait3A_113 = arith.constant 0 : i32
    %dma_wait3A_114 = tpu.memref_slice %arg3[%dma_wait3A_113] : memref<320000xi32, #tpu.memory_space<hbm>> -> memref<80xi32, #tpu.memory_space<hbm>>
    tpu.wait_dma2 semaphore(%arg22 : memref<!tpu.dma_semaphore, #tpu.memory_space<semaphore_mem>>) src(%dma_wait3A_114 : memref<80xi32, #tpu.memory_space<hbm>>) dst(%arg13 : memref<80xi32, #tpu.memory_space<vmem>>)
    "tpu.region"() ({
      %run_scoped3A = tpu.sem_alloc : memref<!tpu.dma_semaphore, #tpu.memory_space<semaphore_mem>>
      %dma_start3A_203 = arith.constant 0 : i32
      %dma_start3A_204 = arith.constant 0 : i32
      %dma_start3A_205 = tpu.memref_slice %arg9[%dma_start3A_203, %dma_start3A_204] : memref<10000x128xf32, #tpu.memory_space<vmem_shared>> -> memref<10000x128xf32, #tpu.memory_space<vmem_shared>>
      tpu.enqueue_indirect_dma source(%arg16 : memref<80x128xf32, #tpu.memory_space<vmem>>) target(%dma_start3A_205 : memref<10000x128xf32, #tpu.memory_space<vmem_shared>>) offsets(%arg13 : memref<80xi32, #tpu.memory_space<vmem>>) semaphore(%run_scoped3A : memref<!tpu.dma_semaphore, #tpu.memory_space<semaphore_mem>>) {add = true}
      %dma_wait3A_206 = arith.constant 0 : i32
      %dma_wait3A_207 = arith.constant 0 : i32
      %dma_wait3A_208 = tpu.memref_slice %arg9[%dma_wait3A_206, %dma_wait3A_207] : memref<10000x128xf32, #tpu.memory_space<vmem_shared>> -> memref<10000x128xf32, #tpu.memory_space<vmem_shared>>
      tpu.wait_indirect_dma semaphore(%run_scoped3A : memref<!tpu.dma_semaphore, #tpu.memory_space<semaphore_mem>>) src(%arg16 : memref<80x128xf32, #tpu.memory_space<vmem>>) dst(%dma_wait3A_208 : memref<10000x128xf32, #tpu.memory_space<vmem_shared>>)
      tpu.yield
    }) : () -> ()
    %add3A_115 = arith.constant 9840 : i32
    %add3A_116 = arith.addi %mul3A_4, %add3A_115 : i32
    %dma_start3A_117 = tpu.memref_slice %arg2[%add3A_116] : memref<320000xi32, #tpu.memory_space<hbm>> -> memref<80xi32, #tpu.memory_space<hbm>>
    %dma_start3A_118 = tpu.memref_slice %arg2[%add3A_116] : memref<320000xi32, #tpu.memory_space<hbm>> -> memref<80xi32, #tpu.memory_space<hbm>>
    tpu.enqueue_dma source(%dma_start3A_118 : memref<80xi32, #tpu.memory_space<hbm>>) target(%arg10 : memref<80xi32, #tpu.memory_space<vmem>>) target_semaphore(%arg19 : memref<!tpu.dma_semaphore, #tpu.memory_space<semaphore_mem>>)
    %add3A_119 = arith.constant 9840 : i32
    %add3A_120 = arith.addi %mul3A_4, %add3A_119 : i32
    %dma_start3A_121 = tpu.memref_slice %arg3[%add3A_120] : memref<320000xi32, #tpu.memory_space<hbm>> -> memref<80xi32, #tpu.memory_space<hbm>>
    %dma_start3A_122 = tpu.memref_slice %arg3[%add3A_120] : memref<320000xi32, #tpu.memory_space<hbm>> -> memref<80xi32, #tpu.memory_space<hbm>>
    tpu.enqueue_dma source(%dma_start3A_122 : memref<80xi32, #tpu.memory_space<hbm>>) target(%arg13 : memref<80xi32, #tpu.memory_space<vmem>>) target_semaphore(%arg22 : memref<!tpu.dma_semaphore, #tpu.memory_space<semaphore_mem>>)
    %dma_wait3A_123 = arith.constant 0 : i32
    %dma_wait3A_124 = tpu.memref_slice %arg2[%dma_wait3A_123] : memref<320000xi32, #tpu.memory_space<hbm>> -> memref<80xi32, #tpu.memory_space<hbm>>
    %dma_wait3A_125 = arith.constant 0 : i32
    %dma_wait3A_126 = tpu.memref_slice %arg2[%dma_wait3A_125] : memref<320000xi32, #tpu.memory_space<hbm>> -> memref<80xi32, #tpu.memory_space<hbm>>
    tpu.wait_dma2 semaphore(%arg21 : memref<!tpu.dma_semaphore, #tpu.memory_space<semaphore_mem>>) src(%dma_wait3A_126 : memref<80xi32, #tpu.memory_space<hbm>>) dst(%arg12 : memref<80xi32, #tpu.memory_space<vmem>>)
    %dma_start3A_127 = arith.constant 0 : i32
    %dma_start3A_128 = arith.constant 0 : i32
    %dma_start3A_129 = tpu.memref_slice %arg4[%dma_start3A_127, %dma_start3A_128] : memref<10000x128xf32, #tpu.memory_space<hbm>> -> memref<10000x128xf32, #tpu.memory_space<hbm>>
    tpu.enqueue_indirect_dma source(%dma_start3A_129 : memref<10000x128xf32, #tpu.memory_space<hbm>>) target(%arg18 : memref<80x128xf32, #tpu.memory_space<vmem>>) offsets(%arg12 : memref<80xi32, #tpu.memory_space<vmem>>) semaphore(%arg27 : memref<!tpu.dma_semaphore, #tpu.memory_space<semaphore_mem>>)
    %dma_wait3A_130 = arith.constant 0 : i32
    %dma_wait3A_131 = arith.constant 0 : i32
    %dma_wait3A_132 = tpu.memref_slice %arg5[%dma_wait3A_130, %dma_wait3A_131] : memref<10000x128xf32, #tpu.memory_space<hbm>> -> memref<80x128xf32, #tpu.memory_space<hbm>>
    %dma_wait3A_133 = arith.constant 0 : i32
    %dma_wait3A_134 = arith.constant 0 : i32
    %dma_wait3A_135 = tpu.memref_slice %arg5[%dma_wait3A_133, %dma_wait3A_134] : memref<10000x128xf32, #tpu.memory_space<hbm>> -> memref<80x128xf32, #tpu.memory_space<hbm>>
    tpu.wait_dma2 semaphore(%arg26 : memref<!tpu.dma_semaphore, #tpu.memory_space<semaphore_mem>>) src(%dma_wait3A_135 : memref<80x128xf32, #tpu.memory_space<hbm>>) dst(%arg17 : memref<80x128xf32, #tpu.memory_space<vmem>>)
    %dma_wait3A_136 = arith.constant 0 : i32
    %dma_wait3A_137 = tpu.memref_slice %arg3[%dma_wait3A_136] : memref<320000xi32, #tpu.memory_space<hbm>> -> memref<80xi32, #tpu.memory_space<hbm>>
    %dma_wait3A_138 = arith.constant 0 : i32
    %dma_wait3A_139 = tpu.memref_slice %arg3[%dma_wait3A_138] : memref<320000xi32, #tpu.memory_space<hbm>> -> memref<80xi32, #tpu.memory_space<hbm>>
    tpu.wait_dma2 semaphore(%arg23 : memref<!tpu.dma_semaphore, #tpu.memory_space<semaphore_mem>>) src(%dma_wait3A_139 : memref<80xi32, #tpu.memory_space<hbm>>) dst(%arg14 : memref<80xi32, #tpu.memory_space<vmem>>)
    "tpu.region"() ({
      %run_scoped3A = tpu.sem_alloc : memref<!tpu.dma_semaphore, #tpu.memory_space<semaphore_mem>>
      %dma_start3A_203 = arith.constant 0 : i32
      %dma_start3A_204 = arith.constant 0 : i32
      %dma_start3A_205 = tpu.memref_slice %arg9[%dma_start3A_203, %dma_start3A_204] : memref<10000x128xf32, #tpu.memory_space<vmem_shared>> -> memref<10000x128xf32, #tpu.memory_space<vmem_shared>>
      tpu.enqueue_indirect_dma source(%arg17 : memref<80x128xf32, #tpu.memory_space<vmem>>) target(%dma_start3A_205 : memref<10000x128xf32, #tpu.memory_space<vmem_shared>>) offsets(%arg14 : memref<80xi32, #tpu.memory_space<vmem>>) semaphore(%run_scoped3A : memref<!tpu.dma_semaphore, #tpu.memory_space<semaphore_mem>>) {add = true}
      %dma_wait3A_206 = arith.constant 0 : i32
      %dma_wait3A_207 = arith.constant 0 : i32
      %dma_wait3A_208 = tpu.memref_slice %arg9[%dma_wait3A_206, %dma_wait3A_207] : memref<10000x128xf32, #tpu.memory_space<vmem_shared>> -> memref<10000x128xf32, #tpu.memory_space<vmem_shared>>
      tpu.wait_indirect_dma semaphore(%run_scoped3A : memref<!tpu.dma_semaphore, #tpu.memory_space<semaphore_mem>>) src(%arg17 : memref<80x128xf32, #tpu.memory_space<vmem>>) dst(%dma_wait3A_208 : memref<10000x128xf32, #tpu.memory_space<vmem_shared>>)
      tpu.yield
    }) : () -> ()
    %add3A_140 = arith.constant 9920 : i32
    %add3A_141 = arith.addi %mul3A_4, %add3A_140 : i32
    %dma_start3A_142 = tpu.memref_slice %arg2[%add3A_141] : memref<320000xi32, #tpu.memory_space<hbm>> -> memref<80xi32, #tpu.memory_space<hbm>>
    %dma_start3A_143 = tpu.memref_slice %arg2[%add3A_141] : memref<320000xi32, #tpu.memory_space<hbm>> -> memref<80xi32, #tpu.memory_space<hbm>>
    tpu.enqueue_dma source(%dma_start3A_143 : memref<80xi32, #tpu.memory_space<hbm>>) target(%arg11 : memref<80xi32, #tpu.memory_space<vmem>>) target_semaphore(%arg20 : memref<!tpu.dma_semaphore, #tpu.memory_space<semaphore_mem>>)
    %add3A_144 = arith.constant 9920 : i32
    %add3A_145 = arith.addi %mul3A_4, %add3A_144 : i32
    %dma_start3A_146 = tpu.memref_slice %arg3[%add3A_145] : memref<320000xi32, #tpu.memory_space<hbm>> -> memref<80xi32, #tpu.memory_space<hbm>>
    %dma_start3A_147 = tpu.memref_slice %arg3[%add3A_145] : memref<320000xi32, #tpu.memory_space<hbm>> -> memref<80xi32, #tpu.memory_space<hbm>>
    tpu.enqueue_dma source(%dma_start3A_147 : memref<80xi32, #tpu.memory_space<hbm>>) target(%arg14 : memref<80xi32, #tpu.memory_space<vmem>>) target_semaphore(%arg23 : memref<!tpu.dma_semaphore, #tpu.memory_space<semaphore_mem>>)
    %dma_wait3A_148 = arith.constant 0 : i32
    %dma_wait3A_149 = tpu.memref_slice %arg2[%dma_wait3A_148] : memref<320000xi32, #tpu.memory_space<hbm>> -> memref<80xi32, #tpu.memory_space<hbm>>
    %dma_wait3A_150 = arith.constant 0 : i32
    %dma_wait3A_151 = tpu.memref_slice %arg2[%dma_wait3A_150] : memref<320000xi32, #tpu.memory_space<hbm>> -> memref<80xi32, #tpu.memory_space<hbm>>
    tpu.wait_dma2 semaphore(%arg19 : memref<!tpu.dma_semaphore, #tpu.memory_space<semaphore_mem>>) src(%dma_wait3A_151 : memref<80xi32, #tpu.memory_space<hbm>>) dst(%arg10 : memref<80xi32, #tpu.memory_space<vmem>>)
    %dma_start3A_152 = arith.constant 0 : i32
    %dma_start3A_153 = arith.constant 0 : i32
    %dma_start3A_154 = tpu.memref_slice %arg4[%dma_start3A_152, %dma_start3A_153] : memref<10000x128xf32, #tpu.memory_space<hbm>> -> memref<10000x128xf32, #tpu.memory_space<hbm>>
    tpu.enqueue_indirect_dma source(%dma_start3A_154 : memref<10000x128xf32, #tpu.memory_space<hbm>>) target(%arg16 : memref<80x128xf32, #tpu.memory_space<vmem>>) offsets(%arg10 : memref<80xi32, #tpu.memory_space<vmem>>) semaphore(%arg25 : memref<!tpu.dma_semaphore, #tpu.memory_space<semaphore_mem>>)
    %dma_wait3A_155 = arith.constant 0 : i32
    %dma_wait3A_156 = arith.constant 0 : i32
    %dma_wait3A_157 = tpu.memref_slice %arg5[%dma_wait3A_155, %dma_wait3A_156] : memref<10000x128xf32, #tpu.memory_space<hbm>> -> memref<80x128xf32, #tpu.memory_space<hbm>>
    %dma_wait3A_158 = arith.constant 0 : i32
    %dma_wait3A_159 = arith.constant 0 : i32
    %dma_wait3A_160 = tpu.memref_slice %arg5[%dma_wait3A_158, %dma_wait3A_159] : memref<10000x128xf32, #tpu.memory_space<hbm>> -> memref<80x128xf32, #tpu.memory_space<hbm>>
    tpu.wait_dma2 semaphore(%arg27 : memref<!tpu.dma_semaphore, #tpu.memory_space<semaphore_mem>>) src(%dma_wait3A_160 : memref<80x128xf32, #tpu.memory_space<hbm>>) dst(%arg18 : memref<80x128xf32, #tpu.memory_space<vmem>>)
    %dma_wait3A_161 = arith.constant 0 : i32
    %dma_wait3A_162 = tpu.memref_slice %arg3[%dma_wait3A_161] : memref<320000xi32, #tpu.memory_space<hbm>> -> memref<80xi32, #tpu.memory_space<hbm>>
    %dma_wait3A_163 = arith.constant 0 : i32
    %dma_wait3A_164 = tpu.memref_slice %arg3[%dma_wait3A_163] : memref<320000xi32, #tpu.memory_space<hbm>> -> memref<80xi32, #tpu.memory_space<hbm>>
    tpu.wait_dma2 semaphore(%arg24 : memref<!tpu.dma_semaphore, #tpu.memory_space<semaphore_mem>>) src(%dma_wait3A_164 : memref<80xi32, #tpu.memory_space<hbm>>) dst(%arg15 : memref<80xi32, #tpu.memory_space<vmem>>)
    "tpu.region"() ({
      %run_scoped3A = tpu.sem_alloc : memref<!tpu.dma_semaphore, #tpu.memory_space<semaphore_mem>>
      %dma_start3A_203 = arith.constant 0 : i32
      %dma_start3A_204 = arith.constant 0 : i32
      %dma_start3A_205 = tpu.memref_slice %arg9[%dma_start3A_203, %dma_start3A_204] : memref<10000x128xf32, #tpu.memory_space<vmem_shared>> -> memref<10000x128xf32, #tpu.memory_space<vmem_shared>>
      tpu.enqueue_indirect_dma source(%arg18 : memref<80x128xf32, #tpu.memory_space<vmem>>) target(%dma_start3A_205 : memref<10000x128xf32, #tpu.memory_space<vmem_shared>>) offsets(%arg15 : memref<80xi32, #tpu.memory_space<vmem>>) semaphore(%run_scoped3A : memref<!tpu.dma_semaphore, #tpu.memory_space<semaphore_mem>>) {add = true}
      %dma_wait3A_206 = arith.constant 0 : i32
      %dma_wait3A_207 = arith.constant 0 : i32
      %dma_wait3A_208 = tpu.memref_slice %arg9[%dma_wait3A_206, %dma_wait3A_207] : memref<10000x128xf32, #tpu.memory_space<vmem_shared>> -> memref<10000x128xf32, #tpu.memory_space<vmem_shared>>
      tpu.wait_indirect_dma semaphore(%run_scoped3A : memref<!tpu.dma_semaphore, #tpu.memory_space<semaphore_mem>>) src(%arg18 : memref<80x128xf32, #tpu.memory_space<vmem>>) dst(%dma_wait3A_208 : memref<10000x128xf32, #tpu.memory_space<vmem_shared>>)
      tpu.yield
    }) : () -> ()
    %dma_wait3A_165 = arith.constant 0 : i32
    %dma_wait3A_166 = tpu.memref_slice %arg2[%dma_wait3A_165] : memref<320000xi32, #tpu.memory_space<hbm>> -> memref<80xi32, #tpu.memory_space<hbm>>
    %dma_wait3A_167 = arith.constant 0 : i32
    %dma_wait3A_168 = tpu.memref_slice %arg2[%dma_wait3A_167] : memref<320000xi32, #tpu.memory_space<hbm>> -> memref<80xi32, #tpu.memory_space<hbm>>
    tpu.wait_dma2 semaphore(%arg20 : memref<!tpu.dma_semaphore, #tpu.memory_space<semaphore_mem>>) src(%dma_wait3A_168 : memref<80xi32, #tpu.memory_space<hbm>>) dst(%arg11 : memref<80xi32, #tpu.memory_space<vmem>>)
    %dma_start3A_169 = arith.constant 0 : i32
    %dma_start3A_170 = arith.constant 0 : i32
    %dma_start3A_171 = tpu.memref_slice %arg4[%dma_start3A_169, %dma_start3A_170] : memref<10000x128xf32, #tpu.memory_space<hbm>> -> memref<10000x128xf32, #tpu.memory_space<hbm>>
    tpu.enqueue_indirect_dma source(%dma_start3A_171 : memref<10000x128xf32, #tpu.memory_space<hbm>>) target(%arg17 : memref<80x128xf32, #tpu.memory_space<vmem>>) offsets(%arg11 : memref<80xi32, #tpu.memory_space<vmem>>) semaphore(%arg26 : memref<!tpu.dma_semaphore, #tpu.memory_space<semaphore_mem>>)
    %dma_wait3A_172 = arith.constant 0 : i32
    %dma_wait3A_173 = arith.constant 0 : i32
    %dma_wait3A_174 = tpu.memref_slice %arg5[%dma_wait3A_172, %dma_wait3A_173] : memref<10000x128xf32, #tpu.memory_space<hbm>> -> memref<80x128xf32, #tpu.memory_space<hbm>>
    %dma_wait3A_175 = arith.constant 0 : i32
    %dma_wait3A_176 = arith.constant 0 : i32
    %dma_wait3A_177 = tpu.memref_slice %arg5[%dma_wait3A_175, %dma_wait3A_176] : memref<10000x128xf32, #tpu.memory_space<hbm>> -> memref<80x128xf32, #tpu.memory_space<hbm>>
    tpu.wait_dma2 semaphore(%arg25 : memref<!tpu.dma_semaphore, #tpu.memory_space<semaphore_mem>>) src(%dma_wait3A_177 : memref<80x128xf32, #tpu.memory_space<hbm>>) dst(%arg16 : memref<80x128xf32, #tpu.memory_space<vmem>>)
    %dma_wait3A_178 = arith.constant 0 : i32
    %dma_wait3A_179 = tpu.memref_slice %arg3[%dma_wait3A_178] : memref<320000xi32, #tpu.memory_space<hbm>> -> memref<80xi32, #tpu.memory_space<hbm>>
    %dma_wait3A_180 = arith.constant 0 : i32
    %dma_wait3A_181 = tpu.memref_slice %arg3[%dma_wait3A_180] : memref<320000xi32, #tpu.memory_space<hbm>> -> memref<80xi32, #tpu.memory_space<hbm>>
    tpu.wait_dma2 semaphore(%arg22 : memref<!tpu.dma_semaphore, #tpu.memory_space<semaphore_mem>>) src(%dma_wait3A_181 : memref<80xi32, #tpu.memory_space<hbm>>) dst(%arg13 : memref<80xi32, #tpu.memory_space<vmem>>)
    "tpu.region"() ({
      %run_scoped3A = tpu.sem_alloc : memref<!tpu.dma_semaphore, #tpu.memory_space<semaphore_mem>>
      %dma_start3A_203 = arith.constant 0 : i32
      %dma_start3A_204 = arith.constant 0 : i32
      %dma_start3A_205 = tpu.memref_slice %arg9[%dma_start3A_203, %dma_start3A_204] : memref<10000x128xf32, #tpu.memory_space<vmem_shared>> -> memref<10000x128xf32, #tpu.memory_space<vmem_shared>>
      tpu.enqueue_indirect_dma source(%arg16 : memref<80x128xf32, #tpu.memory_space<vmem>>) target(%dma_start3A_205 : memref<10000x128xf32, #tpu.memory_space<vmem_shared>>) offsets(%arg13 : memref<80xi32, #tpu.memory_space<vmem>>) semaphore(%run_scoped3A : memref<!tpu.dma_semaphore, #tpu.memory_space<semaphore_mem>>) {add = true}
      %dma_wait3A_206 = arith.constant 0 : i32
      %dma_wait3A_207 = arith.constant 0 : i32
      %dma_wait3A_208 = tpu.memref_slice %arg9[%dma_wait3A_206, %dma_wait3A_207] : memref<10000x128xf32, #tpu.memory_space<vmem_shared>> -> memref<10000x128xf32, #tpu.memory_space<vmem_shared>>
      tpu.wait_indirect_dma semaphore(%run_scoped3A : memref<!tpu.dma_semaphore, #tpu.memory_space<semaphore_mem>>) src(%arg16 : memref<80x128xf32, #tpu.memory_space<vmem>>) dst(%dma_wait3A_208 : memref<10000x128xf32, #tpu.memory_space<vmem_shared>>)
      tpu.yield
    }) : () -> ()
    %dma_wait3A_182 = arith.constant 0 : i32
    %dma_wait3A_183 = arith.constant 0 : i32
    %dma_wait3A_184 = tpu.memref_slice %arg5[%dma_wait3A_182, %dma_wait3A_183] : memref<10000x128xf32, #tpu.memory_space<hbm>> -> memref<80x128xf32, #tpu.memory_space<hbm>>
    %dma_wait3A_185 = arith.constant 0 : i32
    %dma_wait3A_186 = arith.constant 0 : i32
    %dma_wait3A_187 = tpu.memref_slice %arg5[%dma_wait3A_185, %dma_wait3A_186] : memref<10000x128xf32, #tpu.memory_space<hbm>> -> memref<80x128xf32, #tpu.memory_space<hbm>>
    tpu.wait_dma2 semaphore(%arg26 : memref<!tpu.dma_semaphore, #tpu.memory_space<semaphore_mem>>) src(%dma_wait3A_187 : memref<80x128xf32, #tpu.memory_space<hbm>>) dst(%arg17 : memref<80x128xf32, #tpu.memory_space<vmem>>)
    %dma_wait3A_188 = arith.constant 0 : i32
    %dma_wait3A_189 = tpu.memref_slice %arg3[%dma_wait3A_188] : memref<320000xi32, #tpu.memory_space<hbm>> -> memref<80xi32, #tpu.memory_space<hbm>>
    %dma_wait3A_190 = arith.constant 0 : i32
    %dma_wait3A_191 = tpu.memref_slice %arg3[%dma_wait3A_190] : memref<320000xi32, #tpu.memory_space<hbm>> -> memref<80xi32, #tpu.memory_space<hbm>>
    tpu.wait_dma2 semaphore(%arg23 : memref<!tpu.dma_semaphore, #tpu.memory_space<semaphore_mem>>) src(%dma_wait3A_191 : memref<80xi32, #tpu.memory_space<hbm>>) dst(%arg14 : memref<80xi32, #tpu.memory_space<vmem>>)
    "tpu.region"() ({
      %run_scoped3A = tpu.sem_alloc : memref<!tpu.dma_semaphore, #tpu.memory_space<semaphore_mem>>
      %dma_start3A_203 = arith.constant 0 : i32
      %dma_start3A_204 = arith.constant 0 : i32
      %dma_start3A_205 = tpu.memref_slice %arg9[%dma_start3A_203, %dma_start3A_204] : memref<10000x128xf32, #tpu.memory_space<vmem_shared>> -> memref<10000x128xf32, #tpu.memory_space<vmem_shared>>
      tpu.enqueue_indirect_dma source(%arg17 : memref<80x128xf32, #tpu.memory_space<vmem>>) target(%dma_start3A_205 : memref<10000x128xf32, #tpu.memory_space<vmem_shared>>) offsets(%arg14 : memref<80xi32, #tpu.memory_space<vmem>>) semaphore(%run_scoped3A : memref<!tpu.dma_semaphore, #tpu.memory_space<semaphore_mem>>) {add = true}
      %dma_wait3A_206 = arith.constant 0 : i32
      %dma_wait3A_207 = arith.constant 0 : i32
      %dma_wait3A_208 = tpu.memref_slice %arg9[%dma_wait3A_206, %dma_wait3A_207] : memref<10000x128xf32, #tpu.memory_space<vmem_shared>> -> memref<10000x128xf32, #tpu.memory_space<vmem_shared>>
      tpu.wait_indirect_dma semaphore(%run_scoped3A : memref<!tpu.dma_semaphore, #tpu.memory_space<semaphore_mem>>) src(%arg17 : memref<80x128xf32, #tpu.memory_space<vmem>>) dst(%dma_wait3A_208 : memref<10000x128xf32, #tpu.memory_space<vmem_shared>>)
      tpu.yield
    }) : () -> ()
    %barrier3A_192 = arith.constant 0 : index
    tpu.barrier barrier_id(%barrier3A_192)
    %lt3A_193 = arith.constant 15 : i32
    %lt3A_194 = arith.cmpi slt, %arg1, %lt3A_193 : i32
    %convert_element_type3A_195 = arith.extui %lt3A_194 : i1 to i32
    %cond3A_196 = arith.constant 0 : i32
    %cond3A_197 = arith.cmpi ne, %convert_element_type3A_195, %cond3A_196 : i32
    scf.if %cond3A_197 {
      %mul3A_203 = arith.constant 10000 : i32
      %mul3A_204 = arith.muli %arg0, %mul3A_203 : i32
      %add3A_205 = arith.addi %mul3A_204, %mul3A_0 : i32
      "tpu.region"() ({
        %run_scoped3A = tpu.sem_alloc : memref<!tpu.dma_semaphore, #tpu.memory_space<semaphore_mem>>
        %dma_start3A_206 = arith.constant 0 : i32
        %dma_start3A_207 = tpu.memref_slice %arg7[%add3A_205, %dma_start3A_206] : memref<20000x128xf32, #tpu.memory_space<hbm>> -> memref<640x128xf32, #tpu.memory_space<hbm>>
        %dma_start3A_208 = arith.constant 0 : i32
        %dma_start3A_209 = tpu.memref_slice %arg9[%mul3A_0, %dma_start3A_208] : memref<10000x128xf32, #tpu.memory_space<vmem_shared>> -> memref<640x128xf32, #tpu.memory_space<vmem_shared>>
        tpu.enqueue_dma source(%dma_start3A_209 : memref<640x128xf32, #tpu.memory_space<vmem_shared>>) target(%dma_start3A_207 : memref<640x128xf32, #tpu.memory_space<hbm>>) target_semaphore(%run_scoped3A : memref<!tpu.dma_semaphore, #tpu.memory_space<semaphore_mem>>)
        %dma_wait3A_210 = arith.constant 0 : i32
        %dma_wait3A_211 = tpu.memref_slice %arg7[%add3A_205, %dma_wait3A_210] : memref<20000x128xf32, #tpu.memory_space<hbm>> -> memref<640x128xf32, #tpu.memory_space<hbm>>
        %dma_wait3A_212 = arith.constant 0 : i32
        %dma_wait3A_213 = tpu.memref_slice %arg9[%mul3A_0, %dma_wait3A_212] : memref<10000x128xf32, #tpu.memory_space<vmem_shared>> -> memref<640x128xf32, #tpu.memory_space<vmem_shared>>
        tpu.wait_dma2 semaphore(%run_scoped3A : memref<!tpu.dma_semaphore, #tpu.memory_space<semaphore_mem>>) src(%dma_wait3A_213 : memref<640x128xf32, #tpu.memory_space<vmem_shared>>) dst(%dma_wait3A_211 : memref<640x128xf32, #tpu.memory_space<hbm>>)
        tpu.yield
      }) : () -> ()
    } else {
    }
    %eq3A_198 = arith.constant 15 : i32
    %eq3A_199 = arith.cmpi eq, %arg1, %eq3A_198 : i32
    %convert_element_type3A_200 = arith.extui %eq3A_199 : i1 to i32
    %cond3A_201 = arith.constant 0 : i32
    %cond3A_202 = arith.cmpi ne, %convert_element_type3A_200, %cond3A_201 : i32
    scf.if %cond3A_202 {
      %mul3A_203 = arith.constant 10000 : i32
      %mul3A_204 = arith.muli %arg0, %mul3A_203 : i32
      %add3A_205 = arith.addi %mul3A_204, %mul3A_0 : i32
      "tpu.region"() ({
        %run_scoped3A = tpu.sem_alloc : memref<!tpu.dma_semaphore, #tpu.memory_space<semaphore_mem>>
        %dma_start3A_206 = arith.constant 0 : i32
        %dma_start3A_207 = tpu.memref_slice %arg7[%add3A_205, %dma_start3A_206] : memref<20000x128xf32, #tpu.memory_space<hbm>> -> memref<400x128xf32, #tpu.memory_space<hbm>>
        %dma_start3A_208 = arith.constant 0 : i32
        %dma_start3A_209 = tpu.memref_slice %arg9[%mul3A_0, %dma_start3A_208] : memref<10000x128xf32, #tpu.memory_space<vmem_shared>> -> memref<400x128xf32, #tpu.memory_space<vmem_shared>>
        tpu.enqueue_dma source(%dma_start3A_209 : memref<400x128xf32, #tpu.memory_space<vmem_shared>>) target(%dma_start3A_207 : memref<400x128xf32, #tpu.memory_space<hbm>>) target_semaphore(%run_scoped3A : memref<!tpu.dma_semaphore, #tpu.memory_space<semaphore_mem>>)
        %dma_wait3A_210 = arith.constant 0 : i32
        %dma_wait3A_211 = tpu.memref_slice %arg7[%add3A_205, %dma_wait3A_210] : memref<20000x128xf32, #tpu.memory_space<hbm>> -> memref<400x128xf32, #tpu.memory_space<hbm>>
        %dma_wait3A_212 = arith.constant 0 : i32
        %dma_wait3A_213 = tpu.memref_slice %arg9[%mul3A_0, %dma_wait3A_212] : memref<10000x128xf32, #tpu.memory_space<vmem_shared>> -> memref<400x128xf32, #tpu.memory_space<vmem_shared>>
        tpu.wait_dma2 semaphore(%run_scoped3A : memref<!tpu.dma_semaphore, #tpu.memory_space<semaphore_mem>>) src(%dma_wait3A_213 : memref<400x128xf32, #tpu.memory_space<vmem_shared>>) dst(%dma_wait3A_211 : memref<400x128xf32, #tpu.memory_space<hbm>>)
        tpu.yield
      }) : () -> ()
    } else {
    }
    return
  }
}

#map = affine_map<(d0, d1) -> (0)>
#map1 = affine_map<(d0, d1) -> (0, 0)>
module attributes {stable_mosaic.version = 14 : i64} {
  func.func @body(%arg0: i32, %arg1: i32, %arg2: memref<320000xi32, #tpu.memory_space<hbm>>, %arg3: memref<320000xi32, #tpu.memory_space<hbm>>, %arg4: memref<10000x128xf32, #tpu.memory_space<hbm>>, %arg5: memref<10000x128xf32, #tpu.memory_space<hbm>>, %arg6: memref<10000x128xf32, #tpu.memory_space<hbm>>, %arg7: memref<20000x128xf32, #tpu.memory_space<hbm>>, %arg8: memref<10000x128xf32, #tpu.memory_space<vmem_shared>>, %arg9: memref<80xi32, #tpu.memory_space<vmem>>, %arg10: memref<80xi32, #tpu.memory_space<vmem>>, %arg11: memref<80xi32, #tpu.memory_space<vmem>>, %arg12: memref<80xi32, #tpu.memory_space<vmem>>, %arg13: memref<80xi32, #tpu.memory_space<vmem>>, %arg14: memref<80xi32, #tpu.memory_space<vmem>>, %arg15: memref<80x128xf32, #tpu.memory_space<vmem>>, %arg16: memref<80x128xf32, #tpu.memory_space<vmem>>, %arg17: memref<80x128xf32, #tpu.memory_space<vmem>>, %arg18: memref<!tpu.dma_semaphore, #tpu.memory_space<semaphore_mem>>, %arg19: memref<!tpu.dma_semaphore, #tpu.memory_space<semaphore_mem>>, %arg20: memref<!tpu.dma_semaphore, #tpu.memory_space<semaphore_mem>>, %arg21: memref<!tpu.dma_semaphore, #tpu.memory_space<semaphore_mem>>, %arg22: memref<!tpu.dma_semaphore, #tpu.memory_space<semaphore_mem>>, %arg23: memref<!tpu.dma_semaphore, #tpu.memory_space<semaphore_mem>>, %arg24: memref<!tpu.dma_semaphore, #tpu.memory_space<semaphore_mem>>, %arg25: memref<!tpu.dma_semaphore, #tpu.memory_space<semaphore_mem>>, %arg26: memref<!tpu.dma_semaphore, #tpu.memory_space<semaphore_mem>>) attributes {dimension_semantics = [#tpu.dimension_semantics<core_parallel>, #tpu.dimension_semantics<subcore_parallel>], iteration_bounds = array<i64: 2, 16>, scalar_prefetch = 0 : i64, scratch_operands = 19 : i64, tpu.core_type = #tpu.core_type<sc_vector_subcore>, window_params = [{transform_indices = #map}, {transform_indices = #map}, {transform_indices = #map1}, {transform_indices = #map1}, {transform_indices = #map1}, {transform_indices = #map1}]} {
    %mul3A = arith.constant 640 : i32
    %mul3A_0 = arith.muli %arg1, %mul3A : i32
    %mul3A_1 = arith.constant 20000 : i32
    %mul3A_2 = arith.muli %arg1, %mul3A_1 : i32
    %lt3A = arith.constant 15 : i32
    %lt3A_3 = arith.cmpi slt, %arg1, %lt3A : i32
    %convert_element_type3A = arith.extui %lt3A_3 : i1 to i32
    %cond3A = arith.constant 0 : i32
    %cond3A_4 = arith.cmpi ne, %convert_element_type3A, %cond3A : i32
    scf.if %cond3A_4 {
      "tpu.region"() ({
        %run_scoped3A = tpu.sem_alloc : memref<!tpu.dma_semaphore, #tpu.memory_space<semaphore_mem>>
        %dma_start3A = arith.constant 0 : i32
        %dma_start3A_30 = tpu.memref_slice %arg8[%mul3A_0, %dma_start3A] : memref<10000x128xf32, #tpu.memory_space<vmem_shared>> -> memref<640x128xf32, #tpu.memory_space<vmem_shared>>
        %dma_start3A_31 = arith.constant 0 : i32
        %dma_start3A_32 = tpu.memref_slice %arg6[%mul3A_0, %dma_start3A_31] : memref<10000x128xf32, #tpu.memory_space<hbm>> -> memref<640x128xf32, #tpu.memory_space<hbm>>
        tpu.enqueue_dma source(%dma_start3A_32 : memref<640x128xf32, #tpu.memory_space<hbm>>) target(%dma_start3A_30 : memref<640x128xf32, #tpu.memory_space<vmem_shared>>) target_semaphore(%run_scoped3A : memref<!tpu.dma_semaphore, #tpu.memory_space<semaphore_mem>>)
        %dma_wait3A = arith.constant 0 : i32
        %dma_wait3A_33 = tpu.memref_slice %arg8[%mul3A_0, %dma_wait3A] : memref<10000x128xf32, #tpu.memory_space<vmem_shared>> -> memref<640x128xf32, #tpu.memory_space<vmem_shared>>
        %dma_wait3A_34 = arith.constant 0 : i32
        %dma_wait3A_35 = tpu.memref_slice %arg6[%mul3A_0, %dma_wait3A_34] : memref<10000x128xf32, #tpu.memory_space<hbm>> -> memref<640x128xf32, #tpu.memory_space<hbm>>
        tpu.wait_dma2 semaphore(%run_scoped3A : memref<!tpu.dma_semaphore, #tpu.memory_space<semaphore_mem>>) src(%dma_wait3A_35 : memref<640x128xf32, #tpu.memory_space<hbm>>) dst(%dma_wait3A_33 : memref<640x128xf32, #tpu.memory_space<vmem_shared>>)
        tpu.yield
      }) : () -> ()
    } else {
    }
    %eq3A = arith.constant 15 : i32
    %eq3A_5 = arith.cmpi eq, %arg1, %eq3A : i32
    %convert_element_type3A_6 = arith.extui %eq3A_5 : i1 to i32
    %cond3A_7 = arith.constant 0 : i32
    %cond3A_8 = arith.cmpi ne, %convert_element_type3A_6, %cond3A_7 : i32
    scf.if %cond3A_8 {
      "tpu.region"() ({
        %run_scoped3A = tpu.sem_alloc : memref<!tpu.dma_semaphore, #tpu.memory_space<semaphore_mem>>
        %dma_start3A = arith.constant 0 : i32
        %dma_start3A_30 = tpu.memref_slice %arg8[%mul3A_0, %dma_start3A] : memref<10000x128xf32, #tpu.memory_space<vmem_shared>> -> memref<400x128xf32, #tpu.memory_space<vmem_shared>>
        %dma_start3A_31 = arith.constant 0 : i32
        %dma_start3A_32 = tpu.memref_slice %arg6[%mul3A_0, %dma_start3A_31] : memref<10000x128xf32, #tpu.memory_space<hbm>> -> memref<400x128xf32, #tpu.memory_space<hbm>>
        tpu.enqueue_dma source(%dma_start3A_32 : memref<400x128xf32, #tpu.memory_space<hbm>>) target(%dma_start3A_30 : memref<400x128xf32, #tpu.memory_space<vmem_shared>>) target_semaphore(%run_scoped3A : memref<!tpu.dma_semaphore, #tpu.memory_space<semaphore_mem>>)
        %dma_wait3A = arith.constant 0 : i32
        %dma_wait3A_33 = tpu.memref_slice %arg8[%mul3A_0, %dma_wait3A] : memref<10000x128xf32, #tpu.memory_space<vmem_shared>> -> memref<400x128xf32, #tpu.memory_space<vmem_shared>>
        %dma_wait3A_34 = arith.constant 0 : i32
        %dma_wait3A_35 = tpu.memref_slice %arg6[%mul3A_0, %dma_wait3A_34] : memref<10000x128xf32, #tpu.memory_space<hbm>> -> memref<400x128xf32, #tpu.memory_space<hbm>>
        tpu.wait_dma2 semaphore(%run_scoped3A : memref<!tpu.dma_semaphore, #tpu.memory_space<semaphore_mem>>) src(%dma_wait3A_35 : memref<400x128xf32, #tpu.memory_space<hbm>>) dst(%dma_wait3A_33 : memref<400x128xf32, #tpu.memory_space<vmem_shared>>)
        tpu.yield
      }) : () -> ()
    } else {
    }
    %barrier3A = arith.constant 0 : index
    tpu.barrier barrier_id(%barrier3A)
    %eq3A_9 = arith.constant 0 : i32
    %eq3A_10 = arith.cmpi eq, %arg0, %eq3A_9 : i32
    %convert_element_type3A_11 = arith.extui %eq3A_10 : i1 to i32
    %cond3A_12 = arith.constant 0 : i32
    %cond3A_13 = arith.cmpi ne, %convert_element_type3A_11, %cond3A_12 : i32
    scf.if %cond3A_13 {
      %add3A = arith.constant 0 : i32
      %add3A_30 = arith.addi %mul3A_2, %add3A : i32
      %dma_start3A = tpu.memref_slice %arg2[%add3A_30] : memref<320000xi32, #tpu.memory_space<hbm>> -> memref<80xi32, #tpu.memory_space<hbm>>
      %dma_start3A_31 = tpu.memref_slice %arg2[%add3A_30] : memref<320000xi32, #tpu.memory_space<hbm>> -> memref<80xi32, #tpu.memory_space<hbm>>
      tpu.enqueue_dma source(%dma_start3A_31 : memref<80xi32, #tpu.memory_space<hbm>>) target(%arg9 : memref<80xi32, #tpu.memory_space<vmem>>) target_semaphore(%arg18 : memref<!tpu.dma_semaphore, #tpu.memory_space<semaphore_mem>>)
      %add3A_32 = arith.constant 0 : i32
      %add3A_33 = arith.addi %mul3A_2, %add3A_32 : i32
      %dma_start3A_34 = tpu.memref_slice %arg3[%add3A_33] : memref<320000xi32, #tpu.memory_space<hbm>> -> memref<80xi32, #tpu.memory_space<hbm>>
      %dma_start3A_35 = tpu.memref_slice %arg3[%add3A_33] : memref<320000xi32, #tpu.memory_space<hbm>> -> memref<80xi32, #tpu.memory_space<hbm>>
      tpu.enqueue_dma source(%dma_start3A_35 : memref<80xi32, #tpu.memory_space<hbm>>) target(%arg12 : memref<80xi32, #tpu.memory_space<vmem>>) target_semaphore(%arg21 : memref<!tpu.dma_semaphore, #tpu.memory_space<semaphore_mem>>)
      %add3A_36 = arith.constant 80 : i32
      %add3A_37 = arith.addi %mul3A_2, %add3A_36 : i32
      %dma_start3A_38 = tpu.memref_slice %arg2[%add3A_37] : memref<320000xi32, #tpu.memory_space<hbm>> -> memref<80xi32, #tpu.memory_space<hbm>>
      %dma_start3A_39 = tpu.memref_slice %arg2[%add3A_37] : memref<320000xi32, #tpu.memory_space<hbm>> -> memref<80xi32, #tpu.memory_space<hbm>>
      tpu.enqueue_dma source(%dma_start3A_39 : memref<80xi32, #tpu.memory_space<hbm>>) target(%arg10 : memref<80xi32, #tpu.memory_space<vmem>>) target_semaphore(%arg19 : memref<!tpu.dma_semaphore, #tpu.memory_space<semaphore_mem>>)
      %add3A_40 = arith.constant 80 : i32
      %add3A_41 = arith.addi %mul3A_2, %add3A_40 : i32
      %dma_start3A_42 = tpu.memref_slice %arg3[%add3A_41] : memref<320000xi32, #tpu.memory_space<hbm>> -> memref<80xi32, #tpu.memory_space<hbm>>
      %dma_start3A_43 = tpu.memref_slice %arg3[%add3A_41] : memref<320000xi32, #tpu.memory_space<hbm>> -> memref<80xi32, #tpu.memory_space<hbm>>
      tpu.enqueue_dma source(%dma_start3A_43 : memref<80xi32, #tpu.memory_space<hbm>>) target(%arg13 : memref<80xi32, #tpu.memory_space<vmem>>) target_semaphore(%arg22 : memref<!tpu.dma_semaphore, #tpu.memory_space<semaphore_mem>>)
      %add3A_44 = arith.constant 160 : i32
      %add3A_45 = arith.addi %mul3A_2, %add3A_44 : i32
      %dma_start3A_46 = tpu.memref_slice %arg2[%add3A_45] : memref<320000xi32, #tpu.memory_space<hbm>> -> memref<80xi32, #tpu.memory_space<hbm>>
      %dma_start3A_47 = tpu.memref_slice %arg2[%add3A_45] : memref<320000xi32, #tpu.memory_space<hbm>> -> memref<80xi32, #tpu.memory_space<hbm>>
      tpu.enqueue_dma source(%dma_start3A_47 : memref<80xi32, #tpu.memory_space<hbm>>) target(%arg11 : memref<80xi32, #tpu.memory_space<vmem>>) target_semaphore(%arg20 : memref<!tpu.dma_semaphore, #tpu.memory_space<semaphore_mem>>)
      %add3A_48 = arith.constant 160 : i32
      %add3A_49 = arith.addi %mul3A_2, %add3A_48 : i32
      %dma_start3A_50 = tpu.memref_slice %arg3[%add3A_49] : memref<320000xi32, #tpu.memory_space<hbm>> -> memref<80xi32, #tpu.memory_space<hbm>>
      %dma_start3A_51 = tpu.memref_slice %arg3[%add3A_49] : memref<320000xi32, #tpu.memory_space<hbm>> -> memref<80xi32, #tpu.memory_space<hbm>>
      tpu.enqueue_dma source(%dma_start3A_51 : memref<80xi32, #tpu.memory_space<hbm>>) target(%arg14 : memref<80xi32, #tpu.memory_space<vmem>>) target_semaphore(%arg23 : memref<!tpu.dma_semaphore, #tpu.memory_space<semaphore_mem>>)
      %dma_wait3A = arith.constant 0 : i32
      %dma_wait3A_52 = tpu.memref_slice %arg2[%dma_wait3A] : memref<320000xi32, #tpu.memory_space<hbm>> -> memref<80xi32, #tpu.memory_space<hbm>>
      %dma_wait3A_53 = arith.constant 0 : i32
      %dma_wait3A_54 = tpu.memref_slice %arg2[%dma_wait3A_53] : memref<320000xi32, #tpu.memory_space<hbm>> -> memref<80xi32, #tpu.memory_space<hbm>>
      tpu.wait_dma2 semaphore(%arg18 : memref<!tpu.dma_semaphore, #tpu.memory_space<semaphore_mem>>) src(%dma_wait3A_54 : memref<80xi32, #tpu.memory_space<hbm>>) dst(%arg9 : memref<80xi32, #tpu.memory_space<vmem>>)
      %dma_start3A_55 = arith.constant 0 : i32
      %dma_start3A_56 = arith.constant 0 : i32
      %dma_start3A_57 = tpu.memref_slice %arg4[%dma_start3A_55, %dma_start3A_56] : memref<10000x128xf32, #tpu.memory_space<hbm>> -> memref<10000x128xf32, #tpu.memory_space<hbm>>
      tpu.enqueue_indirect_dma source(%dma_start3A_57 : memref<10000x128xf32, #tpu.memory_space<hbm>>) target(%arg15 : memref<80x128xf32, #tpu.memory_space<vmem>>) offsets(%arg9 : memref<80xi32, #tpu.memory_space<vmem>>) semaphore(%arg24 : memref<!tpu.dma_semaphore, #tpu.memory_space<semaphore_mem>>)
      %scan3A = arith.constant 0 : i32
      %scan3A_58 = arith.constant 0 : i32
      %scan3A_59 = arith.constant 82 : i32
      %scan3A_60 = arith.addi %scan3A_58, %scan3A_59 : i32
      %scan3A_61 = arith.constant 1 : i32
      scf.for %scan3A_132 = %scan3A_58 to %scan3A_60 step %scan3A_61  : i32 {
        %mul3A_133 = arith.constant 3 : i32
        %mul3A_134 = arith.muli %mul3A_133, %scan3A_132 : i32
        %dma_wait3A_135 = arith.constant 0 : i32
        %dma_wait3A_136 = tpu.memref_slice %arg2[%dma_wait3A_135] : memref<320000xi32, #tpu.memory_space<hbm>> -> memref<80xi32, #tpu.memory_space<hbm>>
        %dma_wait3A_137 = arith.constant 0 : i32
        %dma_wait3A_138 = tpu.memref_slice %arg2[%dma_wait3A_137] : memref<320000xi32, #tpu.memory_space<hbm>> -> memref<80xi32, #tpu.memory_space<hbm>>
        tpu.wait_dma2 semaphore(%arg19 : memref<!tpu.dma_semaphore, #tpu.memory_space<semaphore_mem>>) src(%dma_wait3A_138 : memref<80xi32, #tpu.memory_space<hbm>>) dst(%arg10 : memref<80xi32, #tpu.memory_space<vmem>>)
        %dma_start3A_139 = arith.constant 0 : i32
        %dma_start3A_140 = arith.constant 0 : i32
        %dma_start3A_141 = tpu.memref_slice %arg4[%dma_start3A_139, %dma_start3A_140] : memref<10000x128xf32, #tpu.memory_space<hbm>> -> memref<10000x128xf32, #tpu.memory_space<hbm>>
        tpu.enqueue_indirect_dma source(%dma_start3A_141 : memref<10000x128xf32, #tpu.memory_space<hbm>>) target(%arg16 : memref<80x128xf32, #tpu.memory_space<vmem>>) offsets(%arg10 : memref<80xi32, #tpu.memory_space<vmem>>) semaphore(%arg25 : memref<!tpu.dma_semaphore, #tpu.memory_space<semaphore_mem>>)
        %dma_wait3A_142 = arith.constant 0 : i32
        %dma_wait3A_143 = arith.constant 0 : i32
        %dma_wait3A_144 = tpu.memref_slice %arg6[%dma_wait3A_142, %dma_wait3A_143] : memref<10000x128xf32, #tpu.memory_space<hbm>> -> memref<80x128xf32, #tpu.memory_space<hbm>>
        %dma_wait3A_145 = arith.constant 0 : i32
        %dma_wait3A_146 = arith.constant 0 : i32
        %dma_wait3A_147 = tpu.memref_slice %arg6[%dma_wait3A_145, %dma_wait3A_146] : memref<10000x128xf32, #tpu.memory_space<hbm>> -> memref<80x128xf32, #tpu.memory_space<hbm>>
        tpu.wait_dma2 semaphore(%arg24 : memref<!tpu.dma_semaphore, #tpu.memory_space<semaphore_mem>>) src(%dma_wait3A_147 : memref<80x128xf32, #tpu.memory_space<hbm>>) dst(%arg15 : memref<80x128xf32, #tpu.memory_space<vmem>>)
        %dma_wait3A_148 = arith.constant 0 : i32
        %dma_wait3A_149 = tpu.memref_slice %arg3[%dma_wait3A_148] : memref<320000xi32, #tpu.memory_space<hbm>> -> memref<80xi32, #tpu.memory_space<hbm>>
        %dma_wait3A_150 = arith.constant 0 : i32
        %dma_wait3A_151 = tpu.memref_slice %arg3[%dma_wait3A_150] : memref<320000xi32, #tpu.memory_space<hbm>> -> memref<80xi32, #tpu.memory_space<hbm>>
        tpu.wait_dma2 semaphore(%arg21 : memref<!tpu.dma_semaphore, #tpu.memory_space<semaphore_mem>>) src(%dma_wait3A_151 : memref<80xi32, #tpu.memory_space<hbm>>) dst(%arg12 : memref<80xi32, #tpu.memory_space<vmem>>)
        "tpu.region"() ({
          %run_scoped3A = tpu.sem_alloc : memref<!tpu.dma_semaphore, #tpu.memory_space<semaphore_mem>>
          %dma_start3A_222 = arith.constant 0 : i32
          %dma_start3A_223 = arith.constant 0 : i32
          %dma_start3A_224 = tpu.memref_slice %arg8[%dma_start3A_222, %dma_start3A_223] : memref<10000x128xf32, #tpu.memory_space<vmem_shared>> -> memref<10000x128xf32, #tpu.memory_space<vmem_shared>>
          tpu.enqueue_indirect_dma source(%arg15 : memref<80x128xf32, #tpu.memory_space<vmem>>) target(%dma_start3A_224 : memref<10000x128xf32, #tpu.memory_space<vmem_shared>>) offsets(%arg12 : memref<80xi32, #tpu.memory_space<vmem>>) semaphore(%run_scoped3A : memref<!tpu.dma_semaphore, #tpu.memory_space<semaphore_mem>>) {add = true}
          %dma_wait3A_225 = arith.constant 0 : i32
          %dma_wait3A_226 = arith.constant 0 : i32
          %dma_wait3A_227 = tpu.memref_slice %arg8[%dma_wait3A_225, %dma_wait3A_226] : memref<10000x128xf32, #tpu.memory_space<vmem_shared>> -> memref<10000x128xf32, #tpu.memory_space<vmem_shared>>
          tpu.wait_indirect_dma semaphore(%run_scoped3A : memref<!tpu.dma_semaphore, #tpu.memory_space<semaphore_mem>>) src(%arg15 : memref<80x128xf32, #tpu.memory_space<vmem>>) dst(%dma_wait3A_227 : memref<10000x128xf32, #tpu.memory_space<vmem_shared>>)
          tpu.yield
        }) : () -> ()
        %add3A_152 = arith.constant 3 : i32
        %add3A_153 = arith.addi %mul3A_134, %add3A_152 : i32
        %mul3A_154 = arith.constant 80 : i32
        %mul3A_155 = arith.muli %add3A_153, %mul3A_154 : i32
        %add3A_156 = arith.addi %mul3A_2, %mul3A_155 : i32
        %dma_start3A_157 = tpu.memref_slice %arg2[%add3A_156] : memref<320000xi32, #tpu.memory_space<hbm>> -> memref<80xi32, #tpu.memory_space<hbm>>
        %dma_start3A_158 = tpu.memref_slice %arg2[%add3A_156] : memref<320000xi32, #tpu.memory_space<hbm>> -> memref<80xi32, #tpu.memory_space<hbm>>
        tpu.enqueue_dma source(%dma_start3A_158 : memref<80xi32, #tpu.memory_space<hbm>>) target(%arg9 : memref<80xi32, #tpu.memory_space<vmem>>) target_semaphore(%arg18 : memref<!tpu.dma_semaphore, #tpu.memory_space<semaphore_mem>>)
        %mul3A_159 = arith.constant 80 : i32
        %mul3A_160 = arith.muli %add3A_153, %mul3A_159 : i32
        %add3A_161 = arith.addi %mul3A_2, %mul3A_160 : i32
        %dma_start3A_162 = tpu.memref_slice %arg3[%add3A_161] : memref<320000xi32, #tpu.memory_space<hbm>> -> memref<80xi32, #tpu.memory_space<hbm>>
        %dma_start3A_163 = tpu.memref_slice %arg3[%add3A_161] : memref<320000xi32, #tpu.memory_space<hbm>> -> memref<80xi32, #tpu.memory_space<hbm>>
        tpu.enqueue_dma source(%dma_start3A_163 : memref<80xi32, #tpu.memory_space<hbm>>) target(%arg12 : memref<80xi32, #tpu.memory_space<vmem>>) target_semaphore(%arg21 : memref<!tpu.dma_semaphore, #tpu.memory_space<semaphore_mem>>)
        %dma_wait3A_164 = arith.constant 0 : i32
        %dma_wait3A_165 = tpu.memref_slice %arg2[%dma_wait3A_164] : memref<320000xi32, #tpu.memory_space<hbm>> -> memref<80xi32, #tpu.memory_space<hbm>>
        %dma_wait3A_166 = arith.constant 0 : i32
        %dma_wait3A_167 = tpu.memref_slice %arg2[%dma_wait3A_166] : memref<320000xi32, #tpu.memory_space<hbm>> -> memref<80xi32, #tpu.memory_space<hbm>>
        tpu.wait_dma2 semaphore(%arg20 : memref<!tpu.dma_semaphore, #tpu.memory_space<semaphore_mem>>) src(%dma_wait3A_167 : memref<80xi32, #tpu.memory_space<hbm>>) dst(%arg11 : memref<80xi32, #tpu.memory_space<vmem>>)
        %dma_start3A_168 = arith.constant 0 : i32
        %dma_start3A_169 = arith.constant 0 : i32
        %dma_start3A_170 = tpu.memref_slice %arg4[%dma_start3A_168, %dma_start3A_169] : memref<10000x128xf32, #tpu.memory_space<hbm>> -> memref<10000x128xf32, #tpu.memory_space<hbm>>
        tpu.enqueue_indirect_dma source(%dma_start3A_170 : memref<10000x128xf32, #tpu.memory_space<hbm>>) target(%arg17 : memref<80x128xf32, #tpu.memory_space<vmem>>) offsets(%arg11 : memref<80xi32, #tpu.memory_space<vmem>>) semaphore(%arg26 : memref<!tpu.dma_semaphore, #tpu.memory_space<semaphore_mem>>)
        %dma_wait3A_171 = arith.constant 0 : i32
        %dma_wait3A_172 = arith.constant 0 : i32
        %dma_wait3A_173 = tpu.memref_slice %arg6[%dma_wait3A_171, %dma_wait3A_172] : memref<10000x128xf32, #tpu.memory_space<hbm>> -> memref<80x128xf32, #tpu.memory_space<hbm>>
        %dma_wait3A_174 = arith.constant 0 : i32
        %dma_wait3A_175 = arith.constant 0 : i32
        %dma_wait3A_176 = tpu.memref_slice %arg6[%dma_wait3A_174, %dma_wait3A_175] : memref<10000x128xf32, #tpu.memory_space<hbm>> -> memref<80x128xf32, #tpu.memory_space<hbm>>
        tpu.wait_dma2 semaphore(%arg25 : memref<!tpu.dma_semaphore, #tpu.memory_space<semaphore_mem>>) src(%dma_wait3A_176 : memref<80x128xf32, #tpu.memory_space<hbm>>) dst(%arg16 : memref<80x128xf32, #tpu.memory_space<vmem>>)
        %dma_wait3A_177 = arith.constant 0 : i32
        %dma_wait3A_178 = tpu.memref_slice %arg3[%dma_wait3A_177] : memref<320000xi32, #tpu.memory_space<hbm>> -> memref<80xi32, #tpu.memory_space<hbm>>
        %dma_wait3A_179 = arith.constant 0 : i32
        %dma_wait3A_180 = tpu.memref_slice %arg3[%dma_wait3A_179] : memref<320000xi32, #tpu.memory_space<hbm>> -> memref<80xi32, #tpu.memory_space<hbm>>
        tpu.wait_dma2 semaphore(%arg22 : memref<!tpu.dma_semaphore, #tpu.memory_space<semaphore_mem>>) src(%dma_wait3A_180 : memref<80xi32, #tpu.memory_space<hbm>>) dst(%arg13 : memref<80xi32, #tpu.memory_space<vmem>>)
        "tpu.region"() ({
          %run_scoped3A = tpu.sem_alloc : memref<!tpu.dma_semaphore, #tpu.memory_space<semaphore_mem>>
          %dma_start3A_222 = arith.constant 0 : i32
          %dma_start3A_223 = arith.constant 0 : i32
          %dma_start3A_224 = tpu.memref_slice %arg8[%dma_start3A_222, %dma_start3A_223] : memref<10000x128xf32, #tpu.memory_space<vmem_shared>> -> memref<10000x128xf32, #tpu.memory_space<vmem_shared>>
          tpu.enqueue_indirect_dma source(%arg16 : memref<80x128xf32, #tpu.memory_space<vmem>>) target(%dma_start3A_224 : memref<10000x128xf32, #tpu.memory_space<vmem_shared>>) offsets(%arg13 : memref<80xi32, #tpu.memory_space<vmem>>) semaphore(%run_scoped3A : memref<!tpu.dma_semaphore, #tpu.memory_space<semaphore_mem>>) {add = true}
          %dma_wait3A_225 = arith.constant 0 : i32
          %dma_wait3A_226 = arith.constant 0 : i32
          %dma_wait3A_227 = tpu.memref_slice %arg8[%dma_wait3A_225, %dma_wait3A_226] : memref<10000x128xf32, #tpu.memory_space<vmem_shared>> -> memref<10000x128xf32, #tpu.memory_space<vmem_shared>>
          tpu.wait_indirect_dma semaphore(%run_scoped3A : memref<!tpu.dma_semaphore, #tpu.memory_space<semaphore_mem>>) src(%arg16 : memref<80x128xf32, #tpu.memory_space<vmem>>) dst(%dma_wait3A_227 : memref<10000x128xf32, #tpu.memory_space<vmem_shared>>)
          tpu.yield
        }) : () -> ()
        %add3A_181 = arith.constant 4 : i32
        %add3A_182 = arith.addi %mul3A_134, %add3A_181 : i32
        %mul3A_183 = arith.constant 80 : i32
        %mul3A_184 = arith.muli %add3A_182, %mul3A_183 : i32
        %add3A_185 = arith.addi %mul3A_2, %mul3A_184 : i32
        %dma_start3A_186 = tpu.memref_slice %arg2[%add3A_185] : memref<320000xi32, #tpu.memory_space<hbm>> -> memref<80xi32, #tpu.memory_space<hbm>>
        %dma_start3A_187 = tpu.memref_slice %arg2[%add3A_185] : memref<320000xi32, #tpu.memory_space<hbm>> -> memref<80xi32, #tpu.memory_space<hbm>>
        tpu.enqueue_dma source(%dma_start3A_187 : memref<80xi32, #tpu.memory_space<hbm>>) target(%arg10 : memref<80xi32, #tpu.memory_space<vmem>>) target_semaphore(%arg19 : memref<!tpu.dma_semaphore, #tpu.memory_space<semaphore_mem>>)
        %mul3A_188 = arith.constant 80 : i32
        %mul3A_189 = arith.muli %add3A_182, %mul3A_188 : i32
        %add3A_190 = arith.addi %mul3A_2, %mul3A_189 : i32
        %dma_start3A_191 = tpu.memref_slice %arg3[%add3A_190] : memref<320000xi32, #tpu.memory_space<hbm>> -> memref<80xi32, #tpu.memory_space<hbm>>
        %dma_start3A_192 = tpu.memref_slice %arg3[%add3A_190] : memref<320000xi32, #tpu.memory_space<hbm>> -> memref<80xi32, #tpu.memory_space<hbm>>
        tpu.enqueue_dma source(%dma_start3A_192 : memref<80xi32, #tpu.memory_space<hbm>>) target(%arg13 : memref<80xi32, #tpu.memory_space<vmem>>) target_semaphore(%arg22 : memref<!tpu.dma_semaphore, #tpu.memory_space<semaphore_mem>>)
        %dma_wait3A_193 = arith.constant 0 : i32
        %dma_wait3A_194 = tpu.memref_slice %arg2[%dma_wait3A_193] : memref<320000xi32, #tpu.memory_space<hbm>> -> memref<80xi32, #tpu.memory_space<hbm>>
        %dma_wait3A_195 = arith.constant 0 : i32
        %dma_wait3A_196 = tpu.memref_slice %arg2[%dma_wait3A_195] : memref<320000xi32, #tpu.memory_space<hbm>> -> memref<80xi32, #tpu.memory_space<hbm>>
        tpu.wait_dma2 semaphore(%arg18 : memref<!tpu.dma_semaphore, #tpu.memory_space<semaphore_mem>>) src(%dma_wait3A_196 : memref<80xi32, #tpu.memory_space<hbm>>) dst(%arg9 : memref<80xi32, #tpu.memory_space<vmem>>)
        %dma_start3A_197 = arith.constant 0 : i32
        %dma_start3A_198 = arith.constant 0 : i32
        %dma_start3A_199 = tpu.memref_slice %arg4[%dma_start3A_197, %dma_start3A_198] : memref<10000x128xf32, #tpu.memory_space<hbm>> -> memref<10000x128xf32, #tpu.memory_space<hbm>>
        tpu.enqueue_indirect_dma source(%dma_start3A_199 : memref<10000x128xf32, #tpu.memory_space<hbm>>) target(%arg15 : memref<80x128xf32, #tpu.memory_space<vmem>>) offsets(%arg9 : memref<80xi32, #tpu.memory_space<vmem>>) semaphore(%arg24 : memref<!tpu.dma_semaphore, #tpu.memory_space<semaphore_mem>>)
        %dma_wait3A_200 = arith.constant 0 : i32
        %dma_wait3A_201 = arith.constant 0 : i32
        %dma_wait3A_202 = tpu.memref_slice %arg6[%dma_wait3A_200, %dma_wait3A_201] : memref<10000x128xf32, #tpu.memory_space<hbm>> -> memref<80x128xf32, #tpu.memory_space<hbm>>
        %dma_wait3A_203 = arith.constant 0 : i32
        %dma_wait3A_204 = arith.constant 0 : i32
        %dma_wait3A_205 = tpu.memref_slice %arg6[%dma_wait3A_203, %dma_wait3A_204] : memref<10000x128xf32, #tpu.memory_space<hbm>> -> memref<80x128xf32, #tpu.memory_space<hbm>>
        tpu.wait_dma2 semaphore(%arg26 : memref<!tpu.dma_semaphore, #tpu.memory_space<semaphore_mem>>) src(%dma_wait3A_205 : memref<80x128xf32, #tpu.memory_space<hbm>>) dst(%arg17 : memref<80x128xf32, #tpu.memory_space<vmem>>)
        %dma_wait3A_206 = arith.constant 0 : i32
        %dma_wait3A_207 = tpu.memref_slice %arg3[%dma_wait3A_206] : memref<320000xi32, #tpu.memory_space<hbm>> -> memref<80xi32, #tpu.memory_space<hbm>>
        %dma_wait3A_208 = arith.constant 0 : i32
        %dma_wait3A_209 = tpu.memref_slice %arg3[%dma_wait3A_208] : memref<320000xi32, #tpu.memory_space<hbm>> -> memref<80xi32, #tpu.memory_space<hbm>>
        tpu.wait_dma2 semaphore(%arg23 : memref<!tpu.dma_semaphore, #tpu.memory_space<semaphore_mem>>) src(%dma_wait3A_209 : memref<80xi32, #tpu.memory_space<hbm>>) dst(%arg14 : memref<80xi32, #tpu.memory_space<vmem>>)
        "tpu.region"() ({
          %run_scoped3A = tpu.sem_alloc : memref<!tpu.dma_semaphore, #tpu.memory_space<semaphore_mem>>
          %dma_start3A_222 = arith.constant 0 : i32
          %dma_start3A_223 = arith.constant 0 : i32
          %dma_start3A_224 = tpu.memref_slice %arg8[%dma_start3A_222, %dma_start3A_223] : memref<10000x128xf32, #tpu.memory_space<vmem_shared>> -> memref<10000x128xf32, #tpu.memory_space<vmem_shared>>
          tpu.enqueue_indirect_dma source(%arg17 : memref<80x128xf32, #tpu.memory_space<vmem>>) target(%dma_start3A_224 : memref<10000x128xf32, #tpu.memory_space<vmem_shared>>) offsets(%arg14 : memref<80xi32, #tpu.memory_space<vmem>>) semaphore(%run_scoped3A : memref<!tpu.dma_semaphore, #tpu.memory_space<semaphore_mem>>) {add = true}
          %dma_wait3A_225 = arith.constant 0 : i32
          %dma_wait3A_226 = arith.constant 0 : i32
          %dma_wait3A_227 = tpu.memref_slice %arg8[%dma_wait3A_225, %dma_wait3A_226] : memref<10000x128xf32, #tpu.memory_space<vmem_shared>> -> memref<10000x128xf32, #tpu.memory_space<vmem_shared>>
          tpu.wait_indirect_dma semaphore(%run_scoped3A : memref<!tpu.dma_semaphore, #tpu.memory_space<semaphore_mem>>) src(%arg17 : memref<80x128xf32, #tpu.memory_space<vmem>>) dst(%dma_wait3A_227 : memref<10000x128xf32, #tpu.memory_space<vmem_shared>>)
          tpu.yield
        }) : () -> ()
        %add3A_210 = arith.constant 5 : i32
        %add3A_211 = arith.addi %mul3A_134, %add3A_210 : i32
        %mul3A_212 = arith.constant 80 : i32
        %mul3A_213 = arith.muli %add3A_211, %mul3A_212 : i32
        %add3A_214 = arith.addi %mul3A_2, %mul3A_213 : i32
        %dma_start3A_215 = tpu.memref_slice %arg2[%add3A_214] : memref<320000xi32, #tpu.memory_space<hbm>> -> memref<80xi32, #tpu.memory_space<hbm>>
        %dma_start3A_216 = tpu.memref_slice %arg2[%add3A_214] : memref<320000xi32, #tpu.memory_space<hbm>> -> memref<80xi32, #tpu.memory_space<hbm>>
        tpu.enqueue_dma source(%dma_start3A_216 : memref<80xi32, #tpu.memory_space<hbm>>) target(%arg11 : memref<80xi32, #tpu.memory_space<vmem>>) target_semaphore(%arg20 : memref<!tpu.dma_semaphore, #tpu.memory_space<semaphore_mem>>)
        %mul3A_217 = arith.constant 80 : i32
        %mul3A_218 = arith.muli %add3A_211, %mul3A_217 : i32
        %add3A_219 = arith.addi %mul3A_2, %mul3A_218 : i32
        %dma_start3A_220 = tpu.memref_slice %arg3[%add3A_219] : memref<320000xi32, #tpu.memory_space<hbm>> -> memref<80xi32, #tpu.memory_space<hbm>>
        %dma_start3A_221 = tpu.memref_slice %arg3[%add3A_219] : memref<320000xi32, #tpu.memory_space<hbm>> -> memref<80xi32, #tpu.memory_space<hbm>>
        tpu.enqueue_dma source(%dma_start3A_221 : memref<80xi32, #tpu.memory_space<hbm>>) target(%arg14 : memref<80xi32, #tpu.memory_space<vmem>>) target_semaphore(%arg23 : memref<!tpu.dma_semaphore, #tpu.memory_space<semaphore_mem>>)
      }
      %scan3A_62 = arith.constant 82 : i32
      %dma_wait3A_63 = arith.constant 0 : i32
      %dma_wait3A_64 = tpu.memref_slice %arg2[%dma_wait3A_63] : memref<320000xi32, #tpu.memory_space<hbm>> -> memref<80xi32, #tpu.memory_space<hbm>>
      %dma_wait3A_65 = arith.constant 0 : i32
      %dma_wait3A_66 = tpu.memref_slice %arg2[%dma_wait3A_65] : memref<320000xi32, #tpu.memory_space<hbm>> -> memref<80xi32, #tpu.memory_space<hbm>>
      tpu.wait_dma2 semaphore(%arg19 : memref<!tpu.dma_semaphore, #tpu.memory_space<semaphore_mem>>) src(%dma_wait3A_66 : memref<80xi32, #tpu.memory_space<hbm>>) dst(%arg10 : memref<80xi32, #tpu.memory_space<vmem>>)
      %dma_start3A_67 = arith.constant 0 : i32
      %dma_start3A_68 = arith.constant 0 : i32
      %dma_start3A_69 = tpu.memref_slice %arg4[%dma_start3A_67, %dma_start3A_68] : memref<10000x128xf32, #tpu.memory_space<hbm>> -> memref<10000x128xf32, #tpu.memory_space<hbm>>
      tpu.enqueue_indirect_dma source(%dma_start3A_69 : memref<10000x128xf32, #tpu.memory_space<hbm>>) target(%arg16 : memref<80x128xf32, #tpu.memory_space<vmem>>) offsets(%arg10 : memref<80xi32, #tpu.memory_space<vmem>>) semaphore(%arg25 : memref<!tpu.dma_semaphore, #tpu.memory_space<semaphore_mem>>)
      %dma_wait3A_70 = arith.constant 0 : i32
      %dma_wait3A_71 = arith.constant 0 : i32
      %dma_wait3A_72 = tpu.memref_slice %arg6[%dma_wait3A_70, %dma_wait3A_71] : memref<10000x128xf32, #tpu.memory_space<hbm>> -> memref<80x128xf32, #tpu.memory_space<hbm>>
      %dma_wait3A_73 = arith.constant 0 : i32
      %dma_wait3A_74 = arith.constant 0 : i32
      %dma_wait3A_75 = tpu.memref_slice %arg6[%dma_wait3A_73, %dma_wait3A_74] : memref<10000x128xf32, #tpu.memory_space<hbm>> -> memref<80x128xf32, #tpu.memory_space<hbm>>
      tpu.wait_dma2 semaphore(%arg24 : memref<!tpu.dma_semaphore, #tpu.memory_space<semaphore_mem>>) src(%dma_wait3A_75 : memref<80x128xf32, #tpu.memory_space<hbm>>) dst(%arg15 : memref<80x128xf32, #tpu.memory_space<vmem>>)
      %dma_wait3A_76 = arith.constant 0 : i32
      %dma_wait3A_77 = tpu.memref_slice %arg3[%dma_wait3A_76] : memref<320000xi32, #tpu.memory_space<hbm>> -> memref<80xi32, #tpu.memory_space<hbm>>
      %dma_wait3A_78 = arith.constant 0 : i32
      %dma_wait3A_79 = tpu.memref_slice %arg3[%dma_wait3A_78] : memref<320000xi32, #tpu.memory_space<hbm>> -> memref<80xi32, #tpu.memory_space<hbm>>
      tpu.wait_dma2 semaphore(%arg21 : memref<!tpu.dma_semaphore, #tpu.memory_space<semaphore_mem>>) src(%dma_wait3A_79 : memref<80xi32, #tpu.memory_space<hbm>>) dst(%arg12 : memref<80xi32, #tpu.memory_space<vmem>>)
      "tpu.region"() ({
        %run_scoped3A = tpu.sem_alloc : memref<!tpu.dma_semaphore, #tpu.memory_space<semaphore_mem>>
        %dma_start3A_132 = arith.constant 0 : i32
        %dma_start3A_133 = arith.constant 0 : i32
        %dma_start3A_134 = tpu.memref_slice %arg8[%dma_start3A_132, %dma_start3A_133] : memref<10000x128xf32, #tpu.memory_space<vmem_shared>> -> memref<10000x128xf32, #tpu.memory_space<vmem_shared>>
        tpu.enqueue_indirect_dma source(%arg15 : memref<80x128xf32, #tpu.memory_space<vmem>>) target(%dma_start3A_134 : memref<10000x128xf32, #tpu.memory_space<vmem_shared>>) offsets(%arg12 : memref<80xi32, #tpu.memory_space<vmem>>) semaphore(%run_scoped3A : memref<!tpu.dma_semaphore, #tpu.memory_space<semaphore_mem>>) {add = true}
        %dma_wait3A_135 = arith.constant 0 : i32
        %dma_wait3A_136 = arith.constant 0 : i32
        %dma_wait3A_137 = tpu.memref_slice %arg8[%dma_wait3A_135, %dma_wait3A_136] : memref<10000x128xf32, #tpu.memory_space<vmem_shared>> -> memref<10000x128xf32, #tpu.memory_space<vmem_shared>>
        tpu.wait_indirect_dma semaphore(%run_scoped3A : memref<!tpu.dma_semaphore, #tpu.memory_space<semaphore_mem>>) src(%arg15 : memref<80x128xf32, #tpu.memory_space<vmem>>) dst(%dma_wait3A_137 : memref<10000x128xf32, #tpu.memory_space<vmem_shared>>)
        tpu.yield
      }) : () -> ()
      %add3A_80 = arith.constant 19920 : i32
      %add3A_81 = arith.addi %mul3A_2, %add3A_80 : i32
      %dma_start3A_82 = tpu.memref_slice %arg2[%add3A_81] : memref<320000xi32, #tpu.memory_space<hbm>> -> memref<80xi32, #tpu.memory_space<hbm>>
      %dma_start3A_83 = tpu.memref_slice %arg2[%add3A_81] : memref<320000xi32, #tpu.memory_space<hbm>> -> memref<80xi32, #tpu.memory_space<hbm>>
      tpu.enqueue_dma source(%dma_start3A_83 : memref<80xi32, #tpu.memory_space<hbm>>) target(%arg9 : memref<80xi32, #tpu.memory_space<vmem>>) target_semaphore(%arg18 : memref<!tpu.dma_semaphore, #tpu.memory_space<semaphore_mem>>)
      %add3A_84 = arith.constant 19920 : i32
      %add3A_85 = arith.addi %mul3A_2, %add3A_84 : i32
      %dma_start3A_86 = tpu.memref_slice %arg3[%add3A_85] : memref<320000xi32, #tpu.memory_space<hbm>> -> memref<80xi32, #tpu.memory_space<hbm>>
      %dma_start3A_87 = tpu.memref_slice %arg3[%add3A_85] : memref<320000xi32, #tpu.memory_space<hbm>> -> memref<80xi32, #tpu.memory_space<hbm>>
      tpu.enqueue_dma source(%dma_start3A_87 : memref<80xi32, #tpu.memory_space<hbm>>) target(%arg12 : memref<80xi32, #tpu.memory_space<vmem>>) target_semaphore(%arg21 : memref<!tpu.dma_semaphore, #tpu.memory_space<semaphore_mem>>)
      %dma_wait3A_88 = arith.constant 0 : i32
      %dma_wait3A_89 = tpu.memref_slice %arg2[%dma_wait3A_88] : memref<320000xi32, #tpu.memory_space<hbm>> -> memref<80xi32, #tpu.memory_space<hbm>>
      %dma_wait3A_90 = arith.constant 0 : i32
      %dma_wait3A_91 = tpu.memref_slice %arg2[%dma_wait3A_90] : memref<320000xi32, #tpu.memory_space<hbm>> -> memref<80xi32, #tpu.memory_space<hbm>>
      tpu.wait_dma2 semaphore(%arg20 : memref<!tpu.dma_semaphore, #tpu.memory_space<semaphore_mem>>) src(%dma_wait3A_91 : memref<80xi32, #tpu.memory_space<hbm>>) dst(%arg11 : memref<80xi32, #tpu.memory_space<vmem>>)
      %dma_start3A_92 = arith.constant 0 : i32
      %dma_start3A_93 = arith.constant 0 : i32
      %dma_start3A_94 = tpu.memref_slice %arg4[%dma_start3A_92, %dma_start3A_93] : memref<10000x128xf32, #tpu.memory_space<hbm>> -> memref<10000x128xf32, #tpu.memory_space<hbm>>
      tpu.enqueue_indirect_dma source(%dma_start3A_94 : memref<10000x128xf32, #tpu.memory_space<hbm>>) target(%arg17 : memref<80x128xf32, #tpu.memory_space<vmem>>) offsets(%arg11 : memref<80xi32, #tpu.memory_space<vmem>>) semaphore(%arg26 : memref<!tpu.dma_semaphore, #tpu.memory_space<semaphore_mem>>)
      %dma_wait3A_95 = arith.constant 0 : i32
      %dma_wait3A_96 = arith.constant 0 : i32
      %dma_wait3A_97 = tpu.memref_slice %arg6[%dma_wait3A_95, %dma_wait3A_96] : memref<10000x128xf32, #tpu.memory_space<hbm>> -> memref<80x128xf32, #tpu.memory_space<hbm>>
      %dma_wait3A_98 = arith.constant 0 : i32
      %dma_wait3A_99 = arith.constant 0 : i32
      %dma_wait3A_100 = tpu.memref_slice %arg6[%dma_wait3A_98, %dma_wait3A_99] : memref<10000x128xf32, #tpu.memory_space<hbm>> -> memref<80x128xf32, #tpu.memory_space<hbm>>
      tpu.wait_dma2 semaphore(%arg25 : memref<!tpu.dma_semaphore, #tpu.memory_space<semaphore_mem>>) src(%dma_wait3A_100 : memref<80x128xf32, #tpu.memory_space<hbm>>) dst(%arg16 : memref<80x128xf32, #tpu.memory_space<vmem>>)
      %dma_wait3A_101 = arith.constant 0 : i32
      %dma_wait3A_102 = tpu.memref_slice %arg3[%dma_wait3A_101] : memref<320000xi32, #tpu.memory_space<hbm>> -> memref<80xi32, #tpu.memory_space<hbm>>
      %dma_wait3A_103 = arith.constant 0 : i32
      %dma_wait3A_104 = tpu.memref_slice %arg3[%dma_wait3A_103] : memref<320000xi32, #tpu.memory_space<hbm>> -> memref<80xi32, #tpu.memory_space<hbm>>
      tpu.wait_dma2 semaphore(%arg22 : memref<!tpu.dma_semaphore, #tpu.memory_space<semaphore_mem>>) src(%dma_wait3A_104 : memref<80xi32, #tpu.memory_space<hbm>>) dst(%arg13 : memref<80xi32, #tpu.memory_space<vmem>>)
      "tpu.region"() ({
        %run_scoped3A = tpu.sem_alloc : memref<!tpu.dma_semaphore, #tpu.memory_space<semaphore_mem>>
        %dma_start3A_132 = arith.constant 0 : i32
        %dma_start3A_133 = arith.constant 0 : i32
        %dma_start3A_134 = tpu.memref_slice %arg8[%dma_start3A_132, %dma_start3A_133] : memref<10000x128xf32, #tpu.memory_space<vmem_shared>> -> memref<10000x128xf32, #tpu.memory_space<vmem_shared>>
        tpu.enqueue_indirect_dma source(%arg16 : memref<80x128xf32, #tpu.memory_space<vmem>>) target(%dma_start3A_134 : memref<10000x128xf32, #tpu.memory_space<vmem_shared>>) offsets(%arg13 : memref<80xi32, #tpu.memory_space<vmem>>) semaphore(%run_scoped3A : memref<!tpu.dma_semaphore, #tpu.memory_space<semaphore_mem>>) {add = true}
        %dma_wait3A_135 = arith.constant 0 : i32
        %dma_wait3A_136 = arith.constant 0 : i32
        %dma_wait3A_137 = tpu.memref_slice %arg8[%dma_wait3A_135, %dma_wait3A_136] : memref<10000x128xf32, #tpu.memory_space<vmem_shared>> -> memref<10000x128xf32, #tpu.memory_space<vmem_shared>>
        tpu.wait_indirect_dma semaphore(%run_scoped3A : memref<!tpu.dma_semaphore, #tpu.memory_space<semaphore_mem>>) src(%arg16 : memref<80x128xf32, #tpu.memory_space<vmem>>) dst(%dma_wait3A_137 : memref<10000x128xf32, #tpu.memory_space<vmem_shared>>)
        tpu.yield
      }) : () -> ()
      %dma_wait3A_105 = arith.constant 0 : i32
      %dma_wait3A_106 = tpu.memref_slice %arg2[%dma_wait3A_105] : memref<320000xi32, #tpu.memory_space<hbm>> -> memref<80xi32, #tpu.memory_space<hbm>>
      %dma_wait3A_107 = arith.constant 0 : i32
      %dma_wait3A_108 = tpu.memref_slice %arg2[%dma_wait3A_107] : memref<320000xi32, #tpu.memory_space<hbm>> -> memref<80xi32, #tpu.memory_space<hbm>>
      tpu.wait_dma2 semaphore(%arg18 : memref<!tpu.dma_semaphore, #tpu.memory_space<semaphore_mem>>) src(%dma_wait3A_108 : memref<80xi32, #tpu.memory_space<hbm>>) dst(%arg9 : memref<80xi32, #tpu.memory_space<vmem>>)
      %dma_start3A_109 = arith.constant 0 : i32
      %dma_start3A_110 = arith.constant 0 : i32
      %dma_start3A_111 = tpu.memref_slice %arg4[%dma_start3A_109, %dma_start3A_110] : memref<10000x128xf32, #tpu.memory_space<hbm>> -> memref<10000x128xf32, #tpu.memory_space<hbm>>
      tpu.enqueue_indirect_dma source(%dma_start3A_111 : memref<10000x128xf32, #tpu.memory_space<hbm>>) target(%arg15 : memref<80x128xf32, #tpu.memory_space<vmem>>) offsets(%arg9 : memref<80xi32, #tpu.memory_space<vmem>>) semaphore(%arg24 : memref<!tpu.dma_semaphore, #tpu.memory_space<semaphore_mem>>)
      %dma_wait3A_112 = arith.constant 0 : i32
      %dma_wait3A_113 = arith.constant 0 : i32
      %dma_wait3A_114 = tpu.memref_slice %arg6[%dma_wait3A_112, %dma_wait3A_113] : memref<10000x128xf32, #tpu.memory_space<hbm>> -> memref<80x128xf32, #tpu.memory_space<hbm>>
      %dma_wait3A_115 = arith.constant 0 : i32
      %dma_wait3A_116 = arith.constant 0 : i32
      %dma_wait3A_117 = tpu.memref_slice %arg6[%dma_wait3A_115, %dma_wait3A_116] : memref<10000x128xf32, #tpu.memory_space<hbm>> -> memref<80x128xf32, #tpu.memory_space<hbm>>
      tpu.wait_dma2 semaphore(%arg26 : memref<!tpu.dma_semaphore, #tpu.memory_space<semaphore_mem>>) src(%dma_wait3A_117 : memref<80x128xf32, #tpu.memory_space<hbm>>) dst(%arg17 : memref<80x128xf32, #tpu.memory_space<vmem>>)
      %dma_wait3A_118 = arith.constant 0 : i32
      %dma_wait3A_119 = tpu.memref_slice %arg3[%dma_wait3A_118] : memref<320000xi32, #tpu.memory_space<hbm>> -> memref<80xi32, #tpu.memory_space<hbm>>
      %dma_wait3A_120 = arith.constant 0 : i32
      %dma_wait3A_121 = tpu.memref_slice %arg3[%dma_wait3A_120] : memref<320000xi32, #tpu.memory_space<hbm>> -> memref<80xi32, #tpu.memory_space<hbm>>
      tpu.wait_dma2 semaphore(%arg23 : memref<!tpu.dma_semaphore, #tpu.memory_space<semaphore_mem>>) src(%dma_wait3A_121 : memref<80xi32, #tpu.memory_space<hbm>>) dst(%arg14 : memref<80xi32, #tpu.memory_space<vmem>>)
      "tpu.region"() ({
        %run_scoped3A = tpu.sem_alloc : memref<!tpu.dma_semaphore, #tpu.memory_space<semaphore_mem>>
        %dma_start3A_132 = arith.constant 0 : i32
        %dma_start3A_133 = arith.constant 0 : i32
        %dma_start3A_134 = tpu.memref_slice %arg8[%dma_start3A_132, %dma_start3A_133] : memref<10000x128xf32, #tpu.memory_space<vmem_shared>> -> memref<10000x128xf32, #tpu.memory_space<vmem_shared>>
        tpu.enqueue_indirect_dma source(%arg17 : memref<80x128xf32, #tpu.memory_space<vmem>>) target(%dma_start3A_134 : memref<10000x128xf32, #tpu.memory_space<vmem_shared>>) offsets(%arg14 : memref<80xi32, #tpu.memory_space<vmem>>) semaphore(%run_scoped3A : memref<!tpu.dma_semaphore, #tpu.memory_space<semaphore_mem>>) {add = true}
        %dma_wait3A_135 = arith.constant 0 : i32
        %dma_wait3A_136 = arith.constant 0 : i32
        %dma_wait3A_137 = tpu.memref_slice %arg8[%dma_wait3A_135, %dma_wait3A_136] : memref<10000x128xf32, #tpu.memory_space<vmem_shared>> -> memref<10000x128xf32, #tpu.memory_space<vmem_shared>>
        tpu.wait_indirect_dma semaphore(%run_scoped3A : memref<!tpu.dma_semaphore, #tpu.memory_space<semaphore_mem>>) src(%arg17 : memref<80x128xf32, #tpu.memory_space<vmem>>) dst(%dma_wait3A_137 : memref<10000x128xf32, #tpu.memory_space<vmem_shared>>)
        tpu.yield
      }) : () -> ()
      %dma_wait3A_122 = arith.constant 0 : i32
      %dma_wait3A_123 = arith.constant 0 : i32
      %dma_wait3A_124 = tpu.memref_slice %arg6[%dma_wait3A_122, %dma_wait3A_123] : memref<10000x128xf32, #tpu.memory_space<hbm>> -> memref<80x128xf32, #tpu.memory_space<hbm>>
      %dma_wait3A_125 = arith.constant 0 : i32
      %dma_wait3A_126 = arith.constant 0 : i32
      %dma_wait3A_127 = tpu.memref_slice %arg6[%dma_wait3A_125, %dma_wait3A_126] : memref<10000x128xf32, #tpu.memory_space<hbm>> -> memref<80x128xf32, #tpu.memory_space<hbm>>
      tpu.wait_dma2 semaphore(%arg24 : memref<!tpu.dma_semaphore, #tpu.memory_space<semaphore_mem>>) src(%dma_wait3A_127 : memref<80x128xf32, #tpu.memory_space<hbm>>) dst(%arg15 : memref<80x128xf32, #tpu.memory_space<vmem>>)
      %dma_wait3A_128 = arith.constant 0 : i32
      %dma_wait3A_129 = tpu.memref_slice %arg3[%dma_wait3A_128] : memref<320000xi32, #tpu.memory_space<hbm>> -> memref<80xi32, #tpu.memory_space<hbm>>
      %dma_wait3A_130 = arith.constant 0 : i32
      %dma_wait3A_131 = tpu.memref_slice %arg3[%dma_wait3A_130] : memref<320000xi32, #tpu.memory_space<hbm>> -> memref<80xi32, #tpu.memory_space<hbm>>
      tpu.wait_dma2 semaphore(%arg21 : memref<!tpu.dma_semaphore, #tpu.memory_space<semaphore_mem>>) src(%dma_wait3A_131 : memref<80xi32, #tpu.memory_space<hbm>>) dst(%arg12 : memref<80xi32, #tpu.memory_space<vmem>>)
      "tpu.region"() ({
        %run_scoped3A = tpu.sem_alloc : memref<!tpu.dma_semaphore, #tpu.memory_space<semaphore_mem>>
        %dma_start3A_132 = arith.constant 0 : i32
        %dma_start3A_133 = arith.constant 0 : i32
        %dma_start3A_134 = tpu.memref_slice %arg8[%dma_start3A_132, %dma_start3A_133] : memref<10000x128xf32, #tpu.memory_space<vmem_shared>> -> memref<10000x128xf32, #tpu.memory_space<vmem_shared>>
        tpu.enqueue_indirect_dma source(%arg15 : memref<80x128xf32, #tpu.memory_space<vmem>>) target(%dma_start3A_134 : memref<10000x128xf32, #tpu.memory_space<vmem_shared>>) offsets(%arg12 : memref<80xi32, #tpu.memory_space<vmem>>) semaphore(%run_scoped3A : memref<!tpu.dma_semaphore, #tpu.memory_space<semaphore_mem>>) {add = true}
        %dma_wait3A_135 = arith.constant 0 : i32
        %dma_wait3A_136 = arith.constant 0 : i32
        %dma_wait3A_137 = tpu.memref_slice %arg8[%dma_wait3A_135, %dma_wait3A_136] : memref<10000x128xf32, #tpu.memory_space<vmem_shared>> -> memref<10000x128xf32, #tpu.memory_space<vmem_shared>>
        tpu.wait_indirect_dma semaphore(%run_scoped3A : memref<!tpu.dma_semaphore, #tpu.memory_space<semaphore_mem>>) src(%arg15 : memref<80x128xf32, #tpu.memory_space<vmem>>) dst(%dma_wait3A_137 : memref<10000x128xf32, #tpu.memory_space<vmem_shared>>)
        tpu.yield
      }) : () -> ()
    } else {
    }
    %eq3A_14 = arith.constant 1 : i32
    %eq3A_15 = arith.cmpi eq, %arg0, %eq3A_14 : i32
    %convert_element_type3A_16 = arith.extui %eq3A_15 : i1 to i32
    %cond3A_17 = arith.constant 0 : i32
    %cond3A_18 = arith.cmpi ne, %convert_element_type3A_16, %cond3A_17 : i32
    scf.if %cond3A_18 {
      %add3A = arith.constant 0 : i32
      %add3A_30 = arith.addi %mul3A_2, %add3A : i32
      %dma_start3A = tpu.memref_slice %arg2[%add3A_30] : memref<320000xi32, #tpu.memory_space<hbm>> -> memref<80xi32, #tpu.memory_space<hbm>>
      %dma_start3A_31 = tpu.memref_slice %arg2[%add3A_30] : memref<320000xi32, #tpu.memory_space<hbm>> -> memref<80xi32, #tpu.memory_space<hbm>>
      tpu.enqueue_dma source(%dma_start3A_31 : memref<80xi32, #tpu.memory_space<hbm>>) target(%arg9 : memref<80xi32, #tpu.memory_space<vmem>>) target_semaphore(%arg18 : memref<!tpu.dma_semaphore, #tpu.memory_space<semaphore_mem>>)
      %add3A_32 = arith.constant 0 : i32
      %add3A_33 = arith.addi %mul3A_2, %add3A_32 : i32
      %dma_start3A_34 = tpu.memref_slice %arg3[%add3A_33] : memref<320000xi32, #tpu.memory_space<hbm>> -> memref<80xi32, #tpu.memory_space<hbm>>
      %dma_start3A_35 = tpu.memref_slice %arg3[%add3A_33] : memref<320000xi32, #tpu.memory_space<hbm>> -> memref<80xi32, #tpu.memory_space<hbm>>
      tpu.enqueue_dma source(%dma_start3A_35 : memref<80xi32, #tpu.memory_space<hbm>>) target(%arg12 : memref<80xi32, #tpu.memory_space<vmem>>) target_semaphore(%arg21 : memref<!tpu.dma_semaphore, #tpu.memory_space<semaphore_mem>>)
      %add3A_36 = arith.constant 80 : i32
      %add3A_37 = arith.addi %mul3A_2, %add3A_36 : i32
      %dma_start3A_38 = tpu.memref_slice %arg2[%add3A_37] : memref<320000xi32, #tpu.memory_space<hbm>> -> memref<80xi32, #tpu.memory_space<hbm>>
      %dma_start3A_39 = tpu.memref_slice %arg2[%add3A_37] : memref<320000xi32, #tpu.memory_space<hbm>> -> memref<80xi32, #tpu.memory_space<hbm>>
      tpu.enqueue_dma source(%dma_start3A_39 : memref<80xi32, #tpu.memory_space<hbm>>) target(%arg10 : memref<80xi32, #tpu.memory_space<vmem>>) target_semaphore(%arg19 : memref<!tpu.dma_semaphore, #tpu.memory_space<semaphore_mem>>)
      %add3A_40 = arith.constant 80 : i32
      %add3A_41 = arith.addi %mul3A_2, %add3A_40 : i32
      %dma_start3A_42 = tpu.memref_slice %arg3[%add3A_41] : memref<320000xi32, #tpu.memory_space<hbm>> -> memref<80xi32, #tpu.memory_space<hbm>>
      %dma_start3A_43 = tpu.memref_slice %arg3[%add3A_41] : memref<320000xi32, #tpu.memory_space<hbm>> -> memref<80xi32, #tpu.memory_space<hbm>>
      tpu.enqueue_dma source(%dma_start3A_43 : memref<80xi32, #tpu.memory_space<hbm>>) target(%arg13 : memref<80xi32, #tpu.memory_space<vmem>>) target_semaphore(%arg22 : memref<!tpu.dma_semaphore, #tpu.memory_space<semaphore_mem>>)
      %add3A_44 = arith.constant 160 : i32
      %add3A_45 = arith.addi %mul3A_2, %add3A_44 : i32
      %dma_start3A_46 = tpu.memref_slice %arg2[%add3A_45] : memref<320000xi32, #tpu.memory_space<hbm>> -> memref<80xi32, #tpu.memory_space<hbm>>
      %dma_start3A_47 = tpu.memref_slice %arg2[%add3A_45] : memref<320000xi32, #tpu.memory_space<hbm>> -> memref<80xi32, #tpu.memory_space<hbm>>
      tpu.enqueue_dma source(%dma_start3A_47 : memref<80xi32, #tpu.memory_space<hbm>>) target(%arg11 : memref<80xi32, #tpu.memory_space<vmem>>) target_semaphore(%arg20 : memref<!tpu.dma_semaphore, #tpu.memory_space<semaphore_mem>>)
      %add3A_48 = arith.constant 160 : i32
      %add3A_49 = arith.addi %mul3A_2, %add3A_48 : i32
      %dma_start3A_50 = tpu.memref_slice %arg3[%add3A_49] : memref<320000xi32, #tpu.memory_space<hbm>> -> memref<80xi32, #tpu.memory_space<hbm>>
      %dma_start3A_51 = tpu.memref_slice %arg3[%add3A_49] : memref<320000xi32, #tpu.memory_space<hbm>> -> memref<80xi32, #tpu.memory_space<hbm>>
      tpu.enqueue_dma source(%dma_start3A_51 : memref<80xi32, #tpu.memory_space<hbm>>) target(%arg14 : memref<80xi32, #tpu.memory_space<vmem>>) target_semaphore(%arg23 : memref<!tpu.dma_semaphore, #tpu.memory_space<semaphore_mem>>)
      %dma_wait3A = arith.constant 0 : i32
      %dma_wait3A_52 = tpu.memref_slice %arg2[%dma_wait3A] : memref<320000xi32, #tpu.memory_space<hbm>> -> memref<80xi32, #tpu.memory_space<hbm>>
      %dma_wait3A_53 = arith.constant 0 : i32
      %dma_wait3A_54 = tpu.memref_slice %arg2[%dma_wait3A_53] : memref<320000xi32, #tpu.memory_space<hbm>> -> memref<80xi32, #tpu.memory_space<hbm>>
      tpu.wait_dma2 semaphore(%arg18 : memref<!tpu.dma_semaphore, #tpu.memory_space<semaphore_mem>>) src(%dma_wait3A_54 : memref<80xi32, #tpu.memory_space<hbm>>) dst(%arg9 : memref<80xi32, #tpu.memory_space<vmem>>)
      %dma_start3A_55 = arith.constant 0 : i32
      %dma_start3A_56 = arith.constant 0 : i32
      %dma_start3A_57 = tpu.memref_slice %arg5[%dma_start3A_55, %dma_start3A_56] : memref<10000x128xf32, #tpu.memory_space<hbm>> -> memref<10000x128xf32, #tpu.memory_space<hbm>>
      tpu.enqueue_indirect_dma source(%dma_start3A_57 : memref<10000x128xf32, #tpu.memory_space<hbm>>) target(%arg15 : memref<80x128xf32, #tpu.memory_space<vmem>>) offsets(%arg9 : memref<80xi32, #tpu.memory_space<vmem>>) semaphore(%arg24 : memref<!tpu.dma_semaphore, #tpu.memory_space<semaphore_mem>>)
      %scan3A = arith.constant 0 : i32
      %scan3A_58 = arith.constant 0 : i32
      %scan3A_59 = arith.constant 82 : i32
      %scan3A_60 = arith.addi %scan3A_58, %scan3A_59 : i32
      %scan3A_61 = arith.constant 1 : i32
      scf.for %scan3A_132 = %scan3A_58 to %scan3A_60 step %scan3A_61  : i32 {
        %mul3A_133 = arith.constant 3 : i32
        %mul3A_134 = arith.muli %mul3A_133, %scan3A_132 : i32
        %dma_wait3A_135 = arith.constant 0 : i32
        %dma_wait3A_136 = tpu.memref_slice %arg2[%dma_wait3A_135] : memref<320000xi32, #tpu.memory_space<hbm>> -> memref<80xi32, #tpu.memory_space<hbm>>
        %dma_wait3A_137 = arith.constant 0 : i32
        %dma_wait3A_138 = tpu.memref_slice %arg2[%dma_wait3A_137] : memref<320000xi32, #tpu.memory_space<hbm>> -> memref<80xi32, #tpu.memory_space<hbm>>
        tpu.wait_dma2 semaphore(%arg19 : memref<!tpu.dma_semaphore, #tpu.memory_space<semaphore_mem>>) src(%dma_wait3A_138 : memref<80xi32, #tpu.memory_space<hbm>>) dst(%arg10 : memref<80xi32, #tpu.memory_space<vmem>>)
        %dma_start3A_139 = arith.constant 0 : i32
        %dma_start3A_140 = arith.constant 0 : i32
        %dma_start3A_141 = tpu.memref_slice %arg5[%dma_start3A_139, %dma_start3A_140] : memref<10000x128xf32, #tpu.memory_space<hbm>> -> memref<10000x128xf32, #tpu.memory_space<hbm>>
        tpu.enqueue_indirect_dma source(%dma_start3A_141 : memref<10000x128xf32, #tpu.memory_space<hbm>>) target(%arg16 : memref<80x128xf32, #tpu.memory_space<vmem>>) offsets(%arg10 : memref<80xi32, #tpu.memory_space<vmem>>) semaphore(%arg25 : memref<!tpu.dma_semaphore, #tpu.memory_space<semaphore_mem>>)
        %dma_wait3A_142 = arith.constant 0 : i32
        %dma_wait3A_143 = arith.constant 0 : i32
        %dma_wait3A_144 = tpu.memref_slice %arg6[%dma_wait3A_142, %dma_wait3A_143] : memref<10000x128xf32, #tpu.memory_space<hbm>> -> memref<80x128xf32, #tpu.memory_space<hbm>>
        %dma_wait3A_145 = arith.constant 0 : i32
        %dma_wait3A_146 = arith.constant 0 : i32
        %dma_wait3A_147 = tpu.memref_slice %arg6[%dma_wait3A_145, %dma_wait3A_146] : memref<10000x128xf32, #tpu.memory_space<hbm>> -> memref<80x128xf32, #tpu.memory_space<hbm>>
        tpu.wait_dma2 semaphore(%arg24 : memref<!tpu.dma_semaphore, #tpu.memory_space<semaphore_mem>>) src(%dma_wait3A_147 : memref<80x128xf32, #tpu.memory_space<hbm>>) dst(%arg15 : memref<80x128xf32, #tpu.memory_space<vmem>>)
        %dma_wait3A_148 = arith.constant 0 : i32
        %dma_wait3A_149 = tpu.memref_slice %arg3[%dma_wait3A_148] : memref<320000xi32, #tpu.memory_space<hbm>> -> memref<80xi32, #tpu.memory_space<hbm>>
        %dma_wait3A_150 = arith.constant 0 : i32
        %dma_wait3A_151 = tpu.memref_slice %arg3[%dma_wait3A_150] : memref<320000xi32, #tpu.memory_space<hbm>> -> memref<80xi32, #tpu.memory_space<hbm>>
        tpu.wait_dma2 semaphore(%arg21 : memref<!tpu.dma_semaphore, #tpu.memory_space<semaphore_mem>>) src(%dma_wait3A_151 : memref<80xi32, #tpu.memory_space<hbm>>) dst(%arg12 : memref<80xi32, #tpu.memory_space<vmem>>)
        "tpu.region"() ({
          %run_scoped3A = tpu.sem_alloc : memref<!tpu.dma_semaphore, #tpu.memory_space<semaphore_mem>>
          %dma_start3A_222 = arith.constant 0 : i32
          %dma_start3A_223 = arith.constant 0 : i32
          %dma_start3A_224 = tpu.memref_slice %arg8[%dma_start3A_222, %dma_start3A_223] : memref<10000x128xf32, #tpu.memory_space<vmem_shared>> -> memref<10000x128xf32, #tpu.memory_space<vmem_shared>>
          tpu.enqueue_indirect_dma source(%arg15 : memref<80x128xf32, #tpu.memory_space<vmem>>) target(%dma_start3A_224 : memref<10000x128xf32, #tpu.memory_space<vmem_shared>>) offsets(%arg12 : memref<80xi32, #tpu.memory_space<vmem>>) semaphore(%run_scoped3A : memref<!tpu.dma_semaphore, #tpu.memory_space<semaphore_mem>>) {add = true}
          %dma_wait3A_225 = arith.constant 0 : i32
          %dma_wait3A_226 = arith.constant 0 : i32
          %dma_wait3A_227 = tpu.memref_slice %arg8[%dma_wait3A_225, %dma_wait3A_226] : memref<10000x128xf32, #tpu.memory_space<vmem_shared>> -> memref<10000x128xf32, #tpu.memory_space<vmem_shared>>
          tpu.wait_indirect_dma semaphore(%run_scoped3A : memref<!tpu.dma_semaphore, #tpu.memory_space<semaphore_mem>>) src(%arg15 : memref<80x128xf32, #tpu.memory_space<vmem>>) dst(%dma_wait3A_227 : memref<10000x128xf32, #tpu.memory_space<vmem_shared>>)
          tpu.yield
        }) : () -> ()
        %add3A_152 = arith.constant 3 : i32
        %add3A_153 = arith.addi %mul3A_134, %add3A_152 : i32
        %mul3A_154 = arith.constant 80 : i32
        %mul3A_155 = arith.muli %add3A_153, %mul3A_154 : i32
        %add3A_156 = arith.addi %mul3A_2, %mul3A_155 : i32
        %dma_start3A_157 = tpu.memref_slice %arg2[%add3A_156] : memref<320000xi32, #tpu.memory_space<hbm>> -> memref<80xi32, #tpu.memory_space<hbm>>
        %dma_start3A_158 = tpu.memref_slice %arg2[%add3A_156] : memref<320000xi32, #tpu.memory_space<hbm>> -> memref<80xi32, #tpu.memory_space<hbm>>
        tpu.enqueue_dma source(%dma_start3A_158 : memref<80xi32, #tpu.memory_space<hbm>>) target(%arg9 : memref<80xi32, #tpu.memory_space<vmem>>) target_semaphore(%arg18 : memref<!tpu.dma_semaphore, #tpu.memory_space<semaphore_mem>>)
        %mul3A_159 = arith.constant 80 : i32
        %mul3A_160 = arith.muli %add3A_153, %mul3A_159 : i32
        %add3A_161 = arith.addi %mul3A_2, %mul3A_160 : i32
        %dma_start3A_162 = tpu.memref_slice %arg3[%add3A_161] : memref<320000xi32, #tpu.memory_space<hbm>> -> memref<80xi32, #tpu.memory_space<hbm>>
        %dma_start3A_163 = tpu.memref_slice %arg3[%add3A_161] : memref<320000xi32, #tpu.memory_space<hbm>> -> memref<80xi32, #tpu.memory_space<hbm>>
        tpu.enqueue_dma source(%dma_start3A_163 : memref<80xi32, #tpu.memory_space<hbm>>) target(%arg12 : memref<80xi32, #tpu.memory_space<vmem>>) target_semaphore(%arg21 : memref<!tpu.dma_semaphore, #tpu.memory_space<semaphore_mem>>)
        %dma_wait3A_164 = arith.constant 0 : i32
        %dma_wait3A_165 = tpu.memref_slice %arg2[%dma_wait3A_164] : memref<320000xi32, #tpu.memory_space<hbm>> -> memref<80xi32, #tpu.memory_space<hbm>>
        %dma_wait3A_166 = arith.constant 0 : i32
        %dma_wait3A_167 = tpu.memref_slice %arg2[%dma_wait3A_166] : memref<320000xi32, #tpu.memory_space<hbm>> -> memref<80xi32, #tpu.memory_space<hbm>>
        tpu.wait_dma2 semaphore(%arg20 : memref<!tpu.dma_semaphore, #tpu.memory_space<semaphore_mem>>) src(%dma_wait3A_167 : memref<80xi32, #tpu.memory_space<hbm>>) dst(%arg11 : memref<80xi32, #tpu.memory_space<vmem>>)
        %dma_start3A_168 = arith.constant 0 : i32
        %dma_start3A_169 = arith.constant 0 : i32
        %dma_start3A_170 = tpu.memref_slice %arg5[%dma_start3A_168, %dma_start3A_169] : memref<10000x128xf32, #tpu.memory_space<hbm>> -> memref<10000x128xf32, #tpu.memory_space<hbm>>
        tpu.enqueue_indirect_dma source(%dma_start3A_170 : memref<10000x128xf32, #tpu.memory_space<hbm>>) target(%arg17 : memref<80x128xf32, #tpu.memory_space<vmem>>) offsets(%arg11 : memref<80xi32, #tpu.memory_space<vmem>>) semaphore(%arg26 : memref<!tpu.dma_semaphore, #tpu.memory_space<semaphore_mem>>)
        %dma_wait3A_171 = arith.constant 0 : i32
        %dma_wait3A_172 = arith.constant 0 : i32
        %dma_wait3A_173 = tpu.memref_slice %arg6[%dma_wait3A_171, %dma_wait3A_172] : memref<10000x128xf32, #tpu.memory_space<hbm>> -> memref<80x128xf32, #tpu.memory_space<hbm>>
        %dma_wait3A_174 = arith.constant 0 : i32
        %dma_wait3A_175 = arith.constant 0 : i32
        %dma_wait3A_176 = tpu.memref_slice %arg6[%dma_wait3A_174, %dma_wait3A_175] : memref<10000x128xf32, #tpu.memory_space<hbm>> -> memref<80x128xf32, #tpu.memory_space<hbm>>
        tpu.wait_dma2 semaphore(%arg25 : memref<!tpu.dma_semaphore, #tpu.memory_space<semaphore_mem>>) src(%dma_wait3A_176 : memref<80x128xf32, #tpu.memory_space<hbm>>) dst(%arg16 : memref<80x128xf32, #tpu.memory_space<vmem>>)
        %dma_wait3A_177 = arith.constant 0 : i32
        %dma_wait3A_178 = tpu.memref_slice %arg3[%dma_wait3A_177] : memref<320000xi32, #tpu.memory_space<hbm>> -> memref<80xi32, #tpu.memory_space<hbm>>
        %dma_wait3A_179 = arith.constant 0 : i32
        %dma_wait3A_180 = tpu.memref_slice %arg3[%dma_wait3A_179] : memref<320000xi32, #tpu.memory_space<hbm>> -> memref<80xi32, #tpu.memory_space<hbm>>
        tpu.wait_dma2 semaphore(%arg22 : memref<!tpu.dma_semaphore, #tpu.memory_space<semaphore_mem>>) src(%dma_wait3A_180 : memref<80xi32, #tpu.memory_space<hbm>>) dst(%arg13 : memref<80xi32, #tpu.memory_space<vmem>>)
        "tpu.region"() ({
          %run_scoped3A = tpu.sem_alloc : memref<!tpu.dma_semaphore, #tpu.memory_space<semaphore_mem>>
          %dma_start3A_222 = arith.constant 0 : i32
          %dma_start3A_223 = arith.constant 0 : i32
          %dma_start3A_224 = tpu.memref_slice %arg8[%dma_start3A_222, %dma_start3A_223] : memref<10000x128xf32, #tpu.memory_space<vmem_shared>> -> memref<10000x128xf32, #tpu.memory_space<vmem_shared>>
          tpu.enqueue_indirect_dma source(%arg16 : memref<80x128xf32, #tpu.memory_space<vmem>>) target(%dma_start3A_224 : memref<10000x128xf32, #tpu.memory_space<vmem_shared>>) offsets(%arg13 : memref<80xi32, #tpu.memory_space<vmem>>) semaphore(%run_scoped3A : memref<!tpu.dma_semaphore, #tpu.memory_space<semaphore_mem>>) {add = true}
          %dma_wait3A_225 = arith.constant 0 : i32
          %dma_wait3A_226 = arith.constant 0 : i32
          %dma_wait3A_227 = tpu.memref_slice %arg8[%dma_wait3A_225, %dma_wait3A_226] : memref<10000x128xf32, #tpu.memory_space<vmem_shared>> -> memref<10000x128xf32, #tpu.memory_space<vmem_shared>>
          tpu.wait_indirect_dma semaphore(%run_scoped3A : memref<!tpu.dma_semaphore, #tpu.memory_space<semaphore_mem>>) src(%arg16 : memref<80x128xf32, #tpu.memory_space<vmem>>) dst(%dma_wait3A_227 : memref<10000x128xf32, #tpu.memory_space<vmem_shared>>)
          tpu.yield
        }) : () -> ()
        %add3A_181 = arith.constant 4 : i32
        %add3A_182 = arith.addi %mul3A_134, %add3A_181 : i32
        %mul3A_183 = arith.constant 80 : i32
        %mul3A_184 = arith.muli %add3A_182, %mul3A_183 : i32
        %add3A_185 = arith.addi %mul3A_2, %mul3A_184 : i32
        %dma_start3A_186 = tpu.memref_slice %arg2[%add3A_185] : memref<320000xi32, #tpu.memory_space<hbm>> -> memref<80xi32, #tpu.memory_space<hbm>>
        %dma_start3A_187 = tpu.memref_slice %arg2[%add3A_185] : memref<320000xi32, #tpu.memory_space<hbm>> -> memref<80xi32, #tpu.memory_space<hbm>>
        tpu.enqueue_dma source(%dma_start3A_187 : memref<80xi32, #tpu.memory_space<hbm>>) target(%arg10 : memref<80xi32, #tpu.memory_space<vmem>>) target_semaphore(%arg19 : memref<!tpu.dma_semaphore, #tpu.memory_space<semaphore_mem>>)
        %mul3A_188 = arith.constant 80 : i32
        %mul3A_189 = arith.muli %add3A_182, %mul3A_188 : i32
        %add3A_190 = arith.addi %mul3A_2, %mul3A_189 : i32
        %dma_start3A_191 = tpu.memref_slice %arg3[%add3A_190] : memref<320000xi32, #tpu.memory_space<hbm>> -> memref<80xi32, #tpu.memory_space<hbm>>
        %dma_start3A_192 = tpu.memref_slice %arg3[%add3A_190] : memref<320000xi32, #tpu.memory_space<hbm>> -> memref<80xi32, #tpu.memory_space<hbm>>
        tpu.enqueue_dma source(%dma_start3A_192 : memref<80xi32, #tpu.memory_space<hbm>>) target(%arg13 : memref<80xi32, #tpu.memory_space<vmem>>) target_semaphore(%arg22 : memref<!tpu.dma_semaphore, #tpu.memory_space<semaphore_mem>>)
        %dma_wait3A_193 = arith.constant 0 : i32
        %dma_wait3A_194 = tpu.memref_slice %arg2[%dma_wait3A_193] : memref<320000xi32, #tpu.memory_space<hbm>> -> memref<80xi32, #tpu.memory_space<hbm>>
        %dma_wait3A_195 = arith.constant 0 : i32
        %dma_wait3A_196 = tpu.memref_slice %arg2[%dma_wait3A_195] : memref<320000xi32, #tpu.memory_space<hbm>> -> memref<80xi32, #tpu.memory_space<hbm>>
        tpu.wait_dma2 semaphore(%arg18 : memref<!tpu.dma_semaphore, #tpu.memory_space<semaphore_mem>>) src(%dma_wait3A_196 : memref<80xi32, #tpu.memory_space<hbm>>) dst(%arg9 : memref<80xi32, #tpu.memory_space<vmem>>)
        %dma_start3A_197 = arith.constant 0 : i32
        %dma_start3A_198 = arith.constant 0 : i32
        %dma_start3A_199 = tpu.memref_slice %arg5[%dma_start3A_197, %dma_start3A_198] : memref<10000x128xf32, #tpu.memory_space<hbm>> -> memref<10000x128xf32, #tpu.memory_space<hbm>>
        tpu.enqueue_indirect_dma source(%dma_start3A_199 : memref<10000x128xf32, #tpu.memory_space<hbm>>) target(%arg15 : memref<80x128xf32, #tpu.memory_space<vmem>>) offsets(%arg9 : memref<80xi32, #tpu.memory_space<vmem>>) semaphore(%arg24 : memref<!tpu.dma_semaphore, #tpu.memory_space<semaphore_mem>>)
        %dma_wait3A_200 = arith.constant 0 : i32
        %dma_wait3A_201 = arith.constant 0 : i32
        %dma_wait3A_202 = tpu.memref_slice %arg6[%dma_wait3A_200, %dma_wait3A_201] : memref<10000x128xf32, #tpu.memory_space<hbm>> -> memref<80x128xf32, #tpu.memory_space<hbm>>
        %dma_wait3A_203 = arith.constant 0 : i32
        %dma_wait3A_204 = arith.constant 0 : i32
        %dma_wait3A_205 = tpu.memref_slice %arg6[%dma_wait3A_203, %dma_wait3A_204] : memref<10000x128xf32, #tpu.memory_space<hbm>> -> memref<80x128xf32, #tpu.memory_space<hbm>>
        tpu.wait_dma2 semaphore(%arg26 : memref<!tpu.dma_semaphore, #tpu.memory_space<semaphore_mem>>) src(%dma_wait3A_205 : memref<80x128xf32, #tpu.memory_space<hbm>>) dst(%arg17 : memref<80x128xf32, #tpu.memory_space<vmem>>)
        %dma_wait3A_206 = arith.constant 0 : i32
        %dma_wait3A_207 = tpu.memref_slice %arg3[%dma_wait3A_206] : memref<320000xi32, #tpu.memory_space<hbm>> -> memref<80xi32, #tpu.memory_space<hbm>>
        %dma_wait3A_208 = arith.constant 0 : i32
        %dma_wait3A_209 = tpu.memref_slice %arg3[%dma_wait3A_208] : memref<320000xi32, #tpu.memory_space<hbm>> -> memref<80xi32, #tpu.memory_space<hbm>>
        tpu.wait_dma2 semaphore(%arg23 : memref<!tpu.dma_semaphore, #tpu.memory_space<semaphore_mem>>) src(%dma_wait3A_209 : memref<80xi32, #tpu.memory_space<hbm>>) dst(%arg14 : memref<80xi32, #tpu.memory_space<vmem>>)
        "tpu.region"() ({
          %run_scoped3A = tpu.sem_alloc : memref<!tpu.dma_semaphore, #tpu.memory_space<semaphore_mem>>
          %dma_start3A_222 = arith.constant 0 : i32
          %dma_start3A_223 = arith.constant 0 : i32
          %dma_start3A_224 = tpu.memref_slice %arg8[%dma_start3A_222, %dma_start3A_223] : memref<10000x128xf32, #tpu.memory_space<vmem_shared>> -> memref<10000x128xf32, #tpu.memory_space<vmem_shared>>
          tpu.enqueue_indirect_dma source(%arg17 : memref<80x128xf32, #tpu.memory_space<vmem>>) target(%dma_start3A_224 : memref<10000x128xf32, #tpu.memory_space<vmem_shared>>) offsets(%arg14 : memref<80xi32, #tpu.memory_space<vmem>>) semaphore(%run_scoped3A : memref<!tpu.dma_semaphore, #tpu.memory_space<semaphore_mem>>) {add = true}
          %dma_wait3A_225 = arith.constant 0 : i32
          %dma_wait3A_226 = arith.constant 0 : i32
          %dma_wait3A_227 = tpu.memref_slice %arg8[%dma_wait3A_225, %dma_wait3A_226] : memref<10000x128xf32, #tpu.memory_space<vmem_shared>> -> memref<10000x128xf32, #tpu.memory_space<vmem_shared>>
          tpu.wait_indirect_dma semaphore(%run_scoped3A : memref<!tpu.dma_semaphore, #tpu.memory_space<semaphore_mem>>) src(%arg17 : memref<80x128xf32, #tpu.memory_space<vmem>>) dst(%dma_wait3A_227 : memref<10000x128xf32, #tpu.memory_space<vmem_shared>>)
          tpu.yield
        }) : () -> ()
        %add3A_210 = arith.constant 5 : i32
        %add3A_211 = arith.addi %mul3A_134, %add3A_210 : i32
        %mul3A_212 = arith.constant 80 : i32
        %mul3A_213 = arith.muli %add3A_211, %mul3A_212 : i32
        %add3A_214 = arith.addi %mul3A_2, %mul3A_213 : i32
        %dma_start3A_215 = tpu.memref_slice %arg2[%add3A_214] : memref<320000xi32, #tpu.memory_space<hbm>> -> memref<80xi32, #tpu.memory_space<hbm>>
        %dma_start3A_216 = tpu.memref_slice %arg2[%add3A_214] : memref<320000xi32, #tpu.memory_space<hbm>> -> memref<80xi32, #tpu.memory_space<hbm>>
        tpu.enqueue_dma source(%dma_start3A_216 : memref<80xi32, #tpu.memory_space<hbm>>) target(%arg11 : memref<80xi32, #tpu.memory_space<vmem>>) target_semaphore(%arg20 : memref<!tpu.dma_semaphore, #tpu.memory_space<semaphore_mem>>)
        %mul3A_217 = arith.constant 80 : i32
        %mul3A_218 = arith.muli %add3A_211, %mul3A_217 : i32
        %add3A_219 = arith.addi %mul3A_2, %mul3A_218 : i32
        %dma_start3A_220 = tpu.memref_slice %arg3[%add3A_219] : memref<320000xi32, #tpu.memory_space<hbm>> -> memref<80xi32, #tpu.memory_space<hbm>>
        %dma_start3A_221 = tpu.memref_slice %arg3[%add3A_219] : memref<320000xi32, #tpu.memory_space<hbm>> -> memref<80xi32, #tpu.memory_space<hbm>>
        tpu.enqueue_dma source(%dma_start3A_221 : memref<80xi32, #tpu.memory_space<hbm>>) target(%arg14 : memref<80xi32, #tpu.memory_space<vmem>>) target_semaphore(%arg23 : memref<!tpu.dma_semaphore, #tpu.memory_space<semaphore_mem>>)
      }
      %scan3A_62 = arith.constant 82 : i32
      %dma_wait3A_63 = arith.constant 0 : i32
      %dma_wait3A_64 = tpu.memref_slice %arg2[%dma_wait3A_63] : memref<320000xi32, #tpu.memory_space<hbm>> -> memref<80xi32, #tpu.memory_space<hbm>>
      %dma_wait3A_65 = arith.constant 0 : i32
      %dma_wait3A_66 = tpu.memref_slice %arg2[%dma_wait3A_65] : memref<320000xi32, #tpu.memory_space<hbm>> -> memref<80xi32, #tpu.memory_space<hbm>>
      tpu.wait_dma2 semaphore(%arg19 : memref<!tpu.dma_semaphore, #tpu.memory_space<semaphore_mem>>) src(%dma_wait3A_66 : memref<80xi32, #tpu.memory_space<hbm>>) dst(%arg10 : memref<80xi32, #tpu.memory_space<vmem>>)
      %dma_start3A_67 = arith.constant 0 : i32
      %dma_start3A_68 = arith.constant 0 : i32
      %dma_start3A_69 = tpu.memref_slice %arg5[%dma_start3A_67, %dma_start3A_68] : memref<10000x128xf32, #tpu.memory_space<hbm>> -> memref<10000x128xf32, #tpu.memory_space<hbm>>
      tpu.enqueue_indirect_dma source(%dma_start3A_69 : memref<10000x128xf32, #tpu.memory_space<hbm>>) target(%arg16 : memref<80x128xf32, #tpu.memory_space<vmem>>) offsets(%arg10 : memref<80xi32, #tpu.memory_space<vmem>>) semaphore(%arg25 : memref<!tpu.dma_semaphore, #tpu.memory_space<semaphore_mem>>)
      %dma_wait3A_70 = arith.constant 0 : i32
      %dma_wait3A_71 = arith.constant 0 : i32
      %dma_wait3A_72 = tpu.memref_slice %arg6[%dma_wait3A_70, %dma_wait3A_71] : memref<10000x128xf32, #tpu.memory_space<hbm>> -> memref<80x128xf32, #tpu.memory_space<hbm>>
      %dma_wait3A_73 = arith.constant 0 : i32
      %dma_wait3A_74 = arith.constant 0 : i32
      %dma_wait3A_75 = tpu.memref_slice %arg6[%dma_wait3A_73, %dma_wait3A_74] : memref<10000x128xf32, #tpu.memory_space<hbm>> -> memref<80x128xf32, #tpu.memory_space<hbm>>
      tpu.wait_dma2 semaphore(%arg24 : memref<!tpu.dma_semaphore, #tpu.memory_space<semaphore_mem>>) src(%dma_wait3A_75 : memref<80x128xf32, #tpu.memory_space<hbm>>) dst(%arg15 : memref<80x128xf32, #tpu.memory_space<vmem>>)
      %dma_wait3A_76 = arith.constant 0 : i32
      %dma_wait3A_77 = tpu.memref_slice %arg3[%dma_wait3A_76] : memref<320000xi32, #tpu.memory_space<hbm>> -> memref<80xi32, #tpu.memory_space<hbm>>
      %dma_wait3A_78 = arith.constant 0 : i32
      %dma_wait3A_79 = tpu.memref_slice %arg3[%dma_wait3A_78] : memref<320000xi32, #tpu.memory_space<hbm>> -> memref<80xi32, #tpu.memory_space<hbm>>
      tpu.wait_dma2 semaphore(%arg21 : memref<!tpu.dma_semaphore, #tpu.memory_space<semaphore_mem>>) src(%dma_wait3A_79 : memref<80xi32, #tpu.memory_space<hbm>>) dst(%arg12 : memref<80xi32, #tpu.memory_space<vmem>>)
      "tpu.region"() ({
        %run_scoped3A = tpu.sem_alloc : memref<!tpu.dma_semaphore, #tpu.memory_space<semaphore_mem>>
        %dma_start3A_132 = arith.constant 0 : i32
        %dma_start3A_133 = arith.constant 0 : i32
        %dma_start3A_134 = tpu.memref_slice %arg8[%dma_start3A_132, %dma_start3A_133] : memref<10000x128xf32, #tpu.memory_space<vmem_shared>> -> memref<10000x128xf32, #tpu.memory_space<vmem_shared>>
        tpu.enqueue_indirect_dma source(%arg15 : memref<80x128xf32, #tpu.memory_space<vmem>>) target(%dma_start3A_134 : memref<10000x128xf32, #tpu.memory_space<vmem_shared>>) offsets(%arg12 : memref<80xi32, #tpu.memory_space<vmem>>) semaphore(%run_scoped3A : memref<!tpu.dma_semaphore, #tpu.memory_space<semaphore_mem>>) {add = true}
        %dma_wait3A_135 = arith.constant 0 : i32
        %dma_wait3A_136 = arith.constant 0 : i32
        %dma_wait3A_137 = tpu.memref_slice %arg8[%dma_wait3A_135, %dma_wait3A_136] : memref<10000x128xf32, #tpu.memory_space<vmem_shared>> -> memref<10000x128xf32, #tpu.memory_space<vmem_shared>>
        tpu.wait_indirect_dma semaphore(%run_scoped3A : memref<!tpu.dma_semaphore, #tpu.memory_space<semaphore_mem>>) src(%arg15 : memref<80x128xf32, #tpu.memory_space<vmem>>) dst(%dma_wait3A_137 : memref<10000x128xf32, #tpu.memory_space<vmem_shared>>)
        tpu.yield
      }) : () -> ()
      %add3A_80 = arith.constant 19920 : i32
      %add3A_81 = arith.addi %mul3A_2, %add3A_80 : i32
      %dma_start3A_82 = tpu.memref_slice %arg2[%add3A_81] : memref<320000xi32, #tpu.memory_space<hbm>> -> memref<80xi32, #tpu.memory_space<hbm>>
      %dma_start3A_83 = tpu.memref_slice %arg2[%add3A_81] : memref<320000xi32, #tpu.memory_space<hbm>> -> memref<80xi32, #tpu.memory_space<hbm>>
      tpu.enqueue_dma source(%dma_start3A_83 : memref<80xi32, #tpu.memory_space<hbm>>) target(%arg9 : memref<80xi32, #tpu.memory_space<vmem>>) target_semaphore(%arg18 : memref<!tpu.dma_semaphore, #tpu.memory_space<semaphore_mem>>)
      %add3A_84 = arith.constant 19920 : i32
      %add3A_85 = arith.addi %mul3A_2, %add3A_84 : i32
      %dma_start3A_86 = tpu.memref_slice %arg3[%add3A_85] : memref<320000xi32, #tpu.memory_space<hbm>> -> memref<80xi32, #tpu.memory_space<hbm>>
      %dma_start3A_87 = tpu.memref_slice %arg3[%add3A_85] : memref<320000xi32, #tpu.memory_space<hbm>> -> memref<80xi32, #tpu.memory_space<hbm>>
      tpu.enqueue_dma source(%dma_start3A_87 : memref<80xi32, #tpu.memory_space<hbm>>) target(%arg12 : memref<80xi32, #tpu.memory_space<vmem>>) target_semaphore(%arg21 : memref<!tpu.dma_semaphore, #tpu.memory_space<semaphore_mem>>)
      %dma_wait3A_88 = arith.constant 0 : i32
      %dma_wait3A_89 = tpu.memref_slice %arg2[%dma_wait3A_88] : memref<320000xi32, #tpu.memory_space<hbm>> -> memref<80xi32, #tpu.memory_space<hbm>>
      %dma_wait3A_90 = arith.constant 0 : i32
      %dma_wait3A_91 = tpu.memref_slice %arg2[%dma_wait3A_90] : memref<320000xi32, #tpu.memory_space<hbm>> -> memref<80xi32, #tpu.memory_space<hbm>>
      tpu.wait_dma2 semaphore(%arg20 : memref<!tpu.dma_semaphore, #tpu.memory_space<semaphore_mem>>) src(%dma_wait3A_91 : memref<80xi32, #tpu.memory_space<hbm>>) dst(%arg11 : memref<80xi32, #tpu.memory_space<vmem>>)
      %dma_start3A_92 = arith.constant 0 : i32
      %dma_start3A_93 = arith.constant 0 : i32
      %dma_start3A_94 = tpu.memref_slice %arg5[%dma_start3A_92, %dma_start3A_93] : memref<10000x128xf32, #tpu.memory_space<hbm>> -> memref<10000x128xf32, #tpu.memory_space<hbm>>
      tpu.enqueue_indirect_dma source(%dma_start3A_94 : memref<10000x128xf32, #tpu.memory_space<hbm>>) target(%arg17 : memref<80x128xf32, #tpu.memory_space<vmem>>) offsets(%arg11 : memref<80xi32, #tpu.memory_space<vmem>>) semaphore(%arg26 : memref<!tpu.dma_semaphore, #tpu.memory_space<semaphore_mem>>)
      %dma_wait3A_95 = arith.constant 0 : i32
      %dma_wait3A_96 = arith.constant 0 : i32
      %dma_wait3A_97 = tpu.memref_slice %arg6[%dma_wait3A_95, %dma_wait3A_96] : memref<10000x128xf32, #tpu.memory_space<hbm>> -> memref<80x128xf32, #tpu.memory_space<hbm>>
      %dma_wait3A_98 = arith.constant 0 : i32
      %dma_wait3A_99 = arith.constant 0 : i32
      %dma_wait3A_100 = tpu.memref_slice %arg6[%dma_wait3A_98, %dma_wait3A_99] : memref<10000x128xf32, #tpu.memory_space<hbm>> -> memref<80x128xf32, #tpu.memory_space<hbm>>
      tpu.wait_dma2 semaphore(%arg25 : memref<!tpu.dma_semaphore, #tpu.memory_space<semaphore_mem>>) src(%dma_wait3A_100 : memref<80x128xf32, #tpu.memory_space<hbm>>) dst(%arg16 : memref<80x128xf32, #tpu.memory_space<vmem>>)
      %dma_wait3A_101 = arith.constant 0 : i32
      %dma_wait3A_102 = tpu.memref_slice %arg3[%dma_wait3A_101] : memref<320000xi32, #tpu.memory_space<hbm>> -> memref<80xi32, #tpu.memory_space<hbm>>
      %dma_wait3A_103 = arith.constant 0 : i32
      %dma_wait3A_104 = tpu.memref_slice %arg3[%dma_wait3A_103] : memref<320000xi32, #tpu.memory_space<hbm>> -> memref<80xi32, #tpu.memory_space<hbm>>
      tpu.wait_dma2 semaphore(%arg22 : memref<!tpu.dma_semaphore, #tpu.memory_space<semaphore_mem>>) src(%dma_wait3A_104 : memref<80xi32, #tpu.memory_space<hbm>>) dst(%arg13 : memref<80xi32, #tpu.memory_space<vmem>>)
      "tpu.region"() ({
        %run_scoped3A = tpu.sem_alloc : memref<!tpu.dma_semaphore, #tpu.memory_space<semaphore_mem>>
        %dma_start3A_132 = arith.constant 0 : i32
        %dma_start3A_133 = arith.constant 0 : i32
        %dma_start3A_134 = tpu.memref_slice %arg8[%dma_start3A_132, %dma_start3A_133] : memref<10000x128xf32, #tpu.memory_space<vmem_shared>> -> memref<10000x128xf32, #tpu.memory_space<vmem_shared>>
        tpu.enqueue_indirect_dma source(%arg16 : memref<80x128xf32, #tpu.memory_space<vmem>>) target(%dma_start3A_134 : memref<10000x128xf32, #tpu.memory_space<vmem_shared>>) offsets(%arg13 : memref<80xi32, #tpu.memory_space<vmem>>) semaphore(%run_scoped3A : memref<!tpu.dma_semaphore, #tpu.memory_space<semaphore_mem>>) {add = true}
        %dma_wait3A_135 = arith.constant 0 : i32
        %dma_wait3A_136 = arith.constant 0 : i32
        %dma_wait3A_137 = tpu.memref_slice %arg8[%dma_wait3A_135, %dma_wait3A_136] : memref<10000x128xf32, #tpu.memory_space<vmem_shared>> -> memref<10000x128xf32, #tpu.memory_space<vmem_shared>>
        tpu.wait_indirect_dma semaphore(%run_scoped3A : memref<!tpu.dma_semaphore, #tpu.memory_space<semaphore_mem>>) src(%arg16 : memref<80x128xf32, #tpu.memory_space<vmem>>) dst(%dma_wait3A_137 : memref<10000x128xf32, #tpu.memory_space<vmem_shared>>)
        tpu.yield
      }) : () -> ()
      %dma_wait3A_105 = arith.constant 0 : i32
      %dma_wait3A_106 = tpu.memref_slice %arg2[%dma_wait3A_105] : memref<320000xi32, #tpu.memory_space<hbm>> -> memref<80xi32, #tpu.memory_space<hbm>>
      %dma_wait3A_107 = arith.constant 0 : i32
      %dma_wait3A_108 = tpu.memref_slice %arg2[%dma_wait3A_107] : memref<320000xi32, #tpu.memory_space<hbm>> -> memref<80xi32, #tpu.memory_space<hbm>>
      tpu.wait_dma2 semaphore(%arg18 : memref<!tpu.dma_semaphore, #tpu.memory_space<semaphore_mem>>) src(%dma_wait3A_108 : memref<80xi32, #tpu.memory_space<hbm>>) dst(%arg9 : memref<80xi32, #tpu.memory_space<vmem>>)
      %dma_start3A_109 = arith.constant 0 : i32
      %dma_start3A_110 = arith.constant 0 : i32
      %dma_start3A_111 = tpu.memref_slice %arg5[%dma_start3A_109, %dma_start3A_110] : memref<10000x128xf32, #tpu.memory_space<hbm>> -> memref<10000x128xf32, #tpu.memory_space<hbm>>
      tpu.enqueue_indirect_dma source(%dma_start3A_111 : memref<10000x128xf32, #tpu.memory_space<hbm>>) target(%arg15 : memref<80x128xf32, #tpu.memory_space<vmem>>) offsets(%arg9 : memref<80xi32, #tpu.memory_space<vmem>>) semaphore(%arg24 : memref<!tpu.dma_semaphore, #tpu.memory_space<semaphore_mem>>)
      %dma_wait3A_112 = arith.constant 0 : i32
      %dma_wait3A_113 = arith.constant 0 : i32
      %dma_wait3A_114 = tpu.memref_slice %arg6[%dma_wait3A_112, %dma_wait3A_113] : memref<10000x128xf32, #tpu.memory_space<hbm>> -> memref<80x128xf32, #tpu.memory_space<hbm>>
      %dma_wait3A_115 = arith.constant 0 : i32
      %dma_wait3A_116 = arith.constant 0 : i32
      %dma_wait3A_117 = tpu.memref_slice %arg6[%dma_wait3A_115, %dma_wait3A_116] : memref<10000x128xf32, #tpu.memory_space<hbm>> -> memref<80x128xf32, #tpu.memory_space<hbm>>
      tpu.wait_dma2 semaphore(%arg26 : memref<!tpu.dma_semaphore, #tpu.memory_space<semaphore_mem>>) src(%dma_wait3A_117 : memref<80x128xf32, #tpu.memory_space<hbm>>) dst(%arg17 : memref<80x128xf32, #tpu.memory_space<vmem>>)
      %dma_wait3A_118 = arith.constant 0 : i32
      %dma_wait3A_119 = tpu.memref_slice %arg3[%dma_wait3A_118] : memref<320000xi32, #tpu.memory_space<hbm>> -> memref<80xi32, #tpu.memory_space<hbm>>
      %dma_wait3A_120 = arith.constant 0 : i32
      %dma_wait3A_121 = tpu.memref_slice %arg3[%dma_wait3A_120] : memref<320000xi32, #tpu.memory_space<hbm>> -> memref<80xi32, #tpu.memory_space<hbm>>
      tpu.wait_dma2 semaphore(%arg23 : memref<!tpu.dma_semaphore, #tpu.memory_space<semaphore_mem>>) src(%dma_wait3A_121 : memref<80xi32, #tpu.memory_space<hbm>>) dst(%arg14 : memref<80xi32, #tpu.memory_space<vmem>>)
      "tpu.region"() ({
        %run_scoped3A = tpu.sem_alloc : memref<!tpu.dma_semaphore, #tpu.memory_space<semaphore_mem>>
        %dma_start3A_132 = arith.constant 0 : i32
        %dma_start3A_133 = arith.constant 0 : i32
        %dma_start3A_134 = tpu.memref_slice %arg8[%dma_start3A_132, %dma_start3A_133] : memref<10000x128xf32, #tpu.memory_space<vmem_shared>> -> memref<10000x128xf32, #tpu.memory_space<vmem_shared>>
        tpu.enqueue_indirect_dma source(%arg17 : memref<80x128xf32, #tpu.memory_space<vmem>>) target(%dma_start3A_134 : memref<10000x128xf32, #tpu.memory_space<vmem_shared>>) offsets(%arg14 : memref<80xi32, #tpu.memory_space<vmem>>) semaphore(%run_scoped3A : memref<!tpu.dma_semaphore, #tpu.memory_space<semaphore_mem>>) {add = true}
        %dma_wait3A_135 = arith.constant 0 : i32
        %dma_wait3A_136 = arith.constant 0 : i32
        %dma_wait3A_137 = tpu.memref_slice %arg8[%dma_wait3A_135, %dma_wait3A_136] : memref<10000x128xf32, #tpu.memory_space<vmem_shared>> -> memref<10000x128xf32, #tpu.memory_space<vmem_shared>>
        tpu.wait_indirect_dma semaphore(%run_scoped3A : memref<!tpu.dma_semaphore, #tpu.memory_space<semaphore_mem>>) src(%arg17 : memref<80x128xf32, #tpu.memory_space<vmem>>) dst(%dma_wait3A_137 : memref<10000x128xf32, #tpu.memory_space<vmem_shared>>)
        tpu.yield
      }) : () -> ()
      %dma_wait3A_122 = arith.constant 0 : i32
      %dma_wait3A_123 = arith.constant 0 : i32
      %dma_wait3A_124 = tpu.memref_slice %arg6[%dma_wait3A_122, %dma_wait3A_123] : memref<10000x128xf32, #tpu.memory_space<hbm>> -> memref<80x128xf32, #tpu.memory_space<hbm>>
      %dma_wait3A_125 = arith.constant 0 : i32
      %dma_wait3A_126 = arith.constant 0 : i32
      %dma_wait3A_127 = tpu.memref_slice %arg6[%dma_wait3A_125, %dma_wait3A_126] : memref<10000x128xf32, #tpu.memory_space<hbm>> -> memref<80x128xf32, #tpu.memory_space<hbm>>
      tpu.wait_dma2 semaphore(%arg24 : memref<!tpu.dma_semaphore, #tpu.memory_space<semaphore_mem>>) src(%dma_wait3A_127 : memref<80x128xf32, #tpu.memory_space<hbm>>) dst(%arg15 : memref<80x128xf32, #tpu.memory_space<vmem>>)
      %dma_wait3A_128 = arith.constant 0 : i32
      %dma_wait3A_129 = tpu.memref_slice %arg3[%dma_wait3A_128] : memref<320000xi32, #tpu.memory_space<hbm>> -> memref<80xi32, #tpu.memory_space<hbm>>
      %dma_wait3A_130 = arith.constant 0 : i32
      %dma_wait3A_131 = tpu.memref_slice %arg3[%dma_wait3A_130] : memref<320000xi32, #tpu.memory_space<hbm>> -> memref<80xi32, #tpu.memory_space<hbm>>
      tpu.wait_dma2 semaphore(%arg21 : memref<!tpu.dma_semaphore, #tpu.memory_space<semaphore_mem>>) src(%dma_wait3A_131 : memref<80xi32, #tpu.memory_space<hbm>>) dst(%arg12 : memref<80xi32, #tpu.memory_space<vmem>>)
      "tpu.region"() ({
        %run_scoped3A = tpu.sem_alloc : memref<!tpu.dma_semaphore, #tpu.memory_space<semaphore_mem>>
        %dma_start3A_132 = arith.constant 0 : i32
        %dma_start3A_133 = arith.constant 0 : i32
        %dma_start3A_134 = tpu.memref_slice %arg8[%dma_start3A_132, %dma_start3A_133] : memref<10000x128xf32, #tpu.memory_space<vmem_shared>> -> memref<10000x128xf32, #tpu.memory_space<vmem_shared>>
        tpu.enqueue_indirect_dma source(%arg15 : memref<80x128xf32, #tpu.memory_space<vmem>>) target(%dma_start3A_134 : memref<10000x128xf32, #tpu.memory_space<vmem_shared>>) offsets(%arg12 : memref<80xi32, #tpu.memory_space<vmem>>) semaphore(%run_scoped3A : memref<!tpu.dma_semaphore, #tpu.memory_space<semaphore_mem>>) {add = true}
        %dma_wait3A_135 = arith.constant 0 : i32
        %dma_wait3A_136 = arith.constant 0 : i32
        %dma_wait3A_137 = tpu.memref_slice %arg8[%dma_wait3A_135, %dma_wait3A_136] : memref<10000x128xf32, #tpu.memory_space<vmem_shared>> -> memref<10000x128xf32, #tpu.memory_space<vmem_shared>>
        tpu.wait_indirect_dma semaphore(%run_scoped3A : memref<!tpu.dma_semaphore, #tpu.memory_space<semaphore_mem>>) src(%arg15 : memref<80x128xf32, #tpu.memory_space<vmem>>) dst(%dma_wait3A_137 : memref<10000x128xf32, #tpu.memory_space<vmem_shared>>)
        tpu.yield
      }) : () -> ()
    } else {
    }
    %barrier3A_19 = arith.constant 0 : index
    tpu.barrier barrier_id(%barrier3A_19)
    %lt3A_20 = arith.constant 15 : i32
    %lt3A_21 = arith.cmpi slt, %arg1, %lt3A_20 : i32
    %convert_element_type3A_22 = arith.extui %lt3A_21 : i1 to i32
    %cond3A_23 = arith.constant 0 : i32
    %cond3A_24 = arith.cmpi ne, %convert_element_type3A_22, %cond3A_23 : i32
    scf.if %cond3A_24 {
      %mul3A_30 = arith.constant 10000 : i32
      %mul3A_31 = arith.muli %arg0, %mul3A_30 : i32
      %add3A = arith.addi %mul3A_31, %mul3A_0 : i32
      "tpu.region"() ({
        %run_scoped3A = tpu.sem_alloc : memref<!tpu.dma_semaphore, #tpu.memory_space<semaphore_mem>>
        %dma_start3A = arith.constant 0 : i32
        %dma_start3A_32 = tpu.memref_slice %arg7[%add3A, %dma_start3A] : memref<20000x128xf32, #tpu.memory_space<hbm>> -> memref<640x128xf32, #tpu.memory_space<hbm>>
        %dma_start3A_33 = arith.constant 0 : i32
        %dma_start3A_34 = tpu.memref_slice %arg8[%mul3A_0, %dma_start3A_33] : memref<10000x128xf32, #tpu.memory_space<vmem_shared>> -> memref<640x128xf32, #tpu.memory_space<vmem_shared>>
        tpu.enqueue_dma source(%dma_start3A_34 : memref<640x128xf32, #tpu.memory_space<vmem_shared>>) target(%dma_start3A_32 : memref<640x128xf32, #tpu.memory_space<hbm>>) target_semaphore(%run_scoped3A : memref<!tpu.dma_semaphore, #tpu.memory_space<semaphore_mem>>)
        %dma_wait3A = arith.constant 0 : i32
        %dma_wait3A_35 = tpu.memref_slice %arg7[%add3A, %dma_wait3A] : memref<20000x128xf32, #tpu.memory_space<hbm>> -> memref<640x128xf32, #tpu.memory_space<hbm>>
        %dma_wait3A_36 = arith.constant 0 : i32
        %dma_wait3A_37 = tpu.memref_slice %arg8[%mul3A_0, %dma_wait3A_36] : memref<10000x128xf32, #tpu.memory_space<vmem_shared>> -> memref<640x128xf32, #tpu.memory_space<vmem_shared>>
        tpu.wait_dma2 semaphore(%run_scoped3A : memref<!tpu.dma_semaphore, #tpu.memory_space<semaphore_mem>>) src(%dma_wait3A_37 : memref<640x128xf32, #tpu.memory_space<vmem_shared>>) dst(%dma_wait3A_35 : memref<640x128xf32, #tpu.memory_space<hbm>>)
        tpu.yield
      }) : () -> ()
    } else {
    }
    %eq3A_25 = arith.constant 15 : i32
    %eq3A_26 = arith.cmpi eq, %arg1, %eq3A_25 : i32
    %convert_element_type3A_27 = arith.extui %eq3A_26 : i1 to i32
    %cond3A_28 = arith.constant 0 : i32
    %cond3A_29 = arith.cmpi ne, %convert_element_type3A_27, %cond3A_28 : i32
    scf.if %cond3A_29 {
      %mul3A_30 = arith.constant 10000 : i32
      %mul3A_31 = arith.muli %arg0, %mul3A_30 : i32
      %add3A = arith.addi %mul3A_31, %mul3A_0 : i32
      "tpu.region"() ({
        %run_scoped3A = tpu.sem_alloc : memref<!tpu.dma_semaphore, #tpu.memory_space<semaphore_mem>>
        %dma_start3A = arith.constant 0 : i32
        %dma_start3A_32 = tpu.memref_slice %arg7[%add3A, %dma_start3A] : memref<20000x128xf32, #tpu.memory_space<hbm>> -> memref<400x128xf32, #tpu.memory_space<hbm>>
        %dma_start3A_33 = arith.constant 0 : i32
        %dma_start3A_34 = tpu.memref_slice %arg8[%mul3A_0, %dma_start3A_33] : memref<10000x128xf32, #tpu.memory_space<vmem_shared>> -> memref<400x128xf32, #tpu.memory_space<vmem_shared>>
        tpu.enqueue_dma source(%dma_start3A_34 : memref<400x128xf32, #tpu.memory_space<vmem_shared>>) target(%dma_start3A_32 : memref<400x128xf32, #tpu.memory_space<hbm>>) target_semaphore(%run_scoped3A : memref<!tpu.dma_semaphore, #tpu.memory_space<semaphore_mem>>)
        %dma_wait3A = arith.constant 0 : i32
        %dma_wait3A_35 = tpu.memref_slice %arg7[%add3A, %dma_wait3A] : memref<20000x128xf32, #tpu.memory_space<hbm>> -> memref<400x128xf32, #tpu.memory_space<hbm>>
        %dma_wait3A_36 = arith.constant 0 : i32
        %dma_wait3A_37 = tpu.memref_slice %arg8[%mul3A_0, %dma_wait3A_36] : memref<10000x128xf32, #tpu.memory_space<vmem_shared>> -> memref<400x128xf32, #tpu.memory_space<vmem_shared>>
        tpu.wait_dma2 semaphore(%run_scoped3A : memref<!tpu.dma_semaphore, #tpu.memory_space<semaphore_mem>>) src(%dma_wait3A_37 : memref<400x128xf32, #tpu.memory_space<vmem_shared>>) dst(%dma_wait3A_35 : memref<400x128xf32, #tpu.memory_space<hbm>>)
        tpu.yield
      }) : () -> ()
    } else {
    }
    return
  }
}

module attributes {stable_mosaic.version = 14 : i64} {
  func.func @_tc1_body(%arg0: i32, %arg1: memref<2x1000x128xf32, #tpu.memory_space<vmem>>, %arg2: memref<2x1000x128xf32, #tpu.memory_space<vmem>>, %arg3: memref<1000x128xf32, #tpu.memory_space<vmem>>, %arg4: memref<128x256xf32, #tpu.memory_space<vmem>>, %arg5: memref<1x256xf32, #tpu.memory_space<vmem>>, %arg6: memref<128x256xf32, #tpu.memory_space<vmem>>, %arg7: memref<1000x128xf32, #tpu.memory_space<vmem>>, %arg8: memref<1000x128xf32, #tpu.memory_space<vmem>>, %arg9: memref<1000x1xf32, #tpu.memory_space<vmem>>) attributes {dimension_semantics = [#tpu.dimension_semantics<arbitrary>], iteration_bounds = array<i64: 10>, scalar_prefetch = 0 : i64, scratch_operands = 0 : i64, tpu.core_type = #tpu.core_type<tc>, window_params = [{transform_indices = @transform_0, window_bounds = array<i64: 2, 1000, 128>}, {transform_indices = @transform_1, window_bounds = array<i64: 2, 1000, 128>}, {transform_indices = @transform_2, window_bounds = array<i64: 1000, 128>}, {pipeline_mode = #tpu.pipeline_mode<synchronous>, transform_indices = @transform_3, window_bounds = array<i64: 128, 256>}, {pipeline_mode = #tpu.pipeline_mode<synchronous>, transform_indices = @transform_4, window_bounds = array<i64: 1, 256>}, {pipeline_mode = #tpu.pipeline_mode<synchronous>, transform_indices = @transform_5, window_bounds = array<i64: 128, 256>}, {transform_indices = @transform_6, window_bounds = array<i64: 1000, 128>}, {transform_indices = @transform_7, window_bounds = array<i64: 1000, 128>}, {transform_indices = @transform_8, window_bounds = array<i64: 1000, 1>}]} {
    %get3A = arith.constant 0 : index
    %get3A_0 = arith.constant 0 : index
    %get3A_1 = arith.constant 0 : index
    %get3A_2 = vector.load %arg2[%get3A, %get3A_0, %get3A_1] : memref<2x1000x128xf32, #tpu.memory_space<vmem>>, vector<1x1000x1xf32>
    %get3A_3 = vector.shape_cast %get3A_2 : vector<1x1000x1xf32> to vector<1000x1xf32>
    %get3A_4 = arith.constant 1 : index
    %get3A_5 = arith.constant 0 : index
    %get3A_6 = arith.constant 0 : index
    %get3A_7 = vector.load %arg2[%get3A_4, %get3A_5, %get3A_6] : memref<2x1000x128xf32, #tpu.memory_space<vmem>>, vector<1x1000x1xf32>
    %get3A_8 = vector.shape_cast %get3A_7 : vector<1x1000x1xf32> to vector<1000x1xf32>
    %add3A = arith.addf %get3A_3, %get3A_8 : vector<1000x1xf32>
    %max3A = arith.constant 1.000000e+00 : f32
    %max3A_9 = vector.broadcast %max3A : f32 to vector<1000x1xf32>
    %max3A_10 = arith.maximumf %add3A, %max3A_9 : vector<1000x1xf32>
    %get3A_11 = arith.constant 0 : index
    %get3A_12 = arith.constant 0 : index
    %get3A_13 = arith.constant 0 : index
    %get3A_14 = vector.load %arg1[%get3A_11, %get3A_12, %get3A_13] : memref<2x1000x128xf32, #tpu.memory_space<vmem>>, vector<1x1000x128xf32>
    %get3A_15 = vector.shape_cast %get3A_14 : vector<1x1000x128xf32> to vector<1000x128xf32>
    %get3A_16 = arith.constant 1 : index
    %get3A_17 = arith.constant 0 : index
    %get3A_18 = arith.constant 0 : index
    %get3A_19 = vector.load %arg1[%get3A_16, %get3A_17, %get3A_18] : memref<2x1000x128xf32, #tpu.memory_space<vmem>>, vector<1x1000x128xf32>
    %get3A_20 = vector.shape_cast %get3A_19 : vector<1x1000x128xf32> to vector<1000x128xf32>
    %add3A_21 = arith.addf %get3A_15, %get3A_20 : vector<1000x128xf32>
    %div3A = vector.broadcast %max3A_10 : vector<1000x1xf32> to vector<1000x128xf32>
    %div3A_22 = arith.divf %add3A_21, %div3A : vector<1000x128xf32>
    %get3A_23 = arith.constant 0 : index
    %get3A_24 = arith.constant 0 : index
    %get3A_25 = vector.load %arg4[%get3A_23, %get3A_24] : memref<128x256xf32, #tpu.memory_space<vmem>>, vector<128x256xf32>
    %dot_general3A = arith.constant dense<0.000000e+00> : vector<1000x256xf32>
    %dot_general3A_26 = tpu.matmul %div3A_22, %get3A_25, %dot_general3A {dimension_numbers = #tpu.dot_dimension_numbers<[1], [0], [0], [1], [0, 0, 1, 1], [], []>, transpose_lhs_hint = false} : vector<1000x128xf32>, vector<128x256xf32>, vector<1000x256xf32> -> vector<1000x256xf32>
    %get3A_27 = arith.constant 0 : index
    %get3A_28 = arith.constant 0 : index
    %get3A_29 = vector.load %arg3[%get3A_27, %get3A_28] : memref<1000x128xf32, #tpu.memory_space<vmem>>, vector<1000x128xf32>
    %get3A_30 = arith.constant 0 : index
    %get3A_31 = arith.constant 0 : index
    %get3A_32 = vector.load %arg6[%get3A_30, %get3A_31] : memref<128x256xf32, #tpu.memory_space<vmem>>, vector<128x256xf32>
    %dot_general3A_33 = arith.constant dense<0.000000e+00> : vector<1000x256xf32>
    %dot_general3A_34 = tpu.matmul %get3A_29, %get3A_32, %dot_general3A_33 {dimension_numbers = #tpu.dot_dimension_numbers<[1], [0], [0], [1], [0, 0, 1, 1], [], []>, transpose_lhs_hint = false} : vector<1000x128xf32>, vector<128x256xf32>, vector<1000x256xf32> -> vector<1000x256xf32>
    %add3A_35 = arith.addf %dot_general3A_26, %dot_general3A_34 : vector<1000x256xf32>
    %get3A_36 = arith.constant 0 : index
    %get3A_37 = arith.constant 0 : index
    %get3A_38 = vector.load %arg5[%get3A_36, %get3A_37] : memref<1x256xf32, #tpu.memory_space<vmem>>, vector<1x256xf32>
    %add3A_39 = vector.broadcast %get3A_38 : vector<1x256xf32> to vector<1000x256xf32>
    %add3A_40 = arith.addf %add3A_35, %add3A_39 : vector<1000x256xf32>
    %tanh3A = math.tanh %add3A_40 : vector<1000x256xf32>
    %slice3A = vector.extract_strided_slice %tanh3A {offsets = [0, 0], sizes = [1000, 128], strides = [1, 1]} : vector<1000x256xf32> to vector<1000x128xf32>
    %swap3A = arith.constant 0 : index
    %swap3A_41 = arith.constant 0 : index
    %swap3A_42 = vector.load %arg7[%swap3A, %swap3A_41] : memref<1000x128xf32, #tpu.memory_space<vmem>>, vector<1000x128xf32>
    tpu.vector_store %arg7[%swap3A, %swap3A_41], %slice3A {strides = array<i32>} : memref<1000x128xf32, #tpu.memory_space<vmem>>, vector<1000x128xf32>,
    %slice3A_43 = vector.extract_strided_slice %tanh3A {offsets = [0, 128], sizes = [1000, 128], strides = [1, 1]} : vector<1000x256xf32> to vector<1000x128xf32>
    %swap3A_44 = arith.constant 0 : index
    %swap3A_45 = arith.constant 0 : index
    %swap3A_46 = vector.load %arg8[%swap3A_44, %swap3A_45] : memref<1000x128xf32, #tpu.memory_space<vmem>>, vector<1000x128xf32>
    tpu.vector_store %arg8[%swap3A_44, %swap3A_45], %slice3A_43 {strides = array<i32>} : memref<1000x128xf32, #tpu.memory_space<vmem>>, vector<1000x128xf32>,
    %swap3A_47 = arith.constant 0 : index
    %swap3A_48 = arith.constant 0 : index
    %swap3A_49 = vector.load %arg9[%swap3A_47, %swap3A_48] : memref<1000x1xf32, #tpu.memory_space<vmem>>, vector<1000x1xf32>
    tpu.vector_store %arg9[%swap3A_47, %swap3A_48], %max3A_10 {strides = array<i32>} : memref<1000x1xf32, #tpu.memory_space<vmem>>, vector<1000x1xf32>,
    return
  }
  func.func @transform_0(%arg0: i32) -> (i32, i32, i32) {
    %c0_i32 = arith.constant 0 : i32
    %c0_i32_0 = arith.constant 0 : i32
    %c0_i32_1 = arith.constant 0 : i32
    return %c0_i32, %arg0, %c0_i32_0 : i32, i32, i32
  }
  func.func @transform_1(%arg0: i32) -> (i32, i32, i32) {
    %c0_i32 = arith.constant 0 : i32
    %c0_i32_0 = arith.constant 0 : i32
    %c0_i32_1 = arith.constant 0 : i32
    return %c0_i32, %arg0, %c0_i32_0 : i32, i32, i32
  }
  func.func @transform_2(%arg0: i32) -> (i32, i32) {
    %c0_i32 = arith.constant 0 : i32
    %c0_i32_0 = arith.constant 0 : i32
    return %arg0, %c0_i32 : i32, i32
  }
  func.func @transform_3(%arg0: i32) -> (i32, i32) {
    %c0_i32 = arith.constant 0 : i32
    %c0_i32_0 = arith.constant 0 : i32
    %c0_i32_1 = arith.constant 0 : i32
    return %c0_i32, %c0_i32_0 : i32, i32
  }
  func.func @transform_4(%arg0: i32) -> (i32, i32) {
    %c0_i32 = arith.constant 0 : i32
    %c0_i32_0 = arith.constant 0 : i32
    %c0_i32_1 = arith.constant 0 : i32
    return %c0_i32, %c0_i32_0 : i32, i32
  }
  func.func @transform_5(%arg0: i32) -> (i32, i32) {
    %c0_i32 = arith.constant 0 : i32
    %c0_i32_0 = arith.constant 0 : i32
    %c0_i32_1 = arith.constant 0 : i32
    return %c0_i32, %c0_i32_0 : i32, i32
  }
  func.func @transform_6(%arg0: i32) -> (i32, i32) {
    %c0_i32 = arith.constant 0 : i32
    %c0_i32_0 = arith.constant 0 : i32
    return %arg0, %c0_i32 : i32, i32
  }
  func.func @transform_7(%arg0: i32) -> (i32, i32) {
    %c0_i32 = arith.constant 0 : i32
    %c0_i32_0 = arith.constant 0 : i32
    return %arg0, %c0_i32 : i32, i32
  }
  func.func @transform_8(%arg0: i32) -> (i32, i32) {
    %c0_i32 = arith.constant 0 : i32
    %c0_i32_0 = arith.constant 0 : i32
    return %arg0, %c0_i32 : i32, i32
  }
}

module attributes {stable_mosaic.version = 14 : i64} {
  func.func @_tc2_body(%arg0: i32, %arg1: memref<2x1000x128xf32, #tpu.memory_space<vmem>>, %arg2: memref<1000x1xf32, #tpu.memory_space<vmem>>, %arg3: memref<1000x128xf32, #tpu.memory_space<vmem>>, %arg4: memref<1000x128xf32, #tpu.memory_space<vmem>>, %arg5: memref<256x512xf32, #tpu.memory_space<vmem>>, %arg6: memref<1x512xf32, #tpu.memory_space<vmem>>, %arg7: memref<256x512xf32, #tpu.memory_space<vmem>>, %arg8: memref<512x512xf32, #tpu.memory_space<vmem>>, %arg9: memref<1x512xf32, #tpu.memory_space<vmem>>, %arg10: memref<512x256xf32, #tpu.memory_space<vmem>>, %arg11: memref<1x256xf32, #tpu.memory_space<vmem>>, %arg12: memref<512x256xf32, #tpu.memory_space<vmem>>, %arg13: memref<1x256xf32, #tpu.memory_space<vmem>>, %arg14: memref<256x1xf32, #tpu.memory_space<vmem>>, %arg15: memref<1x1xf32, #tpu.memory_space<vmem>>, %arg16: memref<512x2xf32, #tpu.memory_space<vmem>>, %arg17: memref<1x2xf32, #tpu.memory_space<vmem>>, %arg18: memref<1000x1xf32, #tpu.memory_space<vmem>>, %arg19: memref<1x2xf32, #tpu.memory_space<vmem>>, %arg20: memref<1x2xf32, #tpu.memory_space<vmem>>, %arg21: memref<1x1xi32, #tpu.memory_space<vmem>>, %arg22: memref<1x512xf32, #tpu.memory_space<vmem>>, %arg23: memref<1xf32, #tpu.memory_space<smem>>, %arg24: memref<1xf32, #tpu.memory_space<smem>>) attributes {dimension_semantics = [#tpu.dimension_semantics<arbitrary>], iteration_bounds = array<i64: 20>, scalar_prefetch = 0 : i64, scratch_operands = 3 : i64, tpu.core_type = #tpu.core_type<tc>, window_params = [{transform_indices = @transform_0, window_bounds = array<i64: 2, 1000, 128>}, {transform_indices = @transform_1, window_bounds = array<i64: 1000, 1>}, {transform_indices = @transform_2, window_bounds = array<i64: 1000, 128>}, {transform_indices = @transform_3, window_bounds = array<i64: 1000, 128>}, {pipeline_mode = #tpu.pipeline_mode<synchronous>, transform_indices = @transform_4, window_bounds = array<i64: 256, 512>}, {pipeline_mode = #tpu.pipeline_mode<synchronous>, transform_indices = @transform_5, window_bounds = array<i64: 1, 512>}, {pipeline_mode = #tpu.pipeline_mode<synchronous>, transform_indices = @transform_6, window_bounds = array<i64: 256, 512>}, {pipeline_mode = #tpu.pipeline_mode<synchronous>, transform_indices = @transform_7, window_bounds = array<i64: 512, 512>}, {pipeline_mode = #tpu.pipeline_mode<synchronous>, transform_indices = @transform_8, window_bounds = array<i64: 1, 512>}, {pipeline_mode = #tpu.pipeline_mode<synchronous>, transform_indices = @transform_9, window_bounds = array<i64: 512, 256>}, {pipeline_mode = #tpu.pipeline_mode<synchronous>, transform_indices = @transform_10, window_bounds = array<i64: 1, 256>}, {pipeline_mode = #tpu.pipeline_mode<synchronous>, transform_indices = @transform_11, window_bounds = array<i64: 512, 256>}, {pipeline_mode = #tpu.pipeline_mode<synchronous>, transform_indices = @transform_12, window_bounds = array<i64: 1, 256>}, {pipeline_mode = #tpu.pipeline_mode<synchronous>, transform_indices = @transform_13, window_bounds = array<i64: 256, 1>}, {pipeline_mode = #tpu.pipeline_mode<synchronous>, transform_indices = @transform_14, window_bounds = array<i64: 1, 1>}, {pipeline_mode = #tpu.pipeline_mode<synchronous>, transform_indices = @transform_15, window_bounds = array<i64: 512, 2>}, {pipeline_mode = #tpu.pipeline_mode<synchronous>, transform_indices = @transform_16, window_bounds = array<i64: 1, 2>}, {transform_indices = @transform_17, window_bounds = array<i64: 1000, 1>}, {pipeline_mode = #tpu.pipeline_mode<synchronous>, transform_indices = @transform_18, window_bounds = array<i64: 1, 2>}, {pipeline_mode = #tpu.pipeline_mode<synchronous>, transform_indices = @transform_19, window_bounds = array<i64: 1, 2>}, {pipeline_mode = #tpu.pipeline_mode<synchronous>, transform_indices = @transform_20, window_bounds = array<i64: 1, 1>}]} {
    %get3A = arith.constant 0 : index
    %get3A_0 = arith.constant 0 : index
    %get3A_1 = vector.load %arg2[%get3A, %get3A_0] : memref<1000x1xf32, #tpu.memory_space<vmem>>, vector<1000x1xf32>
    %get3A_2 = arith.constant 0 : index
    %get3A_3 = arith.constant 0 : index
    %get3A_4 = arith.constant 0 : index
    %get3A_5 = vector.load %arg1[%get3A_2, %get3A_3, %get3A_4] : memref<2x1000x128xf32, #tpu.memory_space<vmem>>, vector<1x1000x128xf32>
    %get3A_6 = vector.shape_cast %get3A_5 : vector<1x1000x128xf32> to vector<1000x128xf32>
    %div3A = vector.broadcast %get3A_1 : vector<1000x1xf32> to vector<1000x128xf32>
    %div3A_7 = arith.divf %get3A_6, %div3A : vector<1000x128xf32>
    %get3A_8 = arith.constant 1 : index
    %get3A_9 = arith.constant 0 : index
    %get3A_10 = arith.constant 0 : index
    %get3A_11 = vector.load %arg1[%get3A_8, %get3A_9, %get3A_10] : memref<2x1000x128xf32, #tpu.memory_space<vmem>>, vector<1x1000x128xf32>
    %get3A_12 = vector.shape_cast %get3A_11 : vector<1x1000x128xf32> to vector<1000x128xf32>
    %div3A_13 = vector.broadcast %get3A_1 : vector<1000x1xf32> to vector<1000x128xf32>
    %div3A_14 = arith.divf %get3A_12, %div3A_13 : vector<1000x128xf32>
    %concatenate3A = tpu.concatenate %div3A_7, %div3A_14 in 1 : vector<1000x128xf32>, vector<1000x128xf32> -> vector<1000x256xf32>
    %get3A_15 = arith.constant 0 : index
    %get3A_16 = arith.constant 0 : index
    %get3A_17 = vector.load %arg3[%get3A_15, %get3A_16] : memref<1000x128xf32, #tpu.memory_space<vmem>>, vector<1000x128xf32>
    %get3A_18 = arith.constant 0 : index
    %get3A_19 = arith.constant 0 : index
    %get3A_20 = vector.load %arg4[%get3A_18, %get3A_19] : memref<1000x128xf32, #tpu.memory_space<vmem>>, vector<1000x128xf32>
    %concatenate3A_21 = tpu.concatenate %get3A_17, %get3A_20 in 1 : vector<1000x128xf32>, vector<1000x128xf32> -> vector<1000x256xf32>
    %get3A_22 = arith.constant 0 : index
    %get3A_23 = arith.constant 0 : index
    %get3A_24 = vector.load %arg5[%get3A_22, %get3A_23] : memref<256x512xf32, #tpu.memory_space<vmem>>, vector<256x512xf32>
    %dot_general3A = arith.constant dense<0.000000e+00> : vector<1000x512xf32>
    %dot_general3A_25 = tpu.matmul %concatenate3A, %get3A_24, %dot_general3A {dimension_numbers = #tpu.dot_dimension_numbers<[1], [0], [0], [1], [0, 0, 1, 1], [], []>, transpose_lhs_hint = false} : vector<1000x256xf32>, vector<256x512xf32>, vector<1000x512xf32> -> vector<1000x512xf32>
    %get3A_26 = arith.constant 0 : index
    %get3A_27 = arith.constant 0 : index
    %get3A_28 = vector.load %arg7[%get3A_26, %get3A_27] : memref<256x512xf32, #tpu.memory_space<vmem>>, vector<256x512xf32>
    %dot_general3A_29 = arith.constant dense<0.000000e+00> : vector<1000x512xf32>
    %dot_general3A_30 = tpu.matmul %concatenate3A_21, %get3A_28, %dot_general3A_29 {dimension_numbers = #tpu.dot_dimension_numbers<[1], [0], [0], [1], [0, 0, 1, 1], [], []>, transpose_lhs_hint = false} : vector<1000x256xf32>, vector<256x512xf32>, vector<1000x512xf32> -> vector<1000x512xf32>
    %add3A = arith.addf %dot_general3A_25, %dot_general3A_30 : vector<1000x512xf32>
    %get3A_31 = arith.constant 0 : index
    %get3A_32 = arith.constant 0 : index
    %get3A_33 = vector.load %arg6[%get3A_31, %get3A_32] : memref<1x512xf32, #tpu.memory_space<vmem>>, vector<1x512xf32>
    %add3A_34 = vector.broadcast %get3A_33 : vector<1x512xf32> to vector<1000x512xf32>
    %add3A_35 = arith.addf %add3A, %add3A_34 : vector<1000x512xf32>
    %get3A_36 = arith.constant 0 : index
    %get3A_37 = arith.constant 0 : index
    %get3A_38 = vector.load %arg8[%get3A_36, %get3A_37] : memref<512x512xf32, #tpu.memory_space<vmem>>, vector<512x512xf32>
    %dot_general3A_39 = arith.constant dense<0.000000e+00> : vector<1000x512xf32>
    %dot_general3A_40 = tpu.matmul %add3A_35, %get3A_38, %dot_general3A_39 {dimension_numbers = #tpu.dot_dimension_numbers<[1], [0], [0], [1], [0, 0, 1, 1], [], []>, transpose_lhs_hint = false} : vector<1000x512xf32>, vector<512x512xf32>, vector<1000x512xf32> -> vector<1000x512xf32>
    %get3A_41 = arith.constant 0 : index
    %get3A_42 = arith.constant 0 : index
    %get3A_43 = vector.load %arg9[%get3A_41, %get3A_42] : memref<1x512xf32, #tpu.memory_space<vmem>>, vector<1x512xf32>
    %add3A_44 = vector.broadcast %get3A_43 : vector<1x512xf32> to vector<1000x512xf32>
    %add3A_45 = arith.addf %dot_general3A_40, %add3A_44 : vector<1000x512xf32>
    %max3A = arith.constant 0.000000e+00 : f32
    %max3A_46 = vector.broadcast %max3A : f32 to vector<1000x512xf32>
    %max3A_47 = arith.maximumf %add3A_45, %max3A_46 : vector<1000x512xf32>
    %get3A_48 = arith.constant 0 : index
    %get3A_49 = arith.constant 0 : index
    %get3A_50 = vector.load %arg10[%get3A_48, %get3A_49] : memref<512x256xf32, #tpu.memory_space<vmem>>, vector<512x256xf32>
    %dot_general3A_51 = arith.constant dense<0.000000e+00> : vector<1000x256xf32>
    %dot_general3A_52 = tpu.matmul %max3A_47, %get3A_50, %dot_general3A_51 {dimension_numbers = #tpu.dot_dimension_numbers<[1], [0], [0], [1], [0, 0, 1, 1], [], []>, transpose_lhs_hint = false} : vector<1000x512xf32>, vector<512x256xf32>, vector<1000x256xf32> -> vector<1000x256xf32>
    %get3A_53 = arith.constant 0 : index
    %get3A_54 = arith.constant 0 : index
    %get3A_55 = vector.load %arg11[%get3A_53, %get3A_54] : memref<1x256xf32, #tpu.memory_space<vmem>>, vector<1x256xf32>
    %add3A_56 = vector.broadcast %get3A_55 : vector<1x256xf32> to vector<1000x256xf32>
    %add3A_57 = arith.addf %dot_general3A_52, %add3A_56 : vector<1000x256xf32>
    %tanh3A = math.tanh %add3A_57 : vector<1000x256xf32>
    %get3A_58 = arith.constant 0 : index
    %get3A_59 = arith.constant 0 : index
    %get3A_60 = vector.load %arg12[%get3A_58, %get3A_59] : memref<512x256xf32, #tpu.memory_space<vmem>>, vector<512x256xf32>
    %dot_general3A_61 = arith.constant dense<0.000000e+00> : vector<1000x256xf32>
    %dot_general3A_62 = tpu.matmul %max3A_47, %get3A_60, %dot_general3A_61 {dimension_numbers = #tpu.dot_dimension_numbers<[1], [0], [0], [1], [0, 0, 1, 1], [], []>, transpose_lhs_hint = false} : vector<1000x512xf32>, vector<512x256xf32>, vector<1000x256xf32> -> vector<1000x256xf32>
    %get3A_63 = arith.constant 0 : index
    %get3A_64 = arith.constant 0 : index
    %get3A_65 = vector.load %arg13[%get3A_63, %get3A_64] : memref<1x256xf32, #tpu.memory_space<vmem>>, vector<1x256xf32>
    %add3A_66 = vector.broadcast %get3A_65 : vector<1x256xf32> to vector<1000x256xf32>
    %add3A_67 = arith.addf %dot_general3A_62, %add3A_66 : vector<1000x256xf32>
    %logistic3A = arith.negf %add3A_67 : vector<1000x256xf32>
    %logistic3A_68 = math.exp %logistic3A : vector<1000x256xf32>
    %logistic3A_69 = arith.constant 1.000000e+00 : f32
    %logistic3A_70 = vector.broadcast %logistic3A_69 : f32 to vector<1000x256xf32>
    %logistic3A_71 = arith.addf %logistic3A_70, %logistic3A_68 : vector<1000x256xf32>
    %logistic3A_72 = arith.divf %logistic3A_70, %logistic3A_71 : vector<1000x256xf32>
    %mul3A = arith.mulf %tanh3A, %logistic3A_72 : vector<1000x256xf32>
    %get3A_73 = arith.constant 0 : index
    %get3A_74 = arith.constant 0 : index
    %get3A_75 = vector.load %arg14[%get3A_73, %get3A_74] : memref<256x1xf32, #tpu.memory_space<vmem>>, vector<256x1xf32>
    %dot_general3A_76 = arith.constant dense<0.000000e+00> : vector<1000x1xf32>
    %dot_general3A_77 = tpu.matmul %mul3A, %get3A_75, %dot_general3A_76 {dimension_numbers = #tpu.dot_dimension_numbers<[1], [0], [0], [1], [0, 0, 1, 1], [], []>, transpose_lhs_hint = false} : vector<1000x256xf32>, vector<256x1xf32>, vector<1000x1xf32> -> vector<1000x1xf32>
    %get3A_78 = arith.constant 0 : index
    %get3A_79 = arith.constant 0 : index
    %get3A_80 = vector.load %arg15[%get3A_78, %get3A_79] : memref<1x1xf32, #tpu.memory_space<vmem>>, vector<1x1xf32>
    %add3A_81 = vector.broadcast %get3A_80 : vector<1x1xf32> to vector<1000x1xf32>
    %add3A_82 = arith.addf %dot_general3A_77, %add3A_81 : vector<1000x1xf32>
    %swap3A = arith.constant 0 : index
    %swap3A_83 = arith.constant 0 : index
    %swap3A_84 = vector.load %arg18[%swap3A, %swap3A_83] : memref<1000x1xf32, #tpu.memory_space<vmem>>, vector<1000x1xf32>
    tpu.vector_store %arg18[%swap3A, %swap3A_83], %add3A_82 {strides = array<i32>} : memref<1000x1xf32, #tpu.memory_space<vmem>>, vector<1000x1xf32>,
    %lt3A = arith.constant 10 : i32
    %lt3A_85 = arith.cmpi slt, %arg0, %lt3A : i32
    %convert_element_type3A = arith.extui %lt3A_85 : i1 to i32
    %cond3A = arith.constant 0 : i32
    %cond3A_86 = arith.cmpi ne, %convert_element_type3A, %cond3A : i32
    scf.if %cond3A_86 {
      %reduce_max3A = vector.shape_cast %add3A_82 : vector<1000x1xf32> to vector<1x1000x1xf32>
      %reduce_max3A_91 = arith.constant dense<0xFF800000> : vector<1xf32>
      %reduce_max3A_92 = vector.multi_reduction <maximumf>, %reduce_max3A, %reduce_max3A_91 [1, 2] : vector<1x1000x1xf32> to vector<1xf32>
      %reduce_max3A_93 = vector.shape_cast %reduce_max3A_92 : vector<1xf32> to vector<1x1x1xf32>
      %reduce_max3A_94 = vector.extract %reduce_max3A_93[0, 0, 0] : f32 from vector<1x1x1xf32>
      %sub3A = vector.broadcast %reduce_max3A_94 : f32 to vector<1000x1xf32>
      %sub3A_95 = arith.subf %add3A_82, %sub3A : vector<1000x1xf32>
      %exp3A = math.exp %sub3A_95 : vector<1000x1xf32>
      %reduce_sum3A = vector.shape_cast %exp3A : vector<1000x1xf32> to vector<1x1000x1xf32>
      %reduce_sum3A_96 = arith.constant dense<0.000000e+00> : vector<1xf32>
      %reduce_sum3A_97 = vector.multi_reduction <add>, %reduce_sum3A, %reduce_sum3A_96 [1, 2] : vector<1x1000x1xf32> to vector<1xf32>
      %reduce_sum3A_98 = vector.shape_cast %reduce_sum3A_97 : vector<1xf32> to vector<1x1x1xf32>
      %reduce_sum3A_99 = vector.extract %reduce_sum3A_98[0, 0, 0] : f32 from vector<1x1x1xf32>
      %eq3A = arith.constant 0 : i32
      %eq3A_100 = arith.cmpi eq, %arg0, %eq3A : i32
      %convert_element_type3A_101 = arith.extui %eq3A_100 : i1 to i32
      %cond3A_102 = arith.constant 0 : i32
      %cond3A_103 = arith.cmpi ne, %convert_element_type3A_101, %cond3A_102 : i32
      scf.if %cond3A_103 {
        %swap3A_108 = arith.constant 0 : index
        %swap3A_109 = memref.load %arg24[%swap3A_108] : memref<1xf32, #tpu.memory_space<smem>>
        memref.store %reduce_max3A_94, %arg24[%swap3A_108] : memref<1xf32, #tpu.memory_space<smem>>
        %swap3A_110 = arith.constant 0 : index
        %swap3A_111 = memref.load %arg23[%swap3A_110] : memref<1xf32, #tpu.memory_space<smem>>
        memref.store %reduce_sum3A_99, %arg23[%swap3A_110] : memref<1xf32, #tpu.memory_space<smem>>
      } else {
      }
      %gt3A = arith.constant 0 : i32
      %gt3A_104 = arith.cmpi sgt, %arg0, %gt3A : i32
      %convert_element_type3A_105 = arith.extui %gt3A_104 : i1 to i32
      %cond3A_106 = arith.constant 0 : i32
      %cond3A_107 = arith.cmpi ne, %convert_element_type3A_105, %cond3A_106 : i32
      scf.if %cond3A_107 {
        %get3A_108 = arith.constant 0 : index
        %get3A_109 = memref.load %arg24[%get3A_108] : memref<1xf32, #tpu.memory_space<smem>>
        %max3A_110 = arith.maximumf %get3A_109, %reduce_max3A_94 : f32
        %get3A_111 = arith.constant 0 : index
        %get3A_112 = memref.load %arg23[%get3A_111] : memref<1xf32, #tpu.memory_space<smem>>
        %sub3A_113 = arith.subf %get3A_109, %max3A_110 : f32
        %exp3A_114 = math.exp %sub3A_113 : f32
        %mul3A_115 = arith.mulf %get3A_112, %exp3A_114 : f32
        %sub3A_116 = arith.subf %reduce_max3A_94, %max3A_110 : f32
        %exp3A_117 = math.exp %sub3A_116 : f32
        %mul3A_118 = arith.mulf %reduce_sum3A_99, %exp3A_117 : f32
        %add3A_119 = arith.addf %mul3A_115, %mul3A_118 : f32
        %swap3A_120 = arith.constant 0 : index
        %swap3A_121 = memref.load %arg23[%swap3A_120] : memref<1xf32, #tpu.memory_space<smem>>
        memref.store %add3A_119, %arg23[%swap3A_120] : memref<1xf32, #tpu.memory_space<smem>>
        %swap3A_122 = arith.constant 0 : index
        %swap3A_123 = memref.load %arg24[%swap3A_122] : memref<1xf32, #tpu.memory_space<smem>>
        memref.store %max3A_110, %arg24[%swap3A_122] : memref<1xf32, #tpu.memory_space<smem>>
      } else {
      }
    } else {
    }
    %ge3A = arith.constant 10 : i32
    %ge3A_87 = arith.cmpi sge, %arg0, %ge3A : i32
    %convert_element_type3A_88 = arith.extui %ge3A_87 : i1 to i32
    %cond3A_89 = arith.constant 0 : i32
    %cond3A_90 = arith.cmpi ne, %convert_element_type3A_88, %cond3A_89 : i32
    scf.if %cond3A_90 {
      %get3A_91 = arith.constant 0 : index
      %get3A_92 = memref.load %arg24[%get3A_91] : memref<1xf32, #tpu.memory_space<smem>>
      %sub3A = vector.broadcast %get3A_92 : f32 to vector<1000x1xf32>
      %sub3A_93 = arith.subf %add3A_82, %sub3A : vector<1000x1xf32>
      %exp3A = math.exp %sub3A_93 : vector<1000x1xf32>
      %get3A_94 = arith.constant 0 : index
      %get3A_95 = memref.load %arg23[%get3A_94] : memref<1xf32, #tpu.memory_space<smem>>
      %div3A_96 = vector.broadcast %get3A_95 : f32 to vector<1000x1xf32>
      %div3A_97 = arith.divf %exp3A, %div3A_96 : vector<1000x1xf32>
      %dot_general3A_98 = arith.constant dense<0.000000e+00> : vector<1x512xf32>
      %dot_general3A_99 = tpu.matmul %div3A_97, %max3A_47, %dot_general3A_98 {dimension_numbers = #tpu.dot_dimension_numbers<[0], [0], [1], [1], [0, 1, 1, 1], [], []>, transpose_lhs_hint = false} : vector<1000x1xf32>, vector<1000x512xf32>, vector<1x512xf32> -> vector<1x512xf32>
      %eq3A = arith.constant 10 : i32
      %eq3A_100 = arith.cmpi eq, %arg0, %eq3A : i32
      %convert_element_type3A_101 = arith.extui %eq3A_100 : i1 to i32
      %cond3A_102 = arith.constant 0 : i32
      %cond3A_103 = arith.cmpi ne, %convert_element_type3A_101, %cond3A_102 : i32
      scf.if %cond3A_103 {
        %swap3A_113 = arith.constant 0 : index
        %swap3A_114 = arith.constant 0 : index
        %swap3A_115 = vector.load %arg22[%swap3A_113, %swap3A_114] : memref<1x512xf32, #tpu.memory_space<vmem>>, vector<1x512xf32>
        tpu.vector_store %arg22[%swap3A_113, %swap3A_114], %dot_general3A_99 {strides = array<i32>} : memref<1x512xf32, #tpu.memory_space<vmem>>, vector<1x512xf32>,
      } else {
      }
      %gt3A = arith.constant 10 : i32
      %gt3A_104 = arith.cmpi sgt, %arg0, %gt3A : i32
      %convert_element_type3A_105 = arith.extui %gt3A_104 : i1 to i32
      %cond3A_106 = arith.constant 0 : i32
      %cond3A_107 = arith.cmpi ne, %convert_element_type3A_105, %cond3A_106 : i32
      scf.if %cond3A_107 {
        %get3A_113 = arith.constant 0 : index
        %get3A_114 = arith.constant 0 : index
        %get3A_115 = vector.load %arg22[%get3A_113, %get3A_114] : memref<1x512xf32, #tpu.memory_space<vmem>>, vector<1x512xf32>
        %add3A_116 = arith.addf %get3A_115, %dot_general3A_99 : vector<1x512xf32>
        %swap3A_117 = arith.constant 0 : index
        %swap3A_118 = arith.constant 0 : index
        %swap3A_119 = vector.load %arg22[%swap3A_117, %swap3A_118] : memref<1x512xf32, #tpu.memory_space<vmem>>, vector<1x512xf32>
        tpu.vector_store %arg22[%swap3A_117, %swap3A_118], %add3A_116 {strides = array<i32>} : memref<1x512xf32, #tpu.memory_space<vmem>>, vector<1x512xf32>,
      } else {
      }
      %eq3A_108 = arith.constant 19 : i32
      %eq3A_109 = arith.cmpi eq, %arg0, %eq3A_108 : i32
      %convert_element_type3A_110 = arith.extui %eq3A_109 : i1 to i32
      %cond3A_111 = arith.constant 0 : i32
      %cond3A_112 = arith.cmpi ne, %convert_element_type3A_110, %cond3A_111 : i32
      scf.if %cond3A_112 {
        %get3A_113 = arith.constant 0 : index
        %get3A_114 = arith.constant 0 : index
        %get3A_115 = vector.load %arg22[%get3A_113, %get3A_114] : memref<1x512xf32, #tpu.memory_space<vmem>>, vector<1x512xf32>
        %get3A_116 = arith.constant 0 : index
        %get3A_117 = arith.constant 0 : index
        %get3A_118 = vector.load %arg16[%get3A_116, %get3A_117] : memref<512x2xf32, #tpu.memory_space<vmem>>, vector<512x2xf32>
        %dot_general3A_119 = arith.constant dense<0.000000e+00> : vector<1x2xf32>
        %dot_general3A_120 = tpu.matmul %get3A_115, %get3A_118, %dot_general3A_119 {dimension_numbers = #tpu.dot_dimension_numbers<[1], [0], [0], [1], [0, 0, 1, 1], [], []>, transpose_lhs_hint = false} : vector<1x512xf32>, vector<512x2xf32>, vector<1x2xf32> -> vector<1x2xf32>
        %get3A_121 = arith.constant 0 : index
        %get3A_122 = arith.constant 0 : index
        %get3A_123 = vector.load %arg17[%get3A_121, %get3A_122] : memref<1x2xf32, #tpu.memory_space<vmem>>, vector<1x2xf32>
        %add3A_124 = arith.addf %dot_general3A_120, %get3A_123 : vector<1x2xf32>
        %swap3A_125 = arith.constant 0 : index
        %swap3A_126 = arith.constant 0 : index
        %swap3A_127 = vector.load %arg19[%swap3A_125, %swap3A_126] : memref<1x2xf32, #tpu.memory_space<vmem>>, vector<1x2xf32>
        tpu.vector_store %arg19[%swap3A_125, %swap3A_126], %add3A_124 {strides = array<i32>} : memref<1x2xf32, #tpu.memory_space<vmem>>, vector<1x2xf32>,
        %reduce_max3A = arith.constant dense<0xFF800000> : vector<1xf32>
        %reduce_max3A_128 = vector.multi_reduction <maximumf>, %add3A_124, %reduce_max3A [1] : vector<1x2xf32> to vector<1xf32>
        %broadcast_in_dim3A = vector.shape_cast %reduce_max3A_128 : vector<1xf32> to vector<1x1xf32>
        %sub3A_129 = vector.broadcast %broadcast_in_dim3A : vector<1x1xf32> to vector<1x2xf32>
        %sub3A_130 = arith.subf %add3A_124, %sub3A_129 : vector<1x2xf32>
        %exp3A_131 = math.exp %sub3A_130 : vector<1x2xf32>
        %reduce_sum3A = arith.constant dense<0.000000e+00> : vector<1xf32>
        %reduce_sum3A_132 = vector.multi_reduction <add>, %exp3A_131, %reduce_sum3A [1] : vector<1x2xf32> to vector<1xf32>
        %broadcast_in_dim3A_133 = vector.shape_cast %reduce_sum3A_132 : vector<1xf32> to vector<1x1xf32>
        %div3A_134 = vector.broadcast %broadcast_in_dim3A_133 : vector<1x1xf32> to vector<1x2xf32>
        %div3A_135 = arith.divf %exp3A_131, %div3A_134 : vector<1x2xf32>
        %swap3A_136 = arith.constant 0 : index
        %swap3A_137 = arith.constant 0 : index
        %swap3A_138 = vector.load %arg20[%swap3A_136, %swap3A_137] : memref<1x2xf32, #tpu.memory_space<vmem>>, vector<1x2xf32>
        tpu.vector_store %arg20[%swap3A_136, %swap3A_137], %div3A_135 {strides = array<i32>} : memref<1x2xf32, #tpu.memory_space<vmem>>, vector<1x2xf32>,
        %slice3A = vector.extract_strided_slice %add3A_124 {offsets = [0, 1], sizes = [1, 1], strides = [1, 1]} : vector<1x2xf32> to vector<1x1xf32>
        %slice3A_139 = vector.extract_strided_slice %add3A_124 {offsets = [0, 0], sizes = [1, 1], strides = [1, 1]} : vector<1x2xf32> to vector<1x1xf32>
        %gt3A_140 = arith.cmpf ogt, %slice3A, %slice3A_139 : vector<1x1xf32>
        %jit3A = arith.constant 1 : i32
        %jit3A_141 = arith.constant 0 : i32
        %broadcast_in_dim3A_142 = vector.broadcast %jit3A : i32 to vector<1x1xi32>
        %broadcast_in_dim3A_143 = vector.broadcast %jit3A_141 : i32 to vector<1x1xi32>
        %select_n3A = arith.select %gt3A_140, %broadcast_in_dim3A_142, %broadcast_in_dim3A_143 : vector<1x1xi1>, vector<1x1xi32>
        %swap3A_144 = arith.constant 0 : index
        %swap3A_145 = arith.constant 0 : index
        %swap3A_146 = vector.load %arg21[%swap3A_144, %swap3A_145] : memref<1x1xi32, #tpu.memory_space<vmem>>, vector<1x1xi32>
        tpu.vector_store %arg21[%swap3A_144, %swap3A_145], %select_n3A {strides = array<i32>} : memref<1x1xi32, #tpu.memory_space<vmem>>, vector<1x1xi32>,
      } else {
      }
    } else {
    }
    return
  }
  func.func @transform_0(%arg0: i32) -> (i32, i32, i32) {
    %jit3A = arith.constant 10 : i32
    %eq3A = arith.constant 0 : i32
    %eq3A_0 = arith.cmpi eq, %jit3A, %eq3A : i32
    %jit3A_1 = arith.constant 1 : i32
    %select_n3A = arith.select %eq3A_0, %jit3A_1, %jit3A : i32
    %rem3A = arith.remsi %arg0, %select_n3A : i32
    %ne3A = arith.constant 0 : i32
    %ne3A_2 = arith.cmpi ne, %rem3A, %ne3A : i32
    %lt3A = arith.constant 0 : i32
    %lt3A_3 = arith.cmpi slt, %rem3A, %lt3A : i32
    %lt3A_4 = arith.constant 0 : i32
    %lt3A_5 = arith.cmpi slt, %select_n3A, %lt3A_4 : i32
    %ne3A_6 = arith.xori %lt3A_3, %lt3A_5 : i1
    %and3A = arith.andi %ne3A_6, %ne3A_2 : i1
    %add3A = arith.addi %rem3A, %select_n3A : i32
    %select_n3A_7 = arith.select %and3A, %add3A, %rem3A : i32
    %c0_i32 = arith.constant 0 : i32
    %c0_i32_8 = arith.constant 0 : i32
    %c0_i32_9 = arith.constant 0 : i32
    return %c0_i32, %select_n3A_7, %c0_i32_8 : i32, i32, i32
  }
  func.func @transform_1(%arg0: i32) -> (i32, i32) {
    %jit3A = arith.constant 10 : i32
    %eq3A = arith.constant 0 : i32
    %eq3A_0 = arith.cmpi eq, %jit3A, %eq3A : i32
    %jit3A_1 = arith.constant 1 : i32
    %select_n3A = arith.select %eq3A_0, %jit3A_1, %jit3A : i32
    %rem3A = arith.remsi %arg0, %select_n3A : i32
    %ne3A = arith.constant 0 : i32
    %ne3A_2 = arith.cmpi ne, %rem3A, %ne3A : i32
    %lt3A = arith.constant 0 : i32
    %lt3A_3 = arith.cmpi slt, %rem3A, %lt3A : i32
    %lt3A_4 = arith.constant 0 : i32
    %lt3A_5 = arith.cmpi slt, %select_n3A, %lt3A_4 : i32
    %ne3A_6 = arith.xori %lt3A_3, %lt3A_5 : i1
    %and3A = arith.andi %ne3A_6, %ne3A_2 : i1
    %add3A = arith.addi %rem3A, %select_n3A : i32
    %select_n3A_7 = arith.select %and3A, %add3A, %rem3A : i32
    %c0_i32 = arith.constant 0 : i32
    %c0_i32_8 = arith.constant 0 : i32
    return %select_n3A_7, %c0_i32 : i32, i32
  }
  func.func @transform_2(%arg0: i32) -> (i32, i32) {
    %jit3A = arith.constant 10 : i32
    %eq3A = arith.constant 0 : i32
    %eq3A_0 = arith.cmpi eq, %jit3A, %eq3A : i32
    %jit3A_1 = arith.constant 1 : i32
    %select_n3A = arith.select %eq3A_0, %jit3A_1, %jit3A : i32
    %rem3A = arith.remsi %arg0, %select_n3A : i32
    %ne3A = arith.constant 0 : i32
    %ne3A_2 = arith.cmpi ne, %rem3A, %ne3A : i32
    %lt3A = arith.constant 0 : i32
    %lt3A_3 = arith.cmpi slt, %rem3A, %lt3A : i32
    %lt3A_4 = arith.constant 0 : i32
    %lt3A_5 = arith.cmpi slt, %select_n3A, %lt3A_4 : i32
    %ne3A_6 = arith.xori %lt3A_3, %lt3A_5 : i1
    %and3A = arith.andi %ne3A_6, %ne3A_2 : i1
    %add3A = arith.addi %rem3A, %select_n3A : i32
    %select_n3A_7 = arith.select %and3A, %add3A, %rem3A : i32
    %c0_i32 = arith.constant 0 : i32
    %c0_i32_8 = arith.constant 0 : i32
    return %select_n3A_7, %c0_i32 : i32, i32
  }
  func.func @transform_3(%arg0: i32) -> (i32, i32) {
    %jit3A = arith.constant 10 : i32
    %eq3A = arith.constant 0 : i32
    %eq3A_0 = arith.cmpi eq, %jit3A, %eq3A : i32
    %jit3A_1 = arith.constant 1 : i32
    %select_n3A = arith.select %eq3A_0, %jit3A_1, %jit3A : i32
    %rem3A = arith.remsi %arg0, %select_n3A : i32
    %ne3A = arith.constant 0 : i32
    %ne3A_2 = arith.cmpi ne, %rem3A, %ne3A : i32
    %lt3A = arith.constant 0 : i32
    %lt3A_3 = arith.cmpi slt, %rem3A, %lt3A : i32
    %lt3A_4 = arith.constant 0 : i32
    %lt3A_5 = arith.cmpi slt, %select_n3A, %lt3A_4 : i32
    %ne3A_6 = arith.xori %lt3A_3, %lt3A_5 : i1
    %and3A = arith.andi %ne3A_6, %ne3A_2 : i1
    %add3A = arith.addi %rem3A, %select_n3A : i32
    %select_n3A_7 = arith.select %and3A, %add3A, %rem3A : i32
    %c0_i32 = arith.constant 0 : i32
    %c0_i32_8 = arith.constant 0 : i32
    return %select_n3A_7, %c0_i32 : i32, i32
  }
  func.func @transform_4(%arg0: i32) -> (i32, i32) {
    %c0_i32 = arith.constant 0 : i32
    %c0_i32_0 = arith.constant 0 : i32
    %c0_i32_1 = arith.constant 0 : i32
    return %c0_i32, %c0_i32_0 : i32, i32
  }
  func.func @transform_5(%arg0: i32) -> (i32, i32) {
    %c0_i32 = arith.constant 0 : i32
    %c0_i32_0 = arith.constant 0 : i32
    %c0_i32_1 = arith.constant 0 : i32
    return %c0_i32, %c0_i32_0 : i32, i32
  }
  func.func @transform_6(%arg0: i32) -> (i32, i32) {
    %c0_i32 = arith.constant 0 : i32
    %c0_i32_0 = arith.constant 0 : i32
    %c0_i32_1 = arith.constant 0 : i32
    return %c0_i32, %c0_i32_0 : i32, i32
  }
  func.func @transform_7(%arg0: i32) -> (i32, i32) {
    %c0_i32 = arith.constant 0 : i32
    %c0_i32_0 = arith.constant 0 : i32
    %c0_i32_1 = arith.constant 0 : i32
    return %c0_i32, %c0_i32_0 : i32, i32
  }
  func.func @transform_8(%arg0: i32) -> (i32, i32) {
    %c0_i32 = arith.constant 0 : i32
    %c0_i32_0 = arith.constant 0 : i32
    %c0_i32_1 = arith.constant 0 : i32
    return %c0_i32, %c0_i32_0 : i32, i32
  }
  func.func @transform_9(%arg0: i32) -> (i32, i32) {
    %c0_i32 = arith.constant 0 : i32
    %c0_i32_0 = arith.constant 0 : i32
    %c0_i32_1 = arith.constant 0 : i32
    return %c0_i32, %c0_i32_0 : i32, i32
  }
  func.func @transform_10(%arg0: i32) -> (i32, i32) {
    %c0_i32 = arith.constant 0 : i32
    %c0_i32_0 = arith.constant 0 : i32
    %c0_i32_1 = arith.constant 0 : i32
    return %c0_i32, %c0_i32_0 : i32, i32
  }
  func.func @transform_11(%arg0: i32) -> (i32, i32) {
    %c0_i32 = arith.constant 0 : i32
    %c0_i32_0 = arith.constant 0 : i32
    %c0_i32_1 = arith.constant 0 : i32
    return %c0_i32, %c0_i32_0 : i32, i32
  }
  func.func @transform_12(%arg0: i32) -> (i32, i32) {
    %c0_i32 = arith.constant 0 : i32
    %c0_i32_0 = arith.constant 0 : i32
    %c0_i32_1 = arith.constant 0 : i32
    return %c0_i32, %c0_i32_0 : i32, i32
  }
  func.func @transform_13(%arg0: i32) -> (i32, i32) {
    %c0_i32 = arith.constant 0 : i32
    %c0_i32_0 = arith.constant 0 : i32
    %c0_i32_1 = arith.constant 0 : i32
    return %c0_i32, %c0_i32_0 : i32, i32
  }
  func.func @transform_14(%arg0: i32) -> (i32, i32) {
    %c0_i32 = arith.constant 0 : i32
    %c0_i32_0 = arith.constant 0 : i32
    %c0_i32_1 = arith.constant 0 : i32
    return %c0_i32, %c0_i32_0 : i32, i32
  }
  func.func @transform_15(%arg0: i32) -> (i32, i32) {
    %c0_i32 = arith.constant 0 : i32
    %c0_i32_0 = arith.constant 0 : i32
    %c0_i32_1 = arith.constant 0 : i32
    return %c0_i32, %c0_i32_0 : i32, i32
  }
  func.func @transform_16(%arg0: i32) -> (i32, i32) {
    %c0_i32 = arith.constant 0 : i32
    %c0_i32_0 = arith.constant 0 : i32
    %c0_i32_1 = arith.constant 0 : i32
    return %c0_i32, %c0_i32_0 : i32, i32
  }
  func.func @transform_17(%arg0: i32) -> (i32, i32) {
    %jit3A = arith.constant 10 : i32
    %eq3A = arith.constant 0 : i32
    %eq3A_0 = arith.cmpi eq, %jit3A, %eq3A : i32
    %jit3A_1 = arith.constant 1 : i32
    %select_n3A = arith.select %eq3A_0, %jit3A_1, %jit3A : i32
    %rem3A = arith.remsi %arg0, %select_n3A : i32
    %ne3A = arith.constant 0 : i32
    %ne3A_2 = arith.cmpi ne, %rem3A, %ne3A : i32
    %lt3A = arith.constant 0 : i32
    %lt3A_3 = arith.cmpi slt, %rem3A, %lt3A : i32
    %lt3A_4 = arith.constant 0 : i32
    %lt3A_5 = arith.cmpi slt, %select_n3A, %lt3A_4 : i32
    %ne3A_6 = arith.xori %lt3A_3, %lt3A_5 : i1
    %and3A = arith.andi %ne3A_6, %ne3A_2 : i1
    %add3A = arith.addi %rem3A, %select_n3A : i32
    %select_n3A_7 = arith.select %and3A, %add3A, %rem3A : i32
    %c0_i32 = arith.constant 0 : i32
    %c0_i32_8 = arith.constant 0 : i32
    return %select_n3A_7, %c0_i32 : i32, i32
  }
  func.func @transform_18(%arg0: i32) -> (i32, i32) {
    %c0_i32 = arith.constant 0 : i32
    %c0_i32_0 = arith.constant 0 : i32
    %c0_i32_1 = arith.constant 0 : i32
    return %c0_i32, %c0_i32_0 : i32, i32
  }
  func.func @transform_19(%arg0: i32) -> (i32, i32) {
    %c0_i32 = arith.constant 0 : i32
    %c0_i32_0 = arith.constant 0 : i32
    %c0_i32_1 = arith.constant 0 : i32
    return %c0_i32, %c0_i32_0 : i32, i32
  }
  func.func @transform_20(%arg0: i32) -> (i32, i32) {
    %c0_i32 = arith.constant 0 : i32
    %c0_i32_0 = arith.constant 0 : i32
    %c0_i32_1 = arith.constant 0 : i32
    return %c0_i32, %c0_i32_0 : i32, i32
  }
}

</mosaic_0001>

<sc_bundles>
// kernel: kernel.6.cloned.1.call-start
scs
__scs_entry_jumppad:
0x0: {  	(pc) =	sbr.rel $0x88, $3  }
0x1: {  	(tag) =	ssettag $0x0;
	lr =	simm.s32 $0x1  }
0x2: {  	[smem:$0x3F8F] =	sst lr;
	_ =	strace $0xD0000000  }
0x3: {  	_ = 	snop  }
0x4: {  	_ = 	snop  }
0x5: {  	_ = 	snop  }
0x6: {  	_ = 	snop  }
0x7: {  	_ = 	snop  }
__scs_overlays_trampoline_lowered:
0x8: {  	[smem:$0x3F9E] =	sst s0  }
0x9: {  	[smem:$0x3F9F] =	sst s1  }
0xa: {  	[smem:$0x3FA0] =	sst s2  }
0xb: {  	[smem:$0x3FA1] =	sst s3  }
0xc: {  	[smem:$0x3FA2] =	sst s4  }
0xd: {  	[smem:$0x3FA3] =	sst s5  }
0xe: {  	[smem:$0x3FA4] =	sst s6  }
0xf: {  	[smem:$0x3FA5] =	sst s7  }
0x10: {  	[smem:$0x3FA6] =	sst s8  }
0x11: {  	[smem:$0x3FA7] =	sst s9;
	s0 =	simm.s32 @!p0 $0x0  }
0x12: {  	s1 =	sld [smem:$0x3F8D];
	s0 =	simm.s32 @p0 $0x1  }
0x13: {  	[smem:$0x3FA8] =	sst s0;
	s0 =	simm.s32 @!p1 $0x0  }
0x14: {  	s2 =	sld [smem:$0x3F8C];
	s0 =	simm.s32 @p1 $0x1  }
0x15: {  	[smem:$0x3FA9] =	sst s0;
	s0 =	simm.s32 @!p2 $0x0  }
0x16: {  	s3 =	sld [smem:$0x3FDB];
	s0 =	simm.s32 @p2 $0x1  }
0x17: {  	s4 =	simm.s32 $0x1BF5;
	[smem:$0x3FAB] =	sst s0  }
0x18: {  	s0 =	sld [smem:$0x3F8E];
	_ =	swait.ge [sflag:s4], $0x0  }
0x19: {  	s7 =	sld [smem:$0x3F8F]  }
0x1a: {  	s8 =	sadd.s32 $0xFFFFE003, lr  }
0x1b: {  	s9 =	sadd.s32 $0xFFFFFEF7, lr;
	s5 =	simm.s32 $0xFFFFFFFF;
	p2 =	slt.u32 s8, $0xFFFFF086  }
0x1c: {  	p1 =	slt.u32 s9, $0xF7A;
	s5 =	simm.s32 @!p2 $0x0  }
0x1d: {  	s5 =	simm.s32 @p1 $0x1;
	p0 =	seq.s32 s7, s2  }
0x1e: {  	s7 =	smul.u32 @!p0 $0xF7A, s2;
	p2 =	seq.s32 @!p0 s5, $0x0  }
0x1f: {  	s9 =	smul.u32 $0xF7A, s1;
	s8 =	simm.s32 @!p0 $0x1BF5;
	p2 =	por !p2, p0  }
0x20: {  	[sflag:s8] =	ssyncset.s32 @!p0 $0xFFFFF086;
	s6 =	sadd.s32 @!p0 s3, s7;
	s7 =	simm.s32 @!p0 $0x108  }
0x21: {  	s3 =	sadd.s32 s3, s9;
	s6 =	sadd.s32 @!p0 $0x88, s6;
	s7 =	simm.s32 @p2 $0x1082  }
0x22: {  	[simem:s7], [sflag:s8] =	dma.local @!p0 [hbm:s6], $0xF7A  }
0x23: {  	s9 =	sor.u32 $0xD0000000, s2;
	s6 =	simm.s32 $0x108;
	_ =	swait.ge @!p0 [sflag:s8], $0x0  }
0x24: {  	s3 =	sadd.s32 $0x88, s3;
	s6 =	simm.s32 @!p1 $0x1082;
	[sflag:s4] =	ssyncset.s32 $0xFFFFF086  }
0x25: {  	[simem:s6], [sflag:s4] =	dma.local [hbm:s3], $0xF7A  }
0x26: {  	[smem:$0x3F8F] =	sst s1;
	(tag) =	ssettag s2;
	_ =	strace s9  }
0x27: {  	s1 =	sld [smem:$0x3F9F]  }
0x28: {  	s2 =	sld [smem:$0x3FA0]  }
0x29: {  	s4 =	sld [smem:$0x3FA2]  }
0x2a: {  	p0 =	seq.s32 s5, $0x0;
	s5 =	sld [smem:$0x3FA3]  }
0x2b: {  	s6 =	sld [smem:$0x3FA4]  }
0x2c: {  	s7 =	sld [smem:$0x3FA5]  }
0x2d: {  	s3 =	simm.s32 $0x108;
	s8 =	sld [smem:$0x3FA6]  }
0x2e: {  	s3 =	simm.s32 @!p0 $0x1082;
	s9 =	sld [smem:$0x3FA7]  }
0x2f: {  	lr =	sadd.s32 s0, s3;
	s0 =	sld [smem:$0x3F9E]  }
0x30: {  	s3 =	sld [smem:$0x3FA1]  }
0x31: {  	[smem:$0x3FAA] =	sst s10  }
0x32: {  	s10 =	sld [smem:$0x3FA8];
	_ =	sdelay $0x3  }
0x33: {  	p0 =	seq.s32 s10, $0x1;
	s10 =	sld [smem:$0x3FAA];
	_ =	sdelay $0x3  }
0x34: {  	[smem:$0x3FAA] =	sst s10  }
0x35: {  	s10 =	sld [smem:$0x3FA9];
	_ =	sdelay $0x3  }
0x36: {  	p1 =	seq.s32 s10, $0x1;
	s10 =	sld [smem:$0x3FAA];
	_ =	sdelay $0x3  }
0x37: {  	[smem:$0x3FAA] =	sst s10  }
0x38: {  	s10 =	sld [smem:$0x3FAB]  }
0x39: {  	_ = 	snop;
	(pc) =	sbr.ind lr, $3  }
0x3a: {  	_ = 	snop  }
0x3b: {  	_ = 	snop  }
0x3c: {  	p2 =	seq.s32 s10, $0x1;
	s10 =	sld [smem:$0x3FAA]  }
0x3d: {  	_ =	shalt  }
0x3e: {  	_ =	shalt  }
0x3f: {  	_ =	shalt  }
0x40: {  	_ =	shalt  }
0x41: {  	_ =	shalt  }
0x42: {  	_ =	shalt  }
0x43: {  	_ =	shalt  }
0x44: {  	_ =	shalt  }
0x45: {  	_ =	shalt  }
0x46: {  	_ =	shalt  }
0x47: {  	_ =	shalt  }
0x48: {  	_ =	shalt  }
0x49: {  	_ =	shalt  }
0x4a: {  	_ =	shalt  }
0x4b: {  	_ =	shalt  }
0x4c: {  	_ =	shalt  }
0x4d: {  	_ =	shalt  }
0x4e: {  	_ =	shalt  }
0x4f: {  	_ =	shalt  }
0x50: {  	_ =	shalt  }
0x51: {  	_ =	shalt  }
0x52: {  	_ =	shalt  }
0x53: {  	_ =	shalt  }
0x54: {  	_ =	shalt  }
0x55: {  	_ =	shalt  }
0x56: {  	_ =	shalt  }
0x57: {  	_ =	shalt  }
0x58: {  	_ =	shalt  }
0x59: {  	_ =	shalt  }
0x5a: {  	_ =	shalt  }
0x5b: {  	_ =	shalt  }
0x5c: {  	_ =	shalt  }
0x5d: {  	_ =	shalt  }
0x5e: {  	_ =	shalt  }
0x5f: {  	_ =	shalt  }
0x60: {  	_ =	shalt  }
0x61: {  	_ =	shalt  }
0x62: {  	_ =	shalt  }
0x63: {  	_ =	shalt  }
0x64: {  	_ =	shalt  }
0x65: {  	_ =	shalt  }
0x66: {  	_ =	shalt  }
0x67: {  	_ =	shalt  }
0x68: {  	_ =	shalt  }
0x69: {  	_ =	shalt  }
0x6a: {  	_ =	shalt  }
0x6b: {  	_ =	shalt  }
0x6c: {  	_ =	shalt  }
0x6d: {  	_ =	shalt  }
0x6e: {  	_ =	shalt  }
0x6f: {  	_ =	shalt  }
0x70: {  	_ =	shalt  }
0x71: {  	_ =	shalt  }
0x72: {  	_ =	shalt  }
0x73: {  	_ =	shalt  }
0x74: {  	_ =	shalt  }
0x75: {  	_ =	shalt  }
0x76: {  	_ =	shalt  }
0x77: {  	_ =	shalt  }
0x78: {  	_ =	shalt  }
0x79: {  	_ =	shalt  }
0x7a: {  	_ =	shalt  }
0x7b: {  	_ =	shalt  }
0x7c: {  	_ =	shalt  }
0x7d: {  	_ =	shalt  }
0x7e: {  	_ =	shalt  }
0x7f: {  	_ =	shalt  }
0x80: {  	_ =	shalt  }
0x81: {  	_ =	shalt  }
0x82: {  	_ =	shalt  }
0x83: {  	_ =	shalt  }
0x84: {  	_ =	shalt  }
0x85: {  	_ =	shalt  }
0x86: {  	_ =	shalt  }
0x87: {  	_ =	shalt  }
.Lfunc_end0:
.L_simem_size_0:
called_computation_lowered:
.L_overlay_start_0:
0x88: {  	s2 =	sld [smem:$0x3FD9]  }
0x89: {  	s3 =	sld [smem:$0x3FFE];
	_ =	sdelay $0x1  }
0x8a: {  	s1 =	srdreg.scid  }
0x8b: {  	s0 =	sand.u32 $0x1, s1  }
0x8c: {  	s17 =	sshll.u32 s0, $0xA;
	s2 =	sadd.s32 s3, s2  }
0x8d: {  	s2 =	sadd.s32 s2, s17  }
0x8e: {  	[smem:$0x3FB6] =	sst s2  }
0x8f: {  	_ = 	snop  }
0x90: {  	s2 =	sld [smem:$0x3FC9];
	(tm) =	ssettm $0x1  }
0x91: {  	s18 =	sld [smem:$0x3FFB];
	_ =	sdelay $0x3  }
0x92: {  	_ =	strace s18  }
0x93: {  	s3 =	sld [smem:$0x3FFC];
	_ =	sdelay $0x3  }
0x94: {  	_ =	strace s3  }
0x95: {  	s3 =	sld [smem:$0x3FFD];
	_ =	sdelay $0x3  }
0x96: {  	_ =	strace s3  }
0x97: {  	_ =	strace $0x8FFFFFFF  }
0x98: {  	s19 =	sld [smem:$0x3FDB];
	_ =	sdelay $0x1  }
0x99: {  	s4 =	simm.s32 $_scs_section_size  }
0x9a: {  	s5 =	simm.s32 $_size__tile_overlayer_lowered;
	s6 =	simm.s32 $_tile_overlayer_lowered  }
0x9b: {  	s22 =	simm.s32 $0x1BFF;
	s21 =	sshll.u32 s6, $0x1;
	s3 =	sadd.s32 s4, s19  }
0x9c: {  	s7 =	simm.s32 $0x0;
	s20 =	sshll.u32 s5, $0x1;
	s5 =	sadd.s32 s21, s3  }
0x9d: {  	[timem:s7], [sflag:s22] =	dma.local [hbm:s5], s20  }
0x9e: {  	_ =	swait.ge [sflag:s22], s20  }
0x9f: {  	s4 =	ssub.s32 $0x0, s20;
	[sflag:s22] =	ssyncset.done $0x0  }
0xa0: {  	[sflag:s22] =	ssyncadd.s32 s4;
	_ =	sdelay $0x1  }
0xa1: {  	s23 =	simm.s32 $0x1B8B  }
0xa2: {  	_ =	swait.ge [sflag:s23], $0x1  }
0xa3: {  	[sflag:s23] =	ssyncset.done $0x0  }
0xa4: {  	s25 =	simm.s32 $0x1B8E;
	s24 =	sld [smem:$0x3FFE];
	[sflag:s23] =	ssyncadd.s32 $0xFFFFFFFF  }
0xa5: {  	s26 =	simm.s32 $execute0_lowered;
	[smem:$0x3FD2] =	sst s25  }
0xa6: {  	s5 =	sshll.u32 s26, $0x1;
	_ =	strace $0x80000046;
	[dreg:$0x1] =	wrdreg $0xFFFFFFFF  }
0xa7: {  	s28 =	simm.s32 $_size_execute0_lowered;
	s3 =	sadd.s32 s3, s5;
	[dreg:$0x0] =	wrdreg $0x0  }
0xa8: {  	s5 =	sshll.u32 s28, $0x1;
	[dreg:$0x2] =	wrdreg s3  }
0xa9: {  	[dreg:$0x3] =	wrdreg s5  }
0xaa: {  	[dreg:$0x4] =	wrdreg $0xC0  }
0xab: {  	_ =	task [dreg:s7], $0x5FFFF  }
0xac: {  	[dreg:$0x1] =	wrdreg $0xFFFFFFFF  }
0xad: {  	[dreg:$0x0] =	wrdreg $0x60  }
0xae: {  	[dreg:$0x2] =	wrdreg s24  }
0xaf: {  	[dreg:$0x3] =	wrdreg s2  }
0xb0: {  	[dreg:$0x4] =	wrdreg $0x0  }
0xb1: {  	[dreg:$0x5] =	wrdreg $0x9  }
0xb2: {  	_ =	task.clear_ibuf [dreg:s7], $0x6FFFF;
	_ =	strace $0x90000046  }
0xb3: {  	s29 =	simm.s32 $0x9;
	_ =	strace $0x80000048  }
0xb4: {  	_ =	swait.ge [sflag:s29], $0x1  }
0xb5: {  	[sflag:s29] =	ssyncadd.s32 $0xFFFFFFFF  }
0xb6: {  	_ =	strace $0x90000048  }
0xb7: {  	_ =	sfence  }
0xb8: {  	s30 =	sld [smem:$0x0];
	_ =	sdelay $0x2  }
0xb9: {  	s31 =	sshll.u32 s1, $0xD;
	s1 =	sshrl.u32 s1, $0x2  }
0xba: {  	s3 =	sand.u32 $0x4000, s31;
	s1 =	sadd.s32 s1, s30  }
0xbb: {  	s0 =	sor.u32 s3, s0;
	s1 =	sshll.u32 s1, $0x11  }
0xbc: {  	s0 =	sor.u32 s1, s0  }
0xbd: {  	s0 =	sadd.s32 $0x8F2B, s0  }
0xbe: {  	[sflag:s0] =	ssyncadd.remote.s32 $0x1  }
0xbf: {  	_ =	sfence.sel $0xFFFF  }
0xc0: {  	[dreg:$0x0] =	wrdreg $0xFFFFFFFF;
	(pc) =	sbr.abs _section_cstart, $3  }
0xc1: {  	[dreg:$0x1] =	wrdreg $0xFFFFFFFF  }
0xc2: {  	_ =	task.clear_ibuf [dreg:s7], $0x2FFFF;
	_ =	strace $0x9FFFFFFF  }
0xc3: {  	(tm) =	ssettm $0x7FFFFFFF  }
tec
execute0_lowered:
.L_overlay_start_1:
0x0: {  	(tag) =	ssettag $0x1  }
0x1: {  	s0 =	rddreg [dreg:$0x0]  }
0x2: {  	s2 =	rddreg [dreg:$0x1]  }
0x3: {  	s3 =	rddreg [dreg:$0x2];
	s4 =	simm.s32 $0x0;
	s5 =	stileid.u32  }
0x4: {  	s19 =	srdreg.scid;
	s30 =	simm.s32 $0x3;
	s1 =	smul.u32 $0x2800, s5  }
0x5: {  	[smem:$0x7FF] =	sst s4;
	s15 =	sadd.s32 $0xCC00, s0;
	s12 =	smul.u32 $0x50000, s5  }
0x6: {  	s6 =	sadd.s32 $0x2E00, s0;
	s7 =	sadd.s32 $0x3DC00, s0;
	s14 =	smul.u32 $0x280, s5  }
0x7: {  	s8 =	sadd.s32 $0x3E200, s0;
	s9 =	sadd.s32 $0x8C400, s0;
	s25 =	smul.u32 $0x2710, s5  }
0x8: {  	p0 =	seq.s32 s5, $0xF;
	_ =	strace $0x80000047;
	[dreg:$0x9] =	wrdreg s7  }
0x9: {  	s7 =	sand.u32 $0x1, s19;
	[dreg:$0x8] =	wrdreg s15;
	s1 =	sadd.s32 s1, s0  }
0xa: {  	s10 =	ssub.s32 $0x2, s7;
	s11 =	sshll.u32 s7, $0x4;
	s20 =	smul.u32 $0x2710, s7  }
0xb: {  	s12 =	sshrl.u32 s12, $0x2;
	s0 =	sadd.s32 $0x3C200, s0;
	s21 =	smul.u32 $0x138800, s7  }
0xc: {  	s7 =	smul.u32 $0x27100, s7;
	s13 =	sshrl.u32 s10, $0x1;
	s11 =	sor.u32 s5, s11  }
0xd: {  	s12 =	sadd.s32 s12, s3;
	s31 =	sadd.s32 $0x16A00, s1;
	[dreg:$0xc] =	wrdreg s0  }
0xe: {  	s10 =	ssub.s32 s10, s13;
	s11 =	smul.u32 $0x2710, s11;
	[dreg:$0xa] =	wrdreg s12  }
0xf: {  	s1 =	sadd.s32 s14, s20;
	s7 =	sadd.s32 s25, s7;
	s14 =	simm.s32 $0x50  }
0x10: {  	[dreg:$0xb] =	wrdreg s31;
	s1 =	sshll.u32 s1, $0x4;
	s29 =	sadd.s32 $0x190, s7  }
0x11: {  	s13 =	sadd.s32 $0x140, s7;
	s25 =	smax.u32 s10, $0x1;
	s10 =	simm.s32 $0x9  }
0x12: {  	s0 =	sshrl.u32 s11, $0x3;
	s16 =	sadd.s32 s9, s1;
	[dreg:$0x1b] =	wrdreg s25  }
0x13: {  	s11 =	sshrl.u32 s21, $0x3;
	s1 =	sadd.s32 s8, s1;
	[dreg:$0xf] =	wrdreg s16  }
0x14: {  	s25 =	simm.s32 $0x7;
	s22 =	sadd.s32 s6, s0;
	[dreg:$0x13] =	wrdreg s1  }
0x15: {  	s23 =	sadd.s32 $0xA, s0;
	s28 =	sadd.s32 s15, s0;
	[dreg:$0xd] =	wrdreg s22  }
0x16: {  	s11 =	sadd.s32 $0x25800, s11;
	s24 =	sadd.s32 s6, s23;
	[dreg:$0x11] =	wrdreg s28  }
0x17: {  	s26 =	sadd.s32 $0x4D8, s0;
	s9 =	sadd.s32 s9, s11;
	[dreg:$0xe] =	wrdreg s24  }
0x18: {  	s16 =	sshrl.u32 s13, $0x3;
	s12 =	sadd.s32 s15, s23;
	[dreg:$0x10] =	wrdreg s9  }
0x19: {  	s17 =	sadd.s32 $0x14, s0;
	s8 =	sadd.s32 s8, s11;
	[dreg:$0x12] =	wrdreg s12  }
0x1a: {  	s0 =	sadd.s32 $0x4CE, s0;
	s18 =	sadd.s32 s16, s6;
	[dreg:$0x14] =	wrdreg s8  }
0x1b: {  	s13 =	simm.s32 $0x4;
	s19 =	sadd.s32 s15, s17;
	[dreg:$0x6] =	wrdreg s18  }
0x1c: {  	s20 =	sadd.s32 s16, s15;
	s21 =	sadd.s32 s6, s17;
	[dreg:$0x15] =	wrdreg s19  }
0x1d: {  	s22 =	sadd.s32 s15, s0;
	s0 =	sadd.s32 s6, s0;
	[dreg:$0x16] =	wrdreg s21  }
0x1e: {  	s23 =	sadd.s32 s6, s26;
	s28 =	sadd.s32 $0xA0, s7;
	[dreg:$0x7] =	wrdreg s20  }
0x1f: {  	s16 =	simm.s32 $0x13880;
	s17 =	simm.s32 $0x13900;
	[dreg:$0x17] =	wrdreg s22  }
0x20: {  	s11 =	simm.s32 $0x6;
	s9 =	sshrl.u32 s29, $0x3;
	[dreg:$0x18] =	wrdreg s0  }
0x21: {  	[dreg:$0x19] =	wrdreg s23;
	s24 =	sadd.s32 s15, s26;
	s26 =	sadd.s32 $0xF0, s7  }
0x22: {  	[dreg:$0x1d] =	wrdreg s28;
	s29 =	sadd.s32 $0x12C000, s3;
	s7 =	simm.s32 $0x13A00  }
0x23: {  	s8 =	simm.s32 $0x13A80;
	s18 =	simm.s32 $0x13980;
	s19 =	simm.s32 $0x13B00  }
0x24: {  	s20 =	simm.s32 $0x1;
	s21 =	simm.s32 $0x13B80;
	[dreg:$0x1a] =	wrdreg s24  }
0x25: {  	s22 =	simm.s32 $0x2;
	s23 =	simm.s32 $0x0;
	[dreg:$0x1c] =	wrdreg s26  }
0x26: {  	s12 =	sadd.s32 s9, s6;
	s1 =	sadd.s32 s9, s15;
	[dreg:$0x1f] =	wrdreg s29  }
0x27: {  	s0 =	sshrl.u32 s26, $0x3;
	s15 =	simm.s32 $0x5;
	[dreg:$0x4] =	wrdreg s12  }
0x28: {  	s24 =	simm.s32 $0x16380;
	s26 =	simm.s32 $0x18B80;
	[dreg:$0x5] =	wrdreg s1  }
0x29: {  	s9 =	simm.s32 $0x8;
	[dreg:$0x1e] =	wrdreg s0;
	s0 =	sadd.s32 s0, s6  }
0x2a: {  	s1 =	simm.s32 $0xA;
	[smem:$0x7FD] =	sst s0;
	s0 =	simm.s32 $0x1B380  }
.LBB2_1:
0x2b: {  	[smem:$0x7F9] =	sst s23  }
0x2c: {  	s5 =	rddreg [dreg:$0x9]  }
0x2d: {  	[tilespmem:s0], [sflag:$0xA] =	stream.linear.gather [hbm4b:s5+s4], $0x2800, $0x38;
	[tilespmem:$0x1DB80] =	vst v63  }
0x2e: {  	_ =	swait.ge [sflag:s1], $0x2800  }
0x2f: {  	s5 =	rddreg [dreg:$0x1f]  }
0x30: {  	[sflag:s1] =	ssyncset.done $0x0;
	s12 =	sshrl.u32 @p0 s5, $0x3;
	s5 =	rddreg [dreg:$0xc]  }
0x31: {  	s23 =	simm.s32 @p0 $0x1FCA;
	[sflag:s1] =	ssyncadd.s32 $0xFFFFD800;
	[smem:$0x7FA] =	sst s12  }
0x32: {  	[spmem:s12], [sflag:s23] =	dma.local @p0 [hbm:s5], $0x1900  }
0x33: {  	s23 =	simm.s32 @p0 $0xA;
	s5 =	stileid.u32  }
0x34: {  	_ =	swait.ge @p0 [sflag:s23], $0x1900;
	s28 =	sshll.u32 @!p0 s5, $0x6  }
0x35: {  	s12 =	sor.u32 @!p0 $0x1C0A, s28;
	s5 =	rddreg [dreg:$0xa]  }
0x36: {  	[sflag:s23] =	ssyncset.done @p0 $0x0;
	s5 =	sshrl.u32 @!p0 s5, $0x3;
	[smem:$0x7FB] =	sst s12  }
0x37: {  	[sflag:s23] =	ssyncadd.s32 @p0 $0xFFFFE700;
	s23 =	simm.s32 @!p0 $0xA;
	[smem:$0x7FC] =	sst s5  }
0x38: {  	[spmem:s5], [sflag:s12] =	dma.local @!p0 [hbm:s31], $0x2800  }
0x39: {  	_ =	swait.ge @!p0 [sflag:s23], $0x2800  }
0x3a: {  	[sflag:s23] =	ssyncset.done @!p0 $0x0  }
0x3b: {  	[sflag:s23] =	ssyncadd.s32 @!p0 $0xFFFFD800  }
0x3c: {  	[bflag:$0x0] =	sbarrier.arrive $0xFFFF  }
0x3d: {  	s12 =	rddreg [dreg:$0xd]  }
0x3e: {  	[tilespmem:s7], [sflag:$0x4] =	stream.linear.gather [hbm4b:s12+s4], $0x50, $0x38;
	[tilespmem:$0x1DB80] =	vst v63  }
0x3f: {  	s23 =	rddreg [dreg:$0xe]  }
0x40: {  	[tilespmem:s8], [sflag:$0x5] =	stream.linear.gather [hbm4b:s23+s4], $0x50, $0x38;
	[tilespmem:$0x1DB80] =	vst v63  }
0x41: {  	_ =	swait.ge [sflag:s13], $0x50  }
0x42: {  	[sflag:s13] =	ssyncset.done $0x0  }
0x43: {  	[sflag:s13] =	ssyncadd.s32 $0xFFFFFFB0  }
0x44: {  	[spmem:s3] =	stream.indirect.scatter.add.f32 [tilespmem:s0], [sflag:$0xA], $0x80, s7, s14, $0xb8;
	[tilespmem:$0x1DB80] =	vst v63  }
0x45: {  	_ =	swait.ge [sflag:s1], $0x2800  }
0x46: {  	s5 =	rddreg [dreg:$0x1d]  }
0x47: {  	[sflag:s1] =	ssyncset.done $0x0;
	s12 =	sshrl.u32 s5, $0x3  }
0x48: {  	[sflag:s1] =	ssyncadd.s32 $0xFFFFD800;
	s23 =	sadd.s32 s6, s12  }
0x49: {  	[tilespmem:s7], [sflag:$0x4] =	stream.linear.gather [hbm4b:s23+s4], $0x50, $0x38;
	[tilespmem:$0x1DB80] =	vst v63  }
0x4a: {  	_ =	swait.ge [sflag:s15], $0x50  }
0x4b: {  	[sflag:s15] =	ssyncset.done $0x0  }
0x4c: {  	[sflag:s15] =	ssyncadd.s32 $0xFFFFFFB0  }
0x4d: {  	[spmem:s3] =	stream.indirect.scatter.add.f32 [tilespmem:s0], [sflag:$0xA], $0x80, s8, s14, $0xb8;
	[tilespmem:$0x1DB80] =	vst v63  }
0x4e: {  	_ =	swait.ge [sflag:s1], $0x2800  }
0x4f: {  	s12 =	sld [smem:$0x7FD];
	_ =	sdelay $0x1  }
0x50: {  	s28 =	sadd.s32 $0xA0, s5;
	s23 =	simm.s32 $0x14;
	[sflag:s1] =	ssyncset.done $0x0  }
0x51: {  	[sflag:s1] =	ssyncadd.s32 $0xFFFFD800;
	s29 =	sadd.s32 $0x0, s12;
	s5 =	smov.u32 s12  }
.LBB2_2:
0x52: {  	[tilespmem:s8], [sflag:$0x5] =	stream.linear.gather [hbm4b:s29+s4], $0x50, $0x38;
	[tilespmem:$0x1DB80] =	vst v63  }
0x53: {  	s29 =	smov.u32 s23  }
0x54: {  	p1 =	sne.s32 s23, $0x4B0;
	s23 =	sadd.s32 $0x14, s23;
	_ =	swait.ge [sflag:s13], $0x50  }
0x55: {  	[sflag:s13] =	ssyncset.done $0x0  }
0x56: {  	[sflag:s13] =	ssyncadd.s32 $0xFFFFFFB0  }
0x57: {  	[spmem:s3] =	stream.indirect.scatter.add.f32 [tilespmem:s0], [sflag:$0xA], $0x80, s7, s14, $0xb8;
	[tilespmem:$0x1DB80] =	vst v63  }
0x58: {  	_ =	swait.ge [sflag:s1], $0x2800  }
0x59: {  	s12 =	sshrl.u32 s28, $0x3;
	[sflag:s1] =	ssyncset.done $0x0  }
0x5a: {  	s12 =	sadd.s32 s6, s12;
	[sflag:s1] =	ssyncadd.s32 $0xFFFFD800  }
0x5b: {  	[tilespmem:s7], [sflag:$0x4] =	stream.linear.gather [hbm4b:s12+s4], $0x50, $0x38;
	[tilespmem:$0x1DB80] =	vst v63  }
0x5c: {  	_ =	swait.ge [sflag:s15], $0x50  }
0x5d: {  	[sflag:s15] =	ssyncset.done $0x0  }
.Ltmp0:
0x5e: {  	[sflag:s15] =	ssyncadd.s32 $0xFFFFFFB0;
	(pc) =	sbr.rel @p1 .LBB2_2-.Ltmp0, $4  }
0x5f: {  	[spmem:s3] =	stream.indirect.scatter.add.f32 [tilespmem:s0], [sflag:$0xA], $0x80, s8, s14, $0xb8;
	[tilespmem:$0x1DB80] =	vst v63  }
0x60: {  	_ =	swait.ge [sflag:s1], $0x2800  }
0x61: {  	[sflag:s1] =	ssyncset.done $0x0  }
0x62: {  	s28 =	sadd.s32 $0xA0, s28;
	s29 =	sadd.s32 s29, s5;
	[sflag:s1] =	ssyncadd.s32 $0xFFFFD800  }
0x63: {  	[tilespmem:s8], [sflag:$0x5] =	stream.linear.gather [hbm4b:s29+s4], $0x50, $0x38;
	[tilespmem:$0x1DB80] =	vst v63  }
0x64: {  	_ =	swait.ge [sflag:s13], $0x50  }
0x65: {  	[sflag:s13] =	ssyncset.done $0x0  }
0x66: {  	[sflag:s13] =	ssyncadd.s32 $0xFFFFFFB0  }
0x67: {  	[spmem:s3] =	stream.indirect.scatter.add.f32 [tilespmem:s0], [sflag:$0xA], $0x80, s7, s14, $0xb8;
	[tilespmem:$0x1DB80] =	vst v63  }
0x68: {  	_ =	swait.ge [sflag:s1], $0x2800  }
0x69: {  	[sflag:s1] =	ssyncset.done $0x0  }
0x6a: {  	[sflag:s1] =	ssyncadd.s32 $0xFFFFD800  }
0x6b: {  	_ =	swait.ge [sflag:s15], $0x50  }
0x6c: {  	[sflag:s15] =	ssyncset.done $0x0  }
0x6d: {  	[sflag:s15] =	ssyncadd.s32 $0xFFFFFFB0  }
0x6e: {  	[spmem:s3] =	stream.indirect.scatter.add.f32 [tilespmem:s0], [sflag:$0xA], $0x80, s8, s14, $0xb8;
	[tilespmem:$0x1DB80] =	vst v63  }
0x6f: {  	_ =	swait.ge [sflag:s1], $0x2800  }
0x70: {  	[sflag:s1] =	ssyncset.done $0x0  }
0x71: {  	s5 =	rddreg [dreg:$0x19];
	[sflag:s1] =	ssyncadd.s32 $0xFFFFD800  }
0x72: {  	[tilespmem:s7], [sflag:$0x4] =	stream.linear.gather [hbm4b:s5+s4], $0x50, $0x38;
	[tilespmem:$0x1DB80] =	vst v63  }
0x73: {  	_ =	swait.ge [sflag:s13], $0x50  }
0x74: {  	[sflag:s13] =	ssyncset.done $0x0  }
0x75: {  	[sflag:s13] =	ssyncadd.s32 $0xFFFFFFB0  }
0x76: {  	[spmem:s3] =	stream.indirect.scatter.add.f32 [tilespmem:s0], [sflag:$0xA], $0x80, s7, s14, $0xb8;
	[tilespmem:$0x1DB80] =	vst v63  }
0x77: {  	_ =	swait.ge [sflag:s1], $0x2800  }
0x78: {  	[sflag:s1] =	ssyncset.done $0x0  }
0x79: {  	[sflag:s1] =	ssyncadd.s32 $0xFFFFD800  }
0x7a: {  	[bflag:$0x0] =	sbarrier.arrive $0xFFFF  }
0x7b: {  	s28 =	sld [smem:$0x7FA];
	_ =	sdelay $0x1  }
0x7c: {  	s12 =	simm.s32 @p0 $0x1FCA;
	s23 =	simm.s32 @p0 $0xA;
	s5 =	rddreg [dreg:$0x10]  }
0x7d: {  	[hbm:s5], [sflag:s12] =	dma.local @p0 [spmem:s28], $0x1900  }
0x7e: {  	_ =	swait.ge @p0 [sflag:s23], $0x1900  }
0x7f: {  	[sflag:s23] =	ssyncset.done @p0 $0x0  }
0x80: {  	[sflag:s23] =	ssyncadd.s32 @p0 $0xFFFFE700  }
0x81: {  	[bflag:$0x0] =	sbarrier.arrive @p0 $0xFFFF  }
0x82: {  	s5 =	rddreg [dreg:$0xc]  }
0x83: {  	[spmem:s28], [sflag:s12] =	dma.local @p0 [hbm:s5], $0x1900  }
0x84: {  	_ =	swait.ge @p0 [sflag:s23], $0x1900  }
0x85: {  	[sflag:s23] =	ssyncset.done @p0 $0x0;
	s28 =	sld [smem:$0x7FC]  }
0x86: {  	[sflag:s23] =	ssyncadd.s32 @p0 $0xFFFFE700;
	s23 =	sld [smem:$0x7FB];
	_ =	sdelay $0x1  }
0x87: {  	s12 =	simm.s32 @!p0 $0xA;
	s5 =	rddreg [dreg:$0xf]  }
0x88: {  	[hbm:s5], [sflag:s23] =	dma.local @!p0 [spmem:s28], $0x2800  }
0x89: {  	_ =	swait.ge @!p0 [sflag:s12], $0x2800  }
0x8a: {  	[sflag:s12] =	ssyncset.done @!p0 $0x0  }
0x8b: {  	[sflag:s12] =	ssyncadd.s32 @!p0 $0xFFFFD800  }
0x8c: {  	[bflag:$0x0] =	sbarrier.arrive @!p0 $0xFFFF  }
0x8d: {  	[spmem:s28], [sflag:s23] =	dma.local @!p0 [hbm:s31], $0x2800  }
0x8e: {  	_ =	swait.ge @!p0 [sflag:s12], $0x2800  }
0x8f: {  	[sflag:s12] =	ssyncset.done @!p0 $0x0  }
0x90: {  	[sflag:s12] =	ssyncadd.s32 @!p0 $0xFFFFD800  }
0x91: {  	[bflag:$0x0] =	sbarrier.arrive $0xFFFF  }
0x92: {  	s12 =	simm.s32 $0x0;
	s23 =	rddreg [dreg:$0x11]  }
0x93: {  	[tilespmem:s16], [sflag:$0x1] =	stream.linear.gather [hbm4b:s23+s12], $0x50, $0x38;
	[tilespmem:$0x1DB80] =	vst v63  }
0x94: {  	s23 =	rddreg [dreg:$0xd]  }
0x95: {  	[tilespmem:s7], [sflag:$0x4] =	stream.linear.gather [hbm4b:s23+s12], $0x50, $0x38;
	[tilespmem:$0x1DB80] =	vst v63  }
0x96: {  	s23 =	rddreg [dreg:$0x12]  }
0x97: {  	[tilespmem:s17], [sflag:$0x2] =	stream.linear.gather [hbm4b:s23+s12], $0x50, $0x38;
	[tilespmem:$0x1DB80] =	vst v63  }
0x98: {  	s23 =	rddreg [dreg:$0xe]  }
0x99: {  	[tilespmem:s8], [sflag:$0x5] =	stream.linear.gather [hbm4b:s23+s12], $0x50, $0x38;
	[tilespmem:$0x1DB80] =	vst v63  }
0x9a: {  	s23 =	rddreg [dreg:$0x15]  }
0x9b: {  	[tilespmem:s18], [sflag:$0x3] =	stream.linear.gather [hbm4b:s23+s12], $0x50, $0x38;
	[tilespmem:$0x1DB80] =	vst v63  }
0x9c: {  	s23 =	rddreg [dreg:$0x16]  }
0x9d: {  	[tilespmem:s19], [sflag:$0x6] =	stream.linear.gather [hbm4b:s23+s12], $0x50, $0x38;
	[tilespmem:$0x1DB80] =	vst v63  }
0x9e: {  	_ =	swait.ge [sflag:s20], $0x50  }
0x9f: {  	[sflag:s20] =	ssyncset.done $0x0  }
0xa0: {  	[sflag:s20] =	ssyncadd.s32 $0xFFFFFFB0  }
0xa1: {  	[tilespmem:s21], [sflag:$0x7] =	stream.indirect.gather [hbm4b:s2+s14], $0x80, s16, s14, $0xb8;
	[tilespmem:$0x1DB80] =	vst v63  }
0xa2: {  	_ =	swait.ge [sflag:s22], $0x50  }
0xa3: {  	[sflag:s22] =	ssyncset.done $0x0  }
0xa4: {  	[sflag:s22] =	ssyncadd.s32 $0xFFFFFFB0  }
0xa5: {  	[tilespmem:s24], [sflag:$0x8] =	stream.indirect.gather [hbm4b:s2+s14], $0x80, s17, s14, $0xb8;
	[tilespmem:$0x1DB80] =	vst v63  }
0xa6: {  	_ =	swait.ge [sflag:s25], $0x2800  }
0xa7: {  	[sflag:s25] =	ssyncset.done $0x0  }
0xa8: {  	[sflag:s25] =	ssyncadd.s32 $0xFFFFD800  }
0xa9: {  	_ =	swait.ge [sflag:s13], $0x50  }
0xaa: {  	[sflag:s13] =	ssyncset.done $0x0  }
0xab: {  	[sflag:s13] =	ssyncadd.s32 $0xFFFFFFB0  }
0xac: {  	[spmem:s3] =	stream.indirect.scatter.add.f32 [tilespmem:s21], [sflag:$0xA], $0x80, s7, s14, $0xb8;
	[tilespmem:$0x1DB80] =	vst v63  }
0xad: {  	_ =	swait.ge [sflag:s1], $0x2800  }
0xae: {  	s31 =	rddreg [dreg:$0x8]  }
0xaf: {  	[sflag:s1] =	ssyncset.done $0x0;
	s5 =	rddreg [dreg:$0x1e]  }
0xb0: {  	[sflag:s1] =	ssyncadd.s32 $0xFFFFD800;
	s23 =	sadd.s32 s31, s5  }
0xb1: {  	[tilespmem:s16], [sflag:$0x1] =	stream.linear.gather [hbm4b:s23+s4], $0x50, $0x38;
	[tilespmem:$0x1DB80] =	vst v63  }
0xb2: {  	s5 =	sadd.s32 s6, s5  }
0xb3: {  	[tilespmem:s7], [sflag:$0x4] =	stream.linear.gather [hbm4b:s5+s4], $0x50, $0x38;
	[tilespmem:$0x1DB80] =	vst v63  }
0xb4: {  	_ =	swait.ge [sflag:s30], $0x50  }
0xb5: {  	[sflag:s30] =	ssyncset.done $0x0  }
0xb6: {  	[sflag:s30] =	ssyncadd.s32 $0xFFFFFFB0  }
0xb7: {  	[tilespmem:s26], [sflag:$0x9] =	stream.indirect.gather [hbm4b:s2+s14], $0x80, s18, s14, $0xb8;
	[tilespmem:$0x1DB80] =	vst v63  }
0xb8: {  	_ =	swait.ge [sflag:s9], $0x2800  }
0xb9: {  	[sflag:s9] =	ssyncset.done $0x0  }
0xba: {  	[sflag:s9] =	ssyncadd.s32 $0xFFFFD800  }
0xbb: {  	_ =	swait.ge [sflag:s15], $0x50  }
0xbc: {  	[sflag:s15] =	ssyncset.done $0x0  }
0xbd: {  	[sflag:s15] =	ssyncadd.s32 $0xFFFFFFB0  }
0xbe: {  	[spmem:s3] =	stream.indirect.scatter.add.f32 [tilespmem:s24], [sflag:$0xA], $0x80, s8, s14, $0xb8;
	[tilespmem:$0x1DB80] =	vst v63  }
0xbf: {  	_ =	swait.ge [sflag:s1], $0x2800  }
0xc0: {  	s23 =	rddreg [dreg:$0x7];
	[sflag:s1] =	ssyncset.done $0x0  }
0xc1: {  	s5 =	rddreg [dreg:$0x6];
	[sflag:s1] =	ssyncadd.s32 $0xFFFFD800;
	s12 =	sadd.s32 $0x0, s23  }
0xc2: {  	[tilespmem:s17], [sflag:$0x2] =	stream.linear.gather [hbm4b:s12+s4], $0x50, $0x38;
	[tilespmem:$0x1DB80] =	vst v63  }
0xc3: {  	s23 =	sadd.s32 $0x0, s5  }
0xc4: {  	[tilespmem:s8], [sflag:$0x5] =	stream.linear.gather [hbm4b:s23+s4], $0x50, $0x38;
	[tilespmem:$0x1DB80] =	vst v63  }
0xc5: {  	_ =	swait.ge [sflag:s20], $0x50  }
0xc6: {  	[sflag:s20] =	ssyncset.done $0x0  }
0xc7: {  	[sflag:s20] =	ssyncadd.s32 $0xFFFFFFB0  }
0xc8: {  	[tilespmem:s21], [sflag:$0x7] =	stream.indirect.gather [hbm4b:s2+s14], $0x80, s16, s14, $0xb8;
	[tilespmem:$0x1DB80] =	vst v63  }
0xc9: {  	_ =	swait.ge [sflag:s10], $0x2800  }
0xca: {  	[sflag:s10] =	ssyncset.done $0x0  }
0xcb: {  	[sflag:s10] =	ssyncadd.s32 $0xFFFFD800  }
0xcc: {  	_ =	swait.ge [sflag:s11], $0x50  }
0xcd: {  	[sflag:s11] =	ssyncset.done $0x0  }
0xce: {  	[sflag:s11] =	ssyncadd.s32 $0xFFFFFFB0  }
0xcf: {  	[spmem:s3] =	stream.indirect.scatter.add.f32 [tilespmem:s26], [sflag:$0xA], $0x80, s19, s14, $0xb8;
	[tilespmem:$0x1DB80] =	vst v63  }
0xd0: {  	_ =	swait.ge [sflag:s1], $0x2800  }
0xd1: {  	s5 =	rddreg [dreg:$0x5];
	[sflag:s1] =	ssyncset.done $0x0  }
0xd2: {  	s28 =	rddreg [dreg:$0x4];
	[sflag:s1] =	ssyncadd.s32 $0xFFFFD800;
	s12 =	sadd.s32 $0x0, s5  }
0xd3: {  	[tilespmem:s18], [sflag:$0x3] =	stream.linear.gather [hbm4b:s12+s4], $0x50, $0x38;
	[tilespmem:$0x1DB80] =	vst v63  }
0xd4: {  	s12 =	rddreg [dreg:$0x1c]  }
0xd5: {  	s23 =	simm.s32 $0x1E;
	s29 =	sadd.s32 $0x0, s28;
	s28 =	sadd.s32 $0xF0, s12  }
.LBB2_4:
0xd6: {  	[tilespmem:s19], [sflag:$0x6] =	stream.linear.gather [hbm4b:s29+s4], $0x50, $0x38;
	[tilespmem:$0x1DB80] =	vst v63  }
0xd7: {  	_ =	swait.ge [sflag:s22], $0x50  }
0xd8: {  	[sflag:s22] =	ssyncset.done $0x0  }
0xd9: {  	[sflag:s22] =	ssyncadd.s32 $0xFFFFFFB0  }
0xda: {  	[tilespmem:s24], [sflag:$0x8] =	stream.indirect.gather [hbm4b:s2+s14], $0x80, s17, s14, $0xb8;
	[tilespmem:$0x1DB80] =	vst v63  }
0xdb: {  	_ =	swait.ge [sflag:s25], $0x2800  }
0xdc: {  	[sflag:s25] =	ssyncset.done $0x0  }
0xdd: {  	[sflag:s25] =	ssyncadd.s32 $0xFFFFD800  }
0xde: {  	_ =	swait.ge [sflag:s13], $0x50  }
0xdf: {  	[sflag:s13] =	ssyncset.done $0x0  }
0xe0: {  	[sflag:s13] =	ssyncadd.s32 $0xFFFFFFB0  }
0xe1: {  	[spmem:s3] =	stream.indirect.scatter.add.f32 [tilespmem:s21], [sflag:$0xA], $0x80, s7, s14, $0xb8;
	[tilespmem:$0x1DB80] =	vst v63  }
0xe2: {  	_ =	swait.ge [sflag:s1], $0x2800  }
0xe3: {  	s12 =	sshrl.u32 s28, $0x3;
	[sflag:s1] =	ssyncset.done $0x0  }
0xe4: {  	s5 =	sadd.s32 s31, s12;
	[sflag:s1] =	ssyncadd.s32 $0xFFFFD800  }
0xe5: {  	[tilespmem:s16], [sflag:$0x1] =	stream.linear.gather [hbm4b:s5+s4], $0x50, $0x38;
	[tilespmem:$0x1DB80] =	vst v63  }
0xe6: {  	s12 =	sadd.s32 s6, s12  }
0xe7: {  	[tilespmem:s7], [sflag:$0x4] =	stream.linear.gather [hbm4b:s12+s4], $0x50, $0x38;
	[tilespmem:$0x1DB80] =	vst v63  }
0xe8: {  	_ =	swait.ge [sflag:s30], $0x50  }
0xe9: {  	[sflag:s30] =	ssyncset.done $0x0  }
0xea: {  	[sflag:s30] =	ssyncadd.s32 $0xFFFFFFB0  }
0xeb: {  	[tilespmem:s26], [sflag:$0x9] =	stream.indirect.gather [hbm4b:s2+s14], $0x80, s18, s14, $0xb8;
	[tilespmem:$0x1DB80] =	vst v63  }
0xec: {  	_ =	swait.ge [sflag:s9], $0x2800  }
0xed: {  	[sflag:s9] =	ssyncset.done $0x0  }
0xee: {  	[sflag:s9] =	ssyncadd.s32 $0xFFFFD800  }
0xef: {  	_ =	swait.ge [sflag:s15], $0x50  }
0xf0: {  	[sflag:s15] =	ssyncset.done $0x0  }
0xf1: {  	[sflag:s15] =	ssyncadd.s32 $0xFFFFFFB0  }
0xf2: {  	[spmem:s3] =	stream.indirect.scatter.add.f32 [tilespmem:s24], [sflag:$0xA], $0x80, s8, s14, $0xb8;
	[tilespmem:$0x1DB80] =	vst v63  }
0xf3: {  	_ =	swait.ge [sflag:s1], $0x2800  }
0xf4: {  	s29 =	smov.u32 s23;
	s5 =	rddreg [dreg:$0x7];
	[sflag:s1] =	ssyncset.done $0x0  }
0xf5: {  	s12 =	rddreg [dreg:$0x6];
	[sflag:s1] =	ssyncadd.s32 $0xFFFFD800;
	s5 =	sadd.s32 s29, s5  }
0xf6: {  	[tilespmem:s17], [sflag:$0x2] =	stream.linear.gather [hbm4b:s5+s4], $0x50, $0x38;
	[tilespmem:$0x1DB80] =	vst v63  }
0xf7: {  	s12 =	sadd.s32 s29, s12  }
0xf8: {  	[tilespmem:s8], [sflag:$0x5] =	stream.linear.gather [hbm4b:s12+s4], $0x50, $0x38;
	[tilespmem:$0x1DB80] =	vst v63  }
0xf9: {  	_ =	swait.ge [sflag:s20], $0x50  }
0xfa: {  	[sflag:s20] =	ssyncset.done $0x0  }
0xfb: {  	[sflag:s20] =	ssyncadd.s32 $0xFFFFFFB0  }
0xfc: {  	[tilespmem:s21], [sflag:$0x7] =	stream.indirect.gather [hbm4b:s2+s14], $0x80, s16, s14, $0xb8;
	[tilespmem:$0x1DB80] =	vst v63  }
0xfd: {  	_ =	swait.ge [sflag:s10], $0x2800  }
0xfe: {  	[sflag:s10] =	ssyncset.done $0x0  }
0xff: {  	[sflag:s10] =	ssyncadd.s32 $0xFFFFD800  }
0x100: {  	_ =	swait.ge [sflag:s11], $0x50  }
0x101: {  	[sflag:s11] =	ssyncset.done $0x0  }
0x102: {  	p1 =	sne.s32 s23, $0x492;
	[sflag:s11] =	ssyncadd.s32 $0xFFFFFFB0  }
0x103: {  	[spmem:s3] =	stream.indirect.scatter.add.f32 [tilespmem:s26], [sflag:$0xA], $0x80, s19, s14, $0xb8;
	[tilespmem:$0x1DB80] =	vst v63  }
.Ltmp1:
0x104: {  	_ =	swait.ge [sflag:s1], $0x2800;
	(pc) =	sbr.rel @p1 .LBB2_4-.Ltmp1, $4  }
0x105: {  	s23 =	sadd.s32 $0x1E, s23;
	s5 =	rddreg [dreg:$0x5]  }
0x106: {  	s28 =	sadd.s32 $0xF0, s28;
	s12 =	rddreg [dreg:$0x4];
	[sflag:s1] =	ssyncset.done $0x0  }
0x107: {  	[sflag:s1] =	ssyncadd.s32 $0xFFFFD800;
	s5 =	sadd.s32 s29, s5;
	s29 =	sadd.s32 s29, s12  }
0x108: {  	[tilespmem:s18], [sflag:$0x3] =	stream.linear.gather [hbm4b:s5+s4], $0x50, $0x38;
	[tilespmem:$0x1DB80] =	vst v63  }
0x109: {  	[tilespmem:s19], [sflag:$0x6] =	stream.linear.gather [hbm4b:s29+s4], $0x50, $0x38;
	[tilespmem:$0x1DB80] =	vst v63  }
0x10a: {  	_ =	swait.ge [sflag:s22], $0x50  }
0x10b: {  	[sflag:s22] =	ssyncset.done $0x0  }
0x10c: {  	[sflag:s22] =	ssyncadd.s32 $0xFFFFFFB0  }
0x10d: {  	[tilespmem:s24], [sflag:$0x8] =	stream.indirect.gather [hbm4b:s2+s14], $0x80, s17, s14, $0xb8;
	[tilespmem:$0x1DB80] =	vst v63  }
0x10e: {  	_ =	swait.ge [sflag:s25], $0x2800  }
0x10f: {  	[sflag:s25] =	ssyncset.done $0x0  }
0x110: {  	[sflag:s25] =	ssyncadd.s32 $0xFFFFD800  }
0x111: {  	_ =	swait.ge [sflag:s13], $0x50  }
0x112: {  	[sflag:s13] =	ssyncset.done $0x0  }
0x113: {  	[sflag:s13] =	ssyncadd.s32 $0xFFFFFFB0  }
0x114: {  	[spmem:s3] =	stream.indirect.scatter.add.f32 [tilespmem:s21], [sflag:$0xA], $0x80, s7, s14, $0xb8;
	[tilespmem:$0x1DB80] =	vst v63  }
0x115: {  	_ =	swait.ge [sflag:s1], $0x2800  }
0x116: {  	[sflag:s1] =	ssyncset.done $0x0  }
0x117: {  	s5 =	rddreg [dreg:$0x17];
	[sflag:s1] =	ssyncadd.s32 $0xFFFFD800  }
0x118: {  	[tilespmem:s16], [sflag:$0x1] =	stream.linear.gather [hbm4b:s5+s4], $0x50, $0x38;
	[tilespmem:$0x1DB80] =	vst v63  }
0x119: {  	s29 =	rddreg [dreg:$0x18]  }
0x11a: {  	[tilespmem:s7], [sflag:$0x4] =	stream.linear.gather [hbm4b:s29+s4], $0x50, $0x38;
	[tilespmem:$0x1DB80] =	vst v63  }
0x11b: {  	_ =	swait.ge [sflag:s30], $0x50  }
0x11c: {  	[sflag:s30] =	ssyncset.done $0x0  }
0x11d: {  	[sflag:s30] =	ssyncadd.s32 $0xFFFFFFB0  }
0x11e: {  	[tilespmem:s26], [sflag:$0x9] =	stream.indirect.gather [hbm4b:s2+s14], $0x80, s18, s14, $0xb8;
	[tilespmem:$0x1DB80] =	vst v63  }
0x11f: {  	_ =	swait.ge [sflag:s9], $0x2800  }
0x120: {  	[sflag:s9] =	ssyncset.done $0x0  }
0x121: {  	[sflag:s9] =	ssyncadd.s32 $0xFFFFD800  }
0x122: {  	_ =	swait.ge [sflag:s15], $0x50  }
0x123: {  	[sflag:s15] =	ssyncset.done $0x0  }
0x124: {  	[sflag:s15] =	ssyncadd.s32 $0xFFFFFFB0  }
0x125: {  	[spmem:s3] =	stream.indirect.scatter.add.f32 [tilespmem:s24], [sflag:$0xA], $0x80, s8, s14, $0xb8;
	[tilespmem:$0x1DB80] =	vst v63  }
0x126: {  	_ =	swait.ge [sflag:s1], $0x2800  }
0x127: {  	[sflag:s1] =	ssyncset.done $0x0  }
0x128: {  	s12 =	rddreg [dreg:$0x1a];
	[sflag:s1] =	ssyncadd.s32 $0xFFFFD800  }
0x129: {  	[tilespmem:s17], [sflag:$0x2] =	stream.linear.gather [hbm4b:s12+s4], $0x50, $0x38;
	[tilespmem:$0x1DB80] =	vst v63  }
0x12a: {  	s23 =	rddreg [dreg:$0x19]  }
0x12b: {  	[tilespmem:s8], [sflag:$0x5] =	stream.linear.gather [hbm4b:s23+s4], $0x50, $0x38;
	[tilespmem:$0x1DB80] =	vst v63  }
0x12c: {  	_ =	swait.ge [sflag:s20], $0x50  }
0x12d: {  	[sflag:s20] =	ssyncset.done $0x0  }
0x12e: {  	[sflag:s20] =	ssyncadd.s32 $0xFFFFFFB0  }
0x12f: {  	[tilespmem:s21], [sflag:$0x7] =	stream.indirect.gather [hbm4b:s2+s14], $0x80, s16, s14, $0xb8;
	[tilespmem:$0x1DB80] =	vst v63  }
0x130: {  	_ =	swait.ge [sflag:s10], $0x2800  }
0x131: {  	[sflag:s10] =	ssyncset.done $0x0  }
0x132: {  	[sflag:s10] =	ssyncadd.s32 $0xFFFFD800  }
0x133: {  	_ =	swait.ge [sflag:s11], $0x50  }
0x134: {  	[sflag:s11] =	ssyncset.done $0x0  }
0x135: {  	[sflag:s11] =	ssyncadd.s32 $0xFFFFFFB0  }
0x136: {  	[spmem:s3] =	stream.indirect.scatter.add.f32 [tilespmem:s26], [sflag:$0xA], $0x80, s19, s14, $0xb8;
	[tilespmem:$0x1DB80] =	vst v63  }
0x137: {  	_ =	swait.ge [sflag:s1], $0x2800  }
0x138: {  	[sflag:s1] =	ssyncset.done $0x0  }
0x139: {  	[sflag:s1] =	ssyncadd.s32 $0xFFFFD800  }
0x13a: {  	_ =	swait.ge [sflag:s22], $0x50  }
0x13b: {  	[sflag:s22] =	ssyncset.done $0x0  }
0x13c: {  	[sflag:s22] =	ssyncadd.s32 $0xFFFFFFB0  }
0x13d: {  	[tilespmem:s24], [sflag:$0x8] =	stream.indirect.gather [hbm4b:s2+s14], $0x80, s17, s14, $0xb8;
	[tilespmem:$0x1DB80] =	vst v63  }
0x13e: {  	_ =	swait.ge [sflag:s25], $0x2800  }
0x13f: {  	[sflag:s25] =	ssyncset.done $0x0  }
0x140: {  	[sflag:s25] =	ssyncadd.s32 $0xFFFFD800  }
0x141: {  	_ =	swait.ge [sflag:s13], $0x50  }
0x142: {  	[sflag:s13] =	ssyncset.done $0x0  }
0x143: {  	[sflag:s13] =	ssyncadd.s32 $0xFFFFFFB0  }
0x144: {  	[spmem:s3] =	stream.indirect.scatter.add.f32 [tilespmem:s21], [sflag:$0xA], $0x80, s7, s14, $0xb8;
	[tilespmem:$0x1DB80] =	vst v63  }
0x145: {  	_ =	swait.ge [sflag:s1], $0x2800  }
0x146: {  	[sflag:s1] =	ssyncset.done $0x0  }
0x147: {  	[sflag:s1] =	ssyncadd.s32 $0xFFFFD800  }
0x148: {  	_ =	swait.ge [sflag:s9], $0x2800  }
0x149: {  	[sflag:s9] =	ssyncset.done $0x0  }
0x14a: {  	[sflag:s9] =	ssyncadd.s32 $0xFFFFD800  }
0x14b: {  	_ =	swait.ge [sflag:s15], $0x50  }
0x14c: {  	[sflag:s15] =	ssyncset.done $0x0  }
0x14d: {  	[sflag:s15] =	ssyncadd.s32 $0xFFFFFFB0  }
0x14e: {  	[spmem:s3] =	stream.indirect.scatter.add.f32 [tilespmem:s24], [sflag:$0xA], $0x80, s8, s14, $0xb8;
	[tilespmem:$0x1DB80] =	vst v63  }
0x14f: {  	_ =	swait.ge [sflag:s1], $0x2800  }
0x150: {  	[sflag:s1] =	ssyncset.done $0x0  }
0x151: {  	[sflag:s1] =	ssyncadd.s32 $0xFFFFD800  }
0x152: {  	[bflag:$0x0] =	sbarrier.arrive $0xFFFF  }
0x153: {  	s23 =	sld [smem:$0x7FA];
	_ =	sdelay $0x1  }
0x154: {  	s5 =	simm.s32 @p0 $0x1FCA;
	s12 =	rddreg [dreg:$0x14]  }
0x155: {  	[hbm:s12], [sflag:s5] =	dma.local @p0 [spmem:s23], $0x1900  }
0x156: {  	s5 =	simm.s32 @p0 $0xA  }
0x157: {  	_ =	swait.ge @p0 [sflag:s5], $0x1900  }
0x158: {  	s12 =	sld [smem:$0x7FB]  }
0x159: {  	s23 =	sld [smem:$0x7FC]  }
0x15a: {  	[sflag:s5] =	ssyncset.done @p0 $0x0  }
0x15b: {  	[sflag:s5] =	ssyncadd.s32 @p0 $0xFFFFE700;
	s5 =	rddreg [dreg:$0x13]  }
0x15c: {  	[hbm:s5], [sflag:s12] =	dma.local @!p0 [spmem:s23], $0x2800  }
0x15d: {  	s5 =	simm.s32 @!p0 $0xA  }
0x15e: {  	_ =	swait.ge @!p0 [sflag:s5], $0x2800  }
0x15f: {  	s28 =	sld [smem:$0x7F9];
	_ =	sdelay $0x2  }
0x160: {  	s29 =	rddreg [dreg:$0x1b];
	s23 =	sadd.s32 $0x1, s28  }
0x161: {  	p1 =	sne.s32 s23, s29  }
.Ltmp2:
0x162: {  	_ = 	snop;
	(pc) =	sbr.rel @p1 .LBB2_1-.Ltmp2, $3  }
0x163: {  	_ =	sdelay $0x1  }
0x164: {  	[sflag:s5] =	ssyncset.done @!p0 $0x0  }
0x165: {  	s31 =	rddreg [dreg:$0xb];
	[sflag:s5] =	ssyncadd.s32 @!p0 $0xFFFFD800  }
0x166: {  	_ =	sfence.sel $0x180000  }
0x167: {  	[bflag:$0x0] =	sbarrier.arrive $0xFFFF  }
0x168: {  	_ =	strace $0x90000047  }
0x169: {  	s0 =	stileid.u32;
	[bflag:$0x2] =	sbarrier.arrive $0xFFFF  }
0x16a: {  	p0 =	sne.s32 s0, $0x0;
	s0 =	rddreg [dreg:$0x3]  }
0x16b: {  	s0 =	sadd.s32 @!p0 $0x100000, s0  }
0x16c: {  	[sflag:s0] =	ssyncadd.tile.s32 @!p0 $0x1;
	_ =	shalt  }
.Lfunc_end2:
_tile_overlayer_lowered:
.L_overlay_start_2:
0x16d: {  	(tag) =	ssettag $0x2  }
0x16e: {  	s0 =	rddreg [dreg:$0x0];
	s2 =	stileid.u32  }
0x16f: {  	s1 =	rddreg [dreg:$0x1];
	p0 =	sne.s32 s2, $0x0  }
0x170: {  	s3 =	rddreg [dreg:$0x2];
	[bflag:$0x3] =	sbarrier.arrive $0xFFFF;
	s2 =	simm.s32 @!p0 $0x1C0A  }
0x171: {  	[timem:s3], [sflag:s2] =	dma.local @!p0 [hbm:s0], s1  }
0x172: {  	s0 =	simm.s32 @!p0 $0xA  }
0x173: {  	_ =	swait.ge @!p0 [sflag:s0], s1  }
0x174: {  	s1 =	ssub.s32 @!p0 $0x0, s1;
	[sflag:s0] =	ssyncset.done @!p0 $0x0  }
0x175: {  	[sflag:s0] =	ssyncadd.s32 @!p0 s1  }
0x176: {  	[bflag:$0x3] =	sbarrier.arrive $0xFFFF  }
0x177: {  	_ =	shalt  }

// kernel: kernel.9.cloned.1.call-start
scs
__scs_entry_jumppad:
0x0: {  	(pc) =	sbr.rel $0x88, $3  }
0x1: {  	(tag) =	ssettag $0x0;
	lr =	simm.s32 $0x1  }
0x2: {  	[smem:$0x3F8F] =	sst lr;
	_ =	strace $0xD0000000  }
0x3: {  	_ = 	snop  }
0x4: {  	_ = 	snop  }
0x5: {  	_ = 	snop  }
0x6: {  	_ = 	snop  }
0x7: {  	_ = 	snop  }
__scs_overlays_trampoline_lowered:
0x8: {  	[smem:$0x3F9E] =	sst s0  }
0x9: {  	[smem:$0x3F9F] =	sst s1  }
0xa: {  	[smem:$0x3FA0] =	sst s2  }
0xb: {  	[smem:$0x3FA1] =	sst s3  }
0xc: {  	[smem:$0x3FA2] =	sst s4  }
0xd: {  	[smem:$0x3FA3] =	sst s5  }
0xe: {  	[smem:$0x3FA4] =	sst s6  }
0xf: {  	[smem:$0x3FA5] =	sst s7  }
0x10: {  	[smem:$0x3FA6] =	sst s8  }
0x11: {  	[smem:$0x3FA7] =	sst s9;
	s0 =	simm.s32 @!p0 $0x0  }
0x12: {  	s1 =	sld [smem:$0x3F8D];
	s0 =	simm.s32 @p0 $0x1  }
0x13: {  	[smem:$0x3FA8] =	sst s0;
	s0 =	simm.s32 @!p1 $0x0  }
0x14: {  	s2 =	sld [smem:$0x3F8C];
	s0 =	simm.s32 @p1 $0x1  }
0x15: {  	[smem:$0x3FA9] =	sst s0;
	s0 =	simm.s32 @!p2 $0x0  }
0x16: {  	s3 =	sld [smem:$0x3FDB];
	s0 =	simm.s32 @p2 $0x1  }
0x17: {  	s4 =	simm.s32 $0x1BF5;
	[smem:$0x3FAB] =	sst s0  }
0x18: {  	s0 =	sld [smem:$0x3F8E];
	_ =	swait.ge [sflag:s4], $0x0  }
0x19: {  	s7 =	sld [smem:$0x3F8F]  }
0x1a: {  	s8 =	sadd.s32 $0xFFFFE003, lr  }
0x1b: {  	s9 =	sadd.s32 $0xFFFFFEF7, lr;
	s5 =	simm.s32 $0xFFFFFFFF;
	p2 =	slt.u32 s8, $0xFFFFF086  }
0x1c: {  	p1 =	slt.u32 s9, $0xF7A;
	s5 =	simm.s32 @!p2 $0x0  }
0x1d: {  	s5 =	simm.s32 @p1 $0x1;
	p0 =	seq.s32 s7, s2  }
0x1e: {  	s7 =	smul.u32 @!p0 $0xF7A, s2;
	p2 =	seq.s32 @!p0 s5, $0x0  }
0x1f: {  	s9 =	smul.u32 $0xF7A, s1;
	s8 =	simm.s32 @!p0 $0x1BF5;
	p2 =	por !p2, p0  }
0x20: {  	[sflag:s8] =	ssyncset.s32 @!p0 $0xFFFFF086;
	s6 =	sadd.s32 @!p0 s3, s7;
	s7 =	simm.s32 @!p0 $0x108  }
0x21: {  	s3 =	sadd.s32 s3, s9;
	s6 =	sadd.s32 @!p0 $0x88, s6;
	s7 =	simm.s32 @p2 $0x1082  }
0x22: {  	[simem:s7], [sflag:s8] =	dma.local @!p0 [hbm:s6], $0xF7A  }
0x23: {  	s9 =	sor.u32 $0xD0000000, s2;
	s6 =	simm.s32 $0x108;
	_ =	swait.ge @!p0 [sflag:s8], $0x0  }
0x24: {  	s3 =	sadd.s32 $0x88, s3;
	s6 =	simm.s32 @!p1 $0x1082;
	[sflag:s4] =	ssyncset.s32 $0xFFFFF086  }
0x25: {  	[simem:s6], [sflag:s4] =	dma.local [hbm:s3], $0xF7A  }
0x26: {  	[smem:$0x3F8F] =	sst s1;
	(tag) =	ssettag s2;
	_ =	strace s9  }
0x27: {  	s1 =	sld [smem:$0x3F9F]  }
0x28: {  	s2 =	sld [smem:$0x3FA0]  }
0x29: {  	s4 =	sld [smem:$0x3FA2]  }
0x2a: {  	p0 =	seq.s32 s5, $0x0;
	s5 =	sld [smem:$0x3FA3]  }
0x2b: {  	s6 =	sld [smem:$0x3FA4]  }
0x2c: {  	s7 =	sld [smem:$0x3FA5]  }
0x2d: {  	s3 =	simm.s32 $0x108;
	s8 =	sld [smem:$0x3FA6]  }
0x2e: {  	s3 =	simm.s32 @!p0 $0x1082;
	s9 =	sld [smem:$0x3FA7]  }
0x2f: {  	lr =	sadd.s32 s0, s3;
	s0 =	sld [smem:$0x3F9E]  }
0x30: {  	s3 =	sld [smem:$0x3FA1]  }
0x31: {  	[smem:$0x3FAA] =	sst s10  }
0x32: {  	s10 =	sld [smem:$0x3FA8];
	_ =	sdelay $0x3  }
0x33: {  	p0 =	seq.s32 s10, $0x1;
	s10 =	sld [smem:$0x3FAA];
	_ =	sdelay $0x3  }
0x34: {  	[smem:$0x3FAA] =	sst s10  }
0x35: {  	s10 =	sld [smem:$0x3FA9];
	_ =	sdelay $0x3  }
0x36: {  	p1 =	seq.s32 s10, $0x1;
	s10 =	sld [smem:$0x3FAA];
	_ =	sdelay $0x3  }
0x37: {  	[smem:$0x3FAA] =	sst s10  }
0x38: {  	s10 =	sld [smem:$0x3FAB]  }
0x39: {  	_ = 	snop;
	(pc) =	sbr.ind lr, $3  }
0x3a: {  	_ = 	snop  }
0x3b: {  	_ = 	snop  }
0x3c: {  	p2 =	seq.s32 s10, $0x1;
	s10 =	sld [smem:$0x3FAA]  }
0x3d: {  	_ =	shalt  }
0x3e: {  	_ =	shalt  }
0x3f: {  	_ =	shalt  }
0x40: {  	_ =	shalt  }
0x41: {  	_ =	shalt  }
0x42: {  	_ =	shalt  }
0x43: {  	_ =	shalt  }
0x44: {  	_ =	shalt  }
0x45: {  	_ =	shalt  }
0x46: {  	_ =	shalt  }
0x47: {  	_ =	shalt  }
0x48: {  	_ =	shalt  }
0x49: {  	_ =	shalt  }
0x4a: {  	_ =	shalt  }
0x4b: {  	_ =	shalt  }
0x4c: {  	_ =	shalt  }
0x4d: {  	_ =	shalt  }
0x4e: {  	_ =	shalt  }
0x4f: {  	_ =	shalt  }
0x50: {  	_ =	shalt  }
0x51: {  	_ =	shalt  }
0x52: {  	_ =	shalt  }
0x53: {  	_ =	shalt  }
0x54: {  	_ =	shalt  }
0x55: {  	_ =	shalt  }
0x56: {  	_ =	shalt  }
0x57: {  	_ =	shalt  }
0x58: {  	_ =	shalt  }
0x59: {  	_ =	shalt  }
0x5a: {  	_ =	shalt  }
0x5b: {  	_ =	shalt  }
0x5c: {  	_ =	shalt  }
0x5d: {  	_ =	shalt  }
0x5e: {  	_ =	shalt  }
0x5f: {  	_ =	shalt  }
0x60: {  	_ =	shalt  }
0x61: {  	_ =	shalt  }
0x62: {  	_ =	shalt  }
0x63: {  	_ =	shalt  }
0x64: {  	_ =	shalt  }
0x65: {  	_ =	shalt  }
0x66: {  	_ =	shalt  }
0x67: {  	_ =	shalt  }
0x68: {  	_ =	shalt  }
0x69: {  	_ =	shalt  }
0x6a: {  	_ =	shalt  }
0x6b: {  	_ =	shalt  }
0x6c: {  	_ =	shalt  }
0x6d: {  	_ =	shalt  }
0x6e: {  	_ =	shalt  }
0x6f: {  	_ =	shalt  }
0x70: {  	_ =	shalt  }
0x71: {  	_ =	shalt  }
0x72: {  	_ =	shalt  }
0x73: {  	_ =	shalt  }
0x74: {  	_ =	shalt  }
0x75: {  	_ =	shalt  }
0x76: {  	_ =	shalt  }
0x77: {  	_ =	shalt  }
0x78: {  	_ =	shalt  }
0x79: {  	_ =	shalt  }
0x7a: {  	_ =	shalt  }
0x7b: {  	_ =	shalt  }
0x7c: {  	_ =	shalt  }
0x7d: {  	_ =	shalt  }
0x7e: {  	_ =	shalt  }
0x7f: {  	_ =	shalt  }
0x80: {  	_ =	shalt  }
0x81: {  	_ =	shalt  }
0x82: {  	_ =	shalt  }
0x83: {  	_ =	shalt  }
0x84: {  	_ =	shalt  }
0x85: {  	_ =	shalt  }
0x86: {  	_ =	shalt  }
0x87: {  	_ =	shalt  }
.Lfunc_end0:
.L_simem_size_0:
called_computation.1_lowered:
.L_overlay_start_0:
0x88: {  	s2 =	sld [smem:$0x3FD9]  }
0x89: {  	s3 =	sld [smem:$0x3FFE];
	_ =	sdelay $0x1  }
0x8a: {  	s1 =	srdreg.scid  }
0x8b: {  	s0 =	sand.u32 $0x1, s1  }
0x8c: {  	s16 =	sshll.u32 s0, $0xA;
	s2 =	sadd.s32 s3, s2  }
0x8d: {  	s2 =	sadd.s32 s2, s16  }
0x8e: {  	[smem:$0x3FB6] =	sst s2  }
0x8f: {  	_ = 	snop  }
0x90: {  	(tm) =	ssettm $0x1  }
0x91: {  	s17 =	sld [smem:$0x3FFB];
	_ =	sdelay $0x3  }
0x92: {  	_ =	strace s17  }
0x93: {  	s2 =	sld [smem:$0x3FFC];
	_ =	sdelay $0x3  }
0x94: {  	_ =	strace s2  }
0x95: {  	s2 =	sld [smem:$0x3FFD];
	_ =	sdelay $0x3  }
0x96: {  	_ =	strace s2  }
0x97: {  	_ =	strace $0x8FFFFFFF  }
0x98: {  	s18 =	sld [smem:$0x3FDB];
	_ =	sdelay $0x1  }
0x99: {  	s19 =	simm.s32 $_scs_section_size  }
0x9a: {  	s4 =	simm.s32 $_size__tile_overlayer_lowered;
	s5 =	simm.s32 $_tile_overlayer_lowered  }
0x9b: {  	s22 =	simm.s32 $0x1BFF;
	s21 =	sshll.u32 s5, $0x1;
	s2 =	sadd.s32 s19, s18  }
0x9c: {  	s6 =	simm.s32 $0x0;
	s20 =	sshll.u32 s4, $0x1;
	s4 =	sadd.s32 s21, s2  }
0x9d: {  	[timem:s6], [sflag:s22] =	dma.local [hbm:s4], s20  }
0x9e: {  	_ =	swait.ge [sflag:s22], s20  }
0x9f: {  	s3 =	ssub.s32 $0x0, s20;
	[sflag:s22] =	ssyncset.done $0x0  }
0xa0: {  	[sflag:s22] =	ssyncadd.s32 s3;
	_ =	sdelay $0x1  }
0xa1: {  	s23 =	simm.s32 $0x1B8B  }
0xa2: {  	_ =	swait.ge [sflag:s23], $0x1  }
0xa3: {  	[sflag:s23] =	ssyncset.done $0x0  }
0xa4: {  	s25 =	simm.s32 $0x1B8E;
	s24 =	sld [smem:$0x3FFE];
	[sflag:s23] =	ssyncadd.s32 $0xFFFFFFFF  }
0xa5: {  	s26 =	simm.s32 $execute0_lowered;
	[smem:$0x3FD2] =	sst s25  }
0xa6: {  	s4 =	sshll.u32 s26, $0x1;
	_ =	strace $0x80000049;
	[dreg:$0x1] =	wrdreg $0xFFFFFFFF  }
0xa7: {  	s28 =	simm.s32 $_size_execute0_lowered;
	s2 =	sadd.s32 s2, s4;
	[dreg:$0x0] =	wrdreg $0x0  }
0xa8: {  	s4 =	sshll.u32 s28, $0x1;
	[dreg:$0x2] =	wrdreg s2  }
0xa9: {  	[dreg:$0x3] =	wrdreg s4  }
0xaa: {  	[dreg:$0x4] =	wrdreg $0xC0  }
0xab: {  	_ =	task [dreg:s6], $0x5FFFF  }
0xac: {  	[dreg:$0x1] =	wrdreg $0xFFFFFFFF  }
0xad: {  	[dreg:$0x0] =	wrdreg $0x60  }
0xae: {  	[dreg:$0x2] =	wrdreg s24  }
0xaf: {  	[dreg:$0x3] =	wrdreg $0x0  }
0xb0: {  	[dreg:$0x4] =	wrdreg $0x9  }
0xb1: {  	_ =	task.clear_ibuf [dreg:s6], $0x5FFFF;
	_ =	strace $0x90000049  }
0xb2: {  	s29 =	simm.s32 $0x9;
	_ =	strace $0x8000004B  }
0xb3: {  	_ =	swait.ge [sflag:s29], $0x1  }
0xb4: {  	[sflag:s29] =	ssyncadd.s32 $0xFFFFFFFF  }
0xb5: {  	_ =	strace $0x9000004B  }
0xb6: {  	_ =	sfence  }
0xb7: {  	s30 =	sld [smem:$0x0];
	_ =	sdelay $0x2  }
0xb8: {  	s31 =	sshll.u32 s1, $0xD;
	s1 =	sshrl.u32 s1, $0x2  }
0xb9: {  	s3 =	sand.u32 $0x4000, s31;
	s1 =	sadd.s32 s1, s30  }
0xba: {  	s0 =	sor.u32 s3, s0;
	s1 =	sshll.u32 s1, $0x11  }
0xbb: {  	s0 =	sor.u32 s1, s0  }
0xbc: {  	s0 =	sadd.s32 $0x8F2B, s0  }
0xbd: {  	[sflag:s0] =	ssyncadd.remote.s32 $0x1  }
0xbe: {  	_ =	sfence.sel $0xFFFF  }
0xbf: {  	[dreg:$0x0] =	wrdreg $0xFFFFFFFF;
	(pc) =	sbr.abs _section_cstart, $3  }
0xc0: {  	[dreg:$0x1] =	wrdreg $0xFFFFFFFF  }
0xc1: {  	_ =	task.clear_ibuf [dreg:s6], $0x2FFFF;
	_ =	strace $0x9FFFFFFF  }
0xc2: {  	(tm) =	ssettm $0x7FFFFFFF  }
0xc3: {  	_ =	shalt  }
tec
execute0_lowered:
.L_overlay_start_1:
0x0: {  	(tag) =	ssettag $0x1  }
0x1: {  	s0 =	rddreg [dreg:$0x0]  }
0x2: {  	s1 =	rddreg [dreg:$0x1];
	s2 =	simm.s32 $0x0  }
0x3: {  	s15 =	stileid.u32;
	s8 =	srdreg.scid;
	s28 =	simm.s32 $0x13980  }
0x4: {  	s29 =	simm.s32 $0x13B00;
	s30 =	simm.s32 $0x1;
	s31 =	simm.s32 $0x50  }
0x5: {  	[smem:$0x7FF] =	sst s2;
	s3 =	sadd.s32 $0xCC00, s0;
	s7 =	smul.u32 $0x2800, s15  }
0x6: {  	s6 =	sadd.s32 $0x2E00, s0;
	s4 =	sadd.s32 $0x3DC00, s0;
	s9 =	smul.u32 $0x50000, s15  }
0x7: {  	s5 =	sadd.s32 $0x64E00, s0;
	s8 =	sand.u32 $0x1, s8;
	s14 =	smul.u32 $0x4E20, s15  }
0x8: {  	s11 =	sadd.s32 $0x8C000, s0;
	s25 =	smul.u32 $0x9C4, s15;
	p1 =	seq.s32 s15, $0xF  }
0x9: {  	s15 =	simm.s32 $0x6;
	_ =	strace $0x8000004A;
	s22 =	smul.u32 $0x138800, s8  }
0xa: {  	s12 =	ssub.s32 $0x2, s8;
	p0 =	seq.s32 s8, $0x1;
	s8 =	smul.u32 $0x27100, s8  }
0xb: {  	s10 =	sadd.s32 s7, s0;
	s13 =	sshrl.u32 s12, $0x1;
	s9 =	sshrl.u32 s9, $0x2  }
0xc: {  	s0 =	sadd.s32 $0x3C200, s0;
	s14 =	sshrl.u32 s14, $0x3;
	s12 =	ssub.s32 s12, s13  }
0xd: {  	s9 =	sadd.s32 s9, s1;
	s10 =	sadd.s32 $0x16A00, s10;
	[dreg:$0x6] =	wrdreg s0  }
0xe: {  	s13 =	sadd.s32 $0x12C000, s1;
	s16 =	sadd.s32 s3, s14;
	[dreg:$0x3] =	wrdreg s9  }
0xf: {  	s17 =	sadd.s32 $0xA, s14;
	s18 =	sadd.s32 s6, s14;
	[dreg:$0x4] =	wrdreg s10  }
0x10: {  	s20 =	sadd.s32 $0x14, s14;
	s0 =	sadd.s32 $0x9BA, s14;
	[dreg:$0x5] =	wrdreg s13  }
0x11: {  	s24 =	sshrl.u32 s22, $0x3;
	s7 =	sadd.s32 s7, s8;
	[dreg:$0x7] =	wrdreg s16  }
0x12: {  	s22 =	sadd.s32 s25, s3;
	[dreg:$0x8] =	wrdreg s18;
	s19 =	sadd.s32 s3, s17  }
0x13: {  	s8 =	simm.s32 $0x4;
	s9 =	sadd.s32 s6, s17;
	[dreg:$0x9] =	wrdreg s19  }
0x14: {  	s14 =	simm.s32 $0x9;
	s21 =	sadd.s32 s3, s20;
	[dreg:$0xa] =	wrdreg s9  }
0x15: {  	s10 =	sadd.s32 s6, s20;
	s23 =	sadd.s32 s3, s0;
	[dreg:$0xb] =	wrdreg s21  }
0x16: {  	s0 =	sadd.s32 s6, s0;
	s7 =	sadd.s32 s11, s7;
	[dreg:$0xc] =	wrdreg s10  }
0x17: {  	s26 =	smax.u32 s12, $0x1;
	s3 =	simm.s32 $0x2;
	[dreg:$0xd] =	wrdreg s23  }
0x18: {  	s12 =	simm.s32 $0x8;
	s13 =	simm.s32 $0x5;
	[dreg:$0xe] =	wrdreg s0  }
0x19: {  	s16 =	simm.s32 $0x0;
	s0 =	sadd.s32 s11, s24;
	[dreg:$0xf] =	wrdreg s7  }
.Ltmp0:
0x1a: {  	[dreg:$0x11] =	wrdreg s26;
	s21 =	sadd.s32 s25, s6;
	(pc) =	sbr.rel .LBB2_1-.Ltmp0, $4  }
0x1b: {  	s23 =	simm.s32 $0x13880;
	s24 =	simm.s32 $0x13A00;
	s25 =	simm.s32 $0x13900  }
0x1c: {  	s26 =	simm.s32 $0x13A80;
	s6 =	simm.s32 $0x16380;
	s7 =	simm.s32 $0x7  }
0x1d: {  	s9 =	simm.s32 $0xA;
	s10 =	simm.s32 $0x3;
	s0 =	sadd.s32 $0x25800, s0  }
0x1e: {  	s11 =	simm.s32 $0x18B80;
	[dreg:$0x10] =	wrdreg s0;
	s0 =	simm.s32 $0x13B80  }
.LBB2_7:
0x1f: {  	[tilespmem:s29], [sflag:$0x6] =	stream.linear.gather [hbm4b:s17+s2], $0x50, $0x38;
	[tilespmem:$0x1B380] =	vst v63  }
0x20: {  	s17 =	smov.u32 s5  }
.LBB2_8:
0x21: {  	_ =	swait.ge [sflag:s3], $0x50  }
0x22: {  	[sflag:s3] =	ssyncset.done $0x0  }
0x23: {  	[sflag:s3] =	ssyncadd.s32 $0xFFFFFFB0  }
0x24: {  	[tilespmem:s6], [sflag:$0x8] =	stream.indirect.gather [hbm4b:s17+s31], $0x80, s25, s31, $0xb8;
	[tilespmem:$0x1B380] =	vst v63  }
0x25: {  	_ =	swait.ge [sflag:s7], $0x2800  }
0x26: {  	[sflag:s7] =	ssyncset.done $0x0  }
0x27: {  	[sflag:s7] =	ssyncadd.s32 $0xFFFFD800  }
0x28: {  	_ =	swait.ge [sflag:s8], $0x50  }
0x29: {  	[sflag:s8] =	ssyncset.done $0x0  }
0x2a: {  	[sflag:s8] =	ssyncadd.s32 $0xFFFFFFB0  }
0x2b: {  	[spmem:s1] =	stream.indirect.scatter.add.f32 [tilespmem:s0], [sflag:$0xA], $0x80, s24, s31, $0xb8;
	[tilespmem:$0x1B380] =	vst v63  }
0x2c: {  	_ =	swait.ge [sflag:s9], $0x2800  }
0x2d: {  	[sflag:s9] =	ssyncset.done $0x0  }
0x2e: {  	s18 =	rddreg [dreg:$0xd];
	[sflag:s9] =	ssyncadd.s32 $0xFFFFD800  }
0x2f: {  	[tilespmem:s23], [sflag:$0x1] =	stream.linear.gather [hbm4b:s18+s2], $0x50, $0x38;
	[tilespmem:$0x1B380] =	vst v63  }
0x30: {  	s19 =	rddreg [dreg:$0xe]  }
0x31: {  	[tilespmem:s24], [sflag:$0x4] =	stream.linear.gather [hbm4b:s19+s2], $0x50, $0x38;
	[tilespmem:$0x1B380] =	vst v63  }
0x32: {  	_ =	swait.ge [sflag:s10], $0x50  }
0x33: {  	[sflag:s10] =	ssyncset.done $0x0  }
0x34: {  	[sflag:s10] =	ssyncadd.s32 $0xFFFFFFB0  }
0x35: {  	[tilespmem:s11], [sflag:$0x9] =	stream.indirect.gather [hbm4b:s17+s31], $0x80, s28, s31, $0xb8;
	[tilespmem:$0x1B380] =	vst v63  }
0x36: {  	_ =	swait.ge [sflag:s12], $0x2800  }
0x37: {  	[sflag:s12] =	ssyncset.done $0x0  }
0x38: {  	[sflag:s12] =	ssyncadd.s32 $0xFFFFD800  }
0x39: {  	_ =	swait.ge [sflag:s13], $0x50  }
0x3a: {  	[sflag:s13] =	ssyncset.done $0x0  }
0x3b: {  	[sflag:s13] =	ssyncadd.s32 $0xFFFFFFB0  }
0x3c: {  	[spmem:s1] =	stream.indirect.scatter.add.f32 [tilespmem:s6], [sflag:$0xA], $0x80, s26, s31, $0xb8;
	[tilespmem:$0x1B380] =	vst v63  }
0x3d: {  	_ =	swait.ge [sflag:s9], $0x2800  }
0x3e: {  	[sflag:s9] =	ssyncset.done $0x0  }
0x3f: {  	[sflag:s9] =	ssyncadd.s32 $0xFFFFD800  }
0x40: {  	_ =	swait.ge [sflag:s30], $0x50  }
0x41: {  	[sflag:s30] =	ssyncset.done $0x0  }
0x42: {  	[sflag:s30] =	ssyncadd.s32 $0xFFFFFFB0  }
0x43: {  	[tilespmem:s0], [sflag:$0x7] =	stream.indirect.gather [hbm4b:s17+s31], $0x80, s23, s31, $0xb8;
	[tilespmem:$0x1B380] =	vst v63  }
0x44: {  	_ =	swait.ge [sflag:s14], $0x2800  }
0x45: {  	[sflag:s14] =	ssyncset.done $0x0  }
0x46: {  	[sflag:s14] =	ssyncadd.s32 $0xFFFFD800  }
0x47: {  	_ =	swait.ge [sflag:s15], $0x50  }
0x48: {  	[sflag:s15] =	ssyncset.done $0x0  }
0x49: {  	[sflag:s15] =	ssyncadd.s32 $0xFFFFFFB0  }
0x4a: {  	[spmem:s1] =	stream.indirect.scatter.add.f32 [tilespmem:s11], [sflag:$0xA], $0x80, s29, s31, $0xb8;
	[tilespmem:$0x1B380] =	vst v63  }
0x4b: {  	_ =	swait.ge [sflag:s9], $0x2800  }
0x4c: {  	[sflag:s9] =	ssyncset.done $0x0  }
0x4d: {  	[sflag:s9] =	ssyncadd.s32 $0xFFFFD800  }
0x4e: {  	_ =	swait.ge [sflag:s7], $0x2800  }
0x4f: {  	[sflag:s7] =	ssyncset.done $0x0  }
0x50: {  	[sflag:s7] =	ssyncadd.s32 $0xFFFFD800  }
0x51: {  	_ =	swait.ge [sflag:s8], $0x50  }
0x52: {  	[sflag:s8] =	ssyncset.done $0x0  }
0x53: {  	[sflag:s8] =	ssyncadd.s32 $0xFFFFFFB0  }
0x54: {  	[spmem:s1] =	stream.indirect.scatter.add.f32 [tilespmem:s0], [sflag:$0xA], $0x80, s24, s31, $0xb8;
	[tilespmem:$0x1B380] =	vst v63  }
0x55: {  	_ =	swait.ge [sflag:s9], $0x2800  }
0x56: {  	[sflag:s9] =	ssyncset.done $0x0  }
0x57: {  	[sflag:s9] =	ssyncadd.s32 $0xFFFFD800  }
0x58: {  	[bflag:$0x0] =	sbarrier.arrive $0xFFFF  }
0x59: {  	s18 =	rddreg [dreg:$0x10]  }
0x5a: {  	s17 =	simm.s32 @p1 $0x1FCA;
	s19 =	rddreg [dreg:$0x12]  }
0x5b: {  	[hbm:s18], [sflag:s17] =	dma.local @p1 [spmem:s19], $0x1900  }
0x5c: {  	s17 =	simm.s32 @p1 $0xA  }
0x5d: {  	_ =	swait.ge @p1 [sflag:s17], $0x1900  }
0x5e: {  	s18 =	rddreg [dreg:$0x13]  }
0x5f: {  	[sflag:s17] =	ssyncset.done @p1 $0x0;
	s19 =	rddreg [dreg:$0x14]  }
0x60: {  	[sflag:s17] =	ssyncadd.s32 @p1 $0xFFFFE700;
	s17 =	rddreg [dreg:$0xf]  }
0x61: {  	[hbm:s17], [sflag:s18] =	dma.local @!p1 [spmem:s19], $0x2800  }
0x62: {  	s17 =	simm.s32 @!p1 $0xA  }
0x63: {  	_ =	swait.ge @!p1 [sflag:s17], $0x2800  }
0x64: {  	s16 =	sadd.s32 $0x1, s16;
	s20 =	rddreg [dreg:$0x11]  }
0x65: {  	p2 =	sne.s32 s16, s20  }
.Ltmp1:
0x66: {  	_ = 	snop;
	(pc) =	sbr.rel @!p2 .LBB2_9-.Ltmp1, $3  }
0x67: {  	_ =	sdelay $0x1  }
0x68: {  	[sflag:s17] =	ssyncset.done @!p1 $0x0  }
0x69: {  	[sflag:s17] =	ssyncadd.s32 @!p1 $0xFFFFD800  }
.LBB2_1:
0x6a: {  	s17 =	rddreg [dreg:$0x5]  }
0x6b: {  	s18 =	rddreg [dreg:$0x6];
	s19 =	sshrl.u32 @p1 s17, $0x3  }
0x6c: {  	s17 =	simm.s32 @p1 $0x1FCA;
	[dreg:$0x12] =	wrdreg s19  }
0x6d: {  	[spmem:s19], [sflag:s17] =	dma.local @p1 [hbm:s18], $0x1900  }
0x6e: {  	s17 =	simm.s32 @p1 $0xA  }
0x6f: {  	s18 =	stileid.u32;
	_ =	swait.ge @p1 [sflag:s17], $0x1900  }
0x70: {  	s18 =	sshll.u32 @!p1 s18, $0x6;
	[sflag:s17] =	ssyncset.done @p1 $0x0  }
0x71: {  	s18 =	sor.u32 @!p1 $0x1C0A, s18;
	[sflag:s17] =	ssyncadd.s32 @p1 $0xFFFFE700;
	s17 =	rddreg [dreg:$0x3]  }
0x72: {  	[dreg:$0x13] =	wrdreg s18  }
0x73: {  	s19 =	sshrl.u32 @!p1 s17, $0x3;
	s17 =	rddreg [dreg:$0x4]  }
0x74: {  	[dreg:$0x14] =	wrdreg s19  }
0x75: {  	[spmem:s19], [sflag:s18] =	dma.local @!p1 [hbm:s17], $0x2800  }
0x76: {  	s17 =	simm.s32 @!p1 $0xA  }
0x77: {  	_ =	swait.ge @!p1 [sflag:s17], $0x2800  }
0x78: {  	[sflag:s17] =	ssyncset.done @!p1 $0x0  }
0x79: {  	[sflag:s17] =	ssyncadd.s32 @!p1 $0xFFFFD800  }
0x7a: {  	[bflag:$0x0] =	sbarrier.arrive $0xFFFF  }
0x7b: {  	s18 =	rddreg [dreg:$0x7]  }
0x7c: {  	[tilespmem:s23], [sflag:$0x1] =	stream.linear.gather [hbm4b:s18+s2], $0x50, $0x38;
	[tilespmem:$0x1B380] =	vst v63  }
0x7d: {  	s19 =	rddreg [dreg:$0x8]  }
0x7e: {  	[tilespmem:s24], [sflag:$0x4] =	stream.linear.gather [hbm4b:s19+s2], $0x50, $0x38;
	[tilespmem:$0x1B380] =	vst v63  }
0x7f: {  	s20 =	rddreg [dreg:$0x9]  }
0x80: {  	[tilespmem:s25], [sflag:$0x2] =	stream.linear.gather [hbm4b:s20+s2], $0x50, $0x38;
	[tilespmem:$0x1B380] =	vst v63  }
0x81: {  	s18 =	rddreg [dreg:$0xa]  }
0x82: {  	[tilespmem:s26], [sflag:$0x5] =	stream.linear.gather [hbm4b:s18+s2], $0x50, $0x38;
	[tilespmem:$0x1B380] =	vst v63  }
0x83: {  	s19 =	rddreg [dreg:$0xb]  }
0x84: {  	[tilespmem:s28], [sflag:$0x3] =	stream.linear.gather [hbm4b:s19+s2], $0x50, $0x38;
	[tilespmem:$0x1B380] =	vst v63  }
.Ltmp2:
0x85: {  	s20 =	rddreg [dreg:$0xc];
	(pc) =	sbr.rel @!p0 .LBB2_2-.Ltmp2, $4  }
0x86: {  	[tilespmem:s29], [sflag:$0x6] =	stream.linear.gather [hbm4b:s20+s2], $0x50, $0x38;
	[tilespmem:$0x1B380] =	vst v63  }
0x87: {  	_ =	swait.ge [sflag:s30], $0x50  }
0x88: {  	[sflag:s30] =	ssyncset.done $0x0  }
0x89: {  	[sflag:s30] =	ssyncadd.s32 $0xFFFFFFB0  }
0x8a: {  	[tilespmem:s0], [sflag:$0x7] =	stream.indirect.gather [hbm4b:s5+s31], $0x80, s23, s31, $0xb8;
	[tilespmem:$0x1B380] =	vst v63  }
0x8b: {  	_ =	swait.ge [sflag:s3], $0x50  }
0x8c: {  	[sflag:s3] =	ssyncset.done $0x0  }
0x8d: {  	[sflag:s3] =	ssyncadd.s32 $0xFFFFFFB0  }
0x8e: {  	[tilespmem:s6], [sflag:$0x8] =	stream.indirect.gather [hbm4b:s5+s31], $0x80, s25, s31, $0xb8;
	[tilespmem:$0x1B380] =	vst v63  }
0x8f: {  	_ =	swait.ge [sflag:s7], $0x2800  }
0x90: {  	[sflag:s7] =	ssyncset.done $0x0  }
0x91: {  	[sflag:s7] =	ssyncadd.s32 $0xFFFFD800  }
0x92: {  	_ =	swait.ge [sflag:s8], $0x50  }
0x93: {  	[sflag:s8] =	ssyncset.done $0x0  }
0x94: {  	[sflag:s8] =	ssyncadd.s32 $0xFFFFFFB0  }
0x95: {  	[spmem:s1] =	stream.indirect.scatter.add.f32 [tilespmem:s0], [sflag:$0xA], $0x80, s24, s31, $0xb8;
	[tilespmem:$0x1B380] =	vst v63  }
0x96: {  	_ =	swait.ge [sflag:s9], $0x2800  }
0x97: {  	s17 =	sadd.s32 $0x0, s22;
	[sflag:s9] =	ssyncset.done $0x0  }
0x98: {  	s19 =	sadd.s32 $0x0, s21;
	s18 =	sadd.s32 $0x1E, s17;
	[sflag:s9] =	ssyncadd.s32 $0xFFFFD800  }
0x99: {  	[tilespmem:s23], [sflag:$0x1] =	stream.linear.gather [hbm4b:s18+s2], $0x50, $0x38;
	[tilespmem:$0x1B380] =	vst v63  }
0x9a: {  	s20 =	sadd.s32 $0x1E, s19  }
0x9b: {  	[tilespmem:s24], [sflag:$0x4] =	stream.linear.gather [hbm4b:s20+s2], $0x50, $0x38;
	[tilespmem:$0x1B380] =	vst v63  }
0x9c: {  	_ =	swait.ge [sflag:s10], $0x50  }
0x9d: {  	[sflag:s10] =	ssyncset.done $0x0  }
0x9e: {  	[sflag:s10] =	ssyncadd.s32 $0xFFFFFFB0  }
0x9f: {  	[tilespmem:s11], [sflag:$0x9] =	stream.indirect.gather [hbm4b:s5+s31], $0x80, s28, s31, $0xb8;
	[tilespmem:$0x1B380] =	vst v63  }
0xa0: {  	_ =	swait.ge [sflag:s12], $0x2800  }
0xa1: {  	[sflag:s12] =	ssyncset.done $0x0  }
0xa2: {  	[sflag:s12] =	ssyncadd.s32 $0xFFFFD800  }
0xa3: {  	_ =	swait.ge [sflag:s13], $0x50  }
0xa4: {  	[sflag:s13] =	ssyncset.done $0x0  }
0xa5: {  	[sflag:s13] =	ssyncadd.s32 $0xFFFFFFB0  }
0xa6: {  	[spmem:s1] =	stream.indirect.scatter.add.f32 [tilespmem:s6], [sflag:$0xA], $0x80, s26, s31, $0xb8;
	[tilespmem:$0x1B380] =	vst v63  }
0xa7: {  	_ =	swait.ge [sflag:s9], $0x2800  }
0xa8: {  	[sflag:s9] =	ssyncset.done $0x0  }
0xa9: {  	s20 =	sadd.s32 $0x28, s17;
	[sflag:s9] =	ssyncadd.s32 $0xFFFFD800  }
0xaa: {  	[tilespmem:s25], [sflag:$0x2] =	stream.linear.gather [hbm4b:s20+s2], $0x50, $0x38;
	[tilespmem:$0x1B380] =	vst v63  }
0xab: {  	s20 =	sadd.s32 $0x28, s19  }
0xac: {  	[tilespmem:s26], [sflag:$0x5] =	stream.linear.gather [hbm4b:s20+s2], $0x50, $0x38;
	[tilespmem:$0x1B380] =	vst v63  }
0xad: {  	_ =	swait.ge [sflag:s30], $0x50  }
0xae: {  	[sflag:s30] =	ssyncset.done $0x0  }
0xaf: {  	[sflag:s30] =	ssyncadd.s32 $0xFFFFFFB0  }
0xb0: {  	[tilespmem:s0], [sflag:$0x7] =	stream.indirect.gather [hbm4b:s5+s31], $0x80, s23, s31, $0xb8;
	[tilespmem:$0x1B380] =	vst v63  }
0xb1: {  	_ =	swait.ge [sflag:s14], $0x2800  }
0xb2: {  	[sflag:s14] =	ssyncset.done $0x0  }
0xb3: {  	[sflag:s14] =	ssyncadd.s32 $0xFFFFD800  }
0xb4: {  	_ =	swait.ge [sflag:s15], $0x50  }
0xb5: {  	[sflag:s15] =	ssyncset.done $0x0  }
0xb6: {  	[sflag:s15] =	ssyncadd.s32 $0xFFFFFFB0  }
0xb7: {  	[spmem:s1] =	stream.indirect.scatter.add.f32 [tilespmem:s11], [sflag:$0xA], $0x80, s29, s31, $0xb8;
	[tilespmem:$0x1B380] =	vst v63  }
0xb8: {  	_ =	swait.ge [sflag:s9], $0x2800  }
0xb9: {  	[sflag:s9] =	ssyncset.done $0x0  }
0xba: {  	s17 =	sadd.s32 $0x32, s17;
	[sflag:s9] =	ssyncadd.s32 $0xFFFFD800  }
0xbb: {  	[tilespmem:s28], [sflag:$0x3] =	stream.linear.gather [hbm4b:s17+s2], $0x50, $0x38;
	[tilespmem:$0x1B380] =	vst v63  }
0xbc: {  	s20 =	simm.s32 $0x1E;
	s17 =	sadd.s32 $0x32, s19  }
.LBB2_6:
0xbd: {  	[tilespmem:s29], [sflag:$0x6] =	stream.linear.gather [hbm4b:s17+s2], $0x50, $0x38;
	[tilespmem:$0x1B380] =	vst v63  }
0xbe: {  	s18 =	smov.u32 s20  }
0xbf: {  	p2 =	sne.s32 s20, $0x97E;
	s20 =	sadd.s32 $0x1E, s20;
	_ =	swait.ge [sflag:s3], $0x50  }
0xc0: {  	[sflag:s3] =	ssyncset.done $0x0  }
0xc1: {  	[sflag:s3] =	ssyncadd.s32 $0xFFFFFFB0  }
0xc2: {  	[tilespmem:s6], [sflag:$0x8] =	stream.indirect.gather [hbm4b:s5+s31], $0x80, s25, s31, $0xb8;
	[tilespmem:$0x1B380] =	vst v63  }
0xc3: {  	_ =	swait.ge [sflag:s7], $0x2800  }
0xc4: {  	[sflag:s7] =	ssyncset.done $0x0  }
0xc5: {  	[sflag:s7] =	ssyncadd.s32 $0xFFFFD800  }
0xc6: {  	_ =	swait.ge [sflag:s8], $0x50  }
0xc7: {  	[sflag:s8] =	ssyncset.done $0x0  }
0xc8: {  	[sflag:s8] =	ssyncadd.s32 $0xFFFFFFB0  }
0xc9: {  	[spmem:s1] =	stream.indirect.scatter.add.f32 [tilespmem:s0], [sflag:$0xA], $0x80, s24, s31, $0xb8;
	[tilespmem:$0x1B380] =	vst v63  }
0xca: {  	_ =	swait.ge [sflag:s9], $0x2800  }
0xcb: {  	s17 =	sadd.s32 s18, s22;
	[sflag:s9] =	ssyncset.done $0x0  }
0xcc: {  	s18 =	sadd.s32 s18, s21;
	s19 =	sadd.s32 $0x1E, s17;
	[sflag:s9] =	ssyncadd.s32 $0xFFFFD800  }
0xcd: {  	[tilespmem:s23], [sflag:$0x1] =	stream.linear.gather [hbm4b:s19+s2], $0x50, $0x38;
	[tilespmem:$0x1B380] =	vst v63  }
0xce: {  	s19 =	sadd.s32 $0x1E, s18  }
0xcf: {  	[tilespmem:s24], [sflag:$0x4] =	stream.linear.gather [hbm4b:s19+s2], $0x50, $0x38;
	[tilespmem:$0x1B380] =	vst v63  }
0xd0: {  	_ =	swait.ge [sflag:s10], $0x50  }
0xd1: {  	[sflag:s10] =	ssyncset.done $0x0  }
0xd2: {  	[sflag:s10] =	ssyncadd.s32 $0xFFFFFFB0  }
0xd3: {  	[tilespmem:s11], [sflag:$0x9] =	stream.indirect.gather [hbm4b:s5+s31], $0x80, s28, s31, $0xb8;
	[tilespmem:$0x1B380] =	vst v63  }
0xd4: {  	_ =	swait.ge [sflag:s12], $0x2800  }
0xd5: {  	[sflag:s12] =	ssyncset.done $0x0  }
0xd6: {  	[sflag:s12] =	ssyncadd.s32 $0xFFFFD800  }
0xd7: {  	_ =	swait.ge [sflag:s13], $0x50  }
0xd8: {  	[sflag:s13] =	ssyncset.done $0x0  }
0xd9: {  	[sflag:s13] =	ssyncadd.s32 $0xFFFFFFB0  }
0xda: {  	[spmem:s1] =	stream.indirect.scatter.add.f32 [tilespmem:s6], [sflag:$0xA], $0x80, s26, s31, $0xb8;
	[tilespmem:$0x1B380] =	vst v63  }
0xdb: {  	_ =	swait.ge [sflag:s9], $0x2800  }
0xdc: {  	[sflag:s9] =	ssyncset.done $0x0  }
0xdd: {  	s19 =	sadd.s32 $0x28, s17;
	[sflag:s9] =	ssyncadd.s32 $0xFFFFD800  }
0xde: {  	[tilespmem:s25], [sflag:$0x2] =	stream.linear.gather [hbm4b:s19+s2], $0x50, $0x38;
	[tilespmem:$0x1B380] =	vst v63  }
0xdf: {  	s19 =	sadd.s32 $0x28, s18  }
0xe0: {  	[tilespmem:s26], [sflag:$0x5] =	stream.linear.gather [hbm4b:s19+s2], $0x50, $0x38;
	[tilespmem:$0x1B380] =	vst v63  }
0xe1: {  	_ =	swait.ge [sflag:s30], $0x50  }
0xe2: {  	[sflag:s30] =	ssyncset.done $0x0  }
0xe3: {  	[sflag:s30] =	ssyncadd.s32 $0xFFFFFFB0  }
0xe4: {  	[tilespmem:s0], [sflag:$0x7] =	stream.indirect.gather [hbm4b:s5+s31], $0x80, s23, s31, $0xb8;
	[tilespmem:$0x1B380] =	vst v63  }
0xe5: {  	_ =	swait.ge [sflag:s14], $0x2800  }
0xe6: {  	[sflag:s14] =	ssyncset.done $0x0  }
0xe7: {  	[sflag:s14] =	ssyncadd.s32 $0xFFFFD800  }
0xe8: {  	_ =	swait.ge [sflag:s15], $0x50  }
0xe9: {  	[sflag:s15] =	ssyncset.done $0x0  }
0xea: {  	[sflag:s15] =	ssyncadd.s32 $0xFFFFFFB0  }
0xeb: {  	[spmem:s1] =	stream.indirect.scatter.add.f32 [tilespmem:s11], [sflag:$0xA], $0x80, s29, s31, $0xb8;
	[tilespmem:$0x1B380] =	vst v63  }
.Ltmp3:
0xec: {  	_ =	swait.ge [sflag:s9], $0x2800;
	(pc) =	sbr.rel @p2 .LBB2_6-.Ltmp3, $4  }
0xed: {  	[sflag:s9] =	ssyncset.done $0x0  }
0xee: {  	s17 =	sadd.s32 $0x32, s17;
	[sflag:s9] =	ssyncadd.s32 $0xFFFFD800  }
0xef: {  	[tilespmem:s28], [sflag:$0x3] =	stream.linear.gather [hbm4b:s17+s2], $0x50, $0x38;
	[tilespmem:$0x1B380] =	vst v63  }
0xf0: {  	s17 =	sadd.s32 $0x32, s18  }
.Ltmp4:
0xf1: {  	_ = 	snop;
	(pc) =	sbr.rel .LBB2_7-.Ltmp4, $1  }
0xf2: {  	_ =	sdelay $0x3  }
.LBB2_2:
0xf3: {  	[tilespmem:s0], [sflag:$0x7] =	stream.indirect.gather [hbm4b:s4+s31], $0x80, s23, s31, $0xb8;
	[tilespmem:$0x1B380] =	vst v63  }
0xf4: {  	_ =	swait.ge [sflag:s3], $0x50  }
0xf5: {  	[sflag:s3] =	ssyncset.done $0x0  }
0xf6: {  	[sflag:s3] =	ssyncadd.s32 $0xFFFFFFB0  }
0xf7: {  	[tilespmem:s6], [sflag:$0x8] =	stream.indirect.gather [hbm4b:s4+s31], $0x80, s25, s31, $0xb8;
	[tilespmem:$0x1B380] =	vst v63  }
0xf8: {  	_ =	swait.ge [sflag:s7], $0x2800  }
0xf9: {  	[sflag:s7] =	ssyncset.done $0x0  }
0xfa: {  	[sflag:s7] =	ssyncadd.s32 $0xFFFFD800  }
0xfb: {  	_ =	swait.ge [sflag:s8], $0x50  }
0xfc: {  	[sflag:s8] =	ssyncset.done $0x0  }
0xfd: {  	[sflag:s8] =	ssyncadd.s32 $0xFFFFFFB0  }
0xfe: {  	[spmem:s1] =	stream.indirect.scatter.add.f32 [tilespmem:s0], [sflag:$0xA], $0x80, s24, s31, $0xb8;
	[tilespmem:$0x1B380] =	vst v63  }
0xff: {  	_ =	swait.ge [sflag:s9], $0x2800  }
0x100: {  	s17 =	sadd.s32 $0x0, s22;
	[sflag:s9] =	ssyncset.done $0x0  }
0x101: {  	s19 =	sadd.s32 $0x0, s21;
	s18 =	sadd.s32 $0x1E, s17;
	[sflag:s9] =	ssyncadd.s32 $0xFFFFD800  }
0x102: {  	[tilespmem:s23], [sflag:$0x1] =	stream.linear.gather [hbm4b:s18+s2], $0x50, $0x38;
	[tilespmem:$0x1B380] =	vst v63  }
0x103: {  	s20 =	sadd.s32 $0x1E, s19  }
0x104: {  	[tilespmem:s24], [sflag:$0x4] =	stream.linear.gather [hbm4b:s20+s2], $0x50, $0x38;
	[tilespmem:$0x1B380] =	vst v63  }
0x105: {  	_ =	swait.ge [sflag:s10], $0x50  }
0x106: {  	[sflag:s10] =	ssyncset.done $0x0  }
0x107: {  	[sflag:s10] =	ssyncadd.s32 $0xFFFFFFB0  }
0x108: {  	[tilespmem:s11], [sflag:$0x9] =	stream.indirect.gather [hbm4b:s4+s31], $0x80, s28, s31, $0xb8;
	[tilespmem:$0x1B380] =	vst v63  }
0x109: {  	_ =	swait.ge [sflag:s12], $0x2800  }
0x10a: {  	[sflag:s12] =	ssyncset.done $0x0  }
0x10b: {  	[sflag:s12] =	ssyncadd.s32 $0xFFFFD800  }
0x10c: {  	_ =	swait.ge [sflag:s13], $0x50  }
0x10d: {  	[sflag:s13] =	ssyncset.done $0x0  }
0x10e: {  	[sflag:s13] =	ssyncadd.s32 $0xFFFFFFB0  }
0x10f: {  	[spmem:s1] =	stream.indirect.scatter.add.f32 [tilespmem:s6], [sflag:$0xA], $0x80, s26, s31, $0xb8;
	[tilespmem:$0x1B380] =	vst v63  }
0x110: {  	_ =	swait.ge [sflag:s9], $0x2800  }
0x111: {  	[sflag:s9] =	ssyncset.done $0x0  }
0x112: {  	s20 =	sadd.s32 $0x28, s17;
	[sflag:s9] =	ssyncadd.s32 $0xFFFFD800  }
0x113: {  	[tilespmem:s25], [sflag:$0x2] =	stream.linear.gather [hbm4b:s20+s2], $0x50, $0x38;
	[tilespmem:$0x1B380] =	vst v63  }
0x114: {  	s20 =	sadd.s32 $0x28, s19  }
0x115: {  	[tilespmem:s26], [sflag:$0x5] =	stream.linear.gather [hbm4b:s20+s2], $0x50, $0x38;
	[tilespmem:$0x1B380] =	vst v63  }
0x116: {  	_ =	swait.ge [sflag:s30], $0x50  }
0x117: {  	[sflag:s30] =	ssyncset.done $0x0  }
0x118: {  	[sflag:s30] =	ssyncadd.s32 $0xFFFFFFB0  }
0x119: {  	[tilespmem:s0], [sflag:$0x7] =	stream.indirect.gather [hbm4b:s4+s31], $0x80, s23, s31, $0xb8;
	[tilespmem:$0x1B380] =	vst v63  }
0x11a: {  	_ =	swait.ge [sflag:s14], $0x2800  }
0x11b: {  	[sflag:s14] =	ssyncset.done $0x0  }
0x11c: {  	[sflag:s14] =	ssyncadd.s32 $0xFFFFD800  }
0x11d: {  	_ =	swait.ge [sflag:s15], $0x50  }
0x11e: {  	[sflag:s15] =	ssyncset.done $0x0  }
0x11f: {  	[sflag:s15] =	ssyncadd.s32 $0xFFFFFFB0  }
0x120: {  	[spmem:s1] =	stream.indirect.scatter.add.f32 [tilespmem:s11], [sflag:$0xA], $0x80, s29, s31, $0xb8;
	[tilespmem:$0x1B380] =	vst v63  }
0x121: {  	_ =	swait.ge [sflag:s9], $0x2800  }
0x122: {  	[sflag:s9] =	ssyncset.done $0x0  }
0x123: {  	s17 =	sadd.s32 $0x32, s17;
	[sflag:s9] =	ssyncadd.s32 $0xFFFFD800  }
0x124: {  	[tilespmem:s28], [sflag:$0x3] =	stream.linear.gather [hbm4b:s17+s2], $0x50, $0x38;
	[tilespmem:$0x1B380] =	vst v63  }
0x125: {  	s20 =	simm.s32 $0x1E;
	s17 =	sadd.s32 $0x32, s19  }
.LBB2_3:
0x126: {  	[tilespmem:s29], [sflag:$0x6] =	stream.linear.gather [hbm4b:s17+s2], $0x50, $0x38;
	[tilespmem:$0x1B380] =	vst v63  }
0x127: {  	s18 =	smov.u32 s20  }
0x128: {  	p2 =	seq.s32 s20, $0x97E;
	s20 =	sadd.s32 $0x1E, s20;
	_ =	swait.ge [sflag:s3], $0x50  }
0x129: {  	[sflag:s3] =	ssyncset.done $0x0  }
0x12a: {  	[sflag:s3] =	ssyncadd.s32 $0xFFFFFFB0  }
0x12b: {  	[tilespmem:s6], [sflag:$0x8] =	stream.indirect.gather [hbm4b:s4+s31], $0x80, s25, s31, $0xb8;
	[tilespmem:$0x1B380] =	vst v63  }
0x12c: {  	_ =	swait.ge [sflag:s7], $0x2800  }
0x12d: {  	[sflag:s7] =	ssyncset.done $0x0  }
0x12e: {  	[sflag:s7] =	ssyncadd.s32 $0xFFFFD800  }
0x12f: {  	_ =	swait.ge [sflag:s8], $0x50  }
0x130: {  	[sflag:s8] =	ssyncset.done $0x0  }
0x131: {  	[sflag:s8] =	ssyncadd.s32 $0xFFFFFFB0  }
0x132: {  	[spmem:s1] =	stream.indirect.scatter.add.f32 [tilespmem:s0], [sflag:$0xA], $0x80, s24, s31, $0xb8;
	[tilespmem:$0x1B380] =	vst v63  }
0x133: {  	_ =	swait.ge [sflag:s9], $0x2800  }
0x134: {  	s17 =	sadd.s32 s18, s22;
	[sflag:s9] =	ssyncset.done $0x0  }
0x135: {  	s18 =	sadd.s32 s18, s21;
	s19 =	sadd.s32 $0x1E, s17;
	[sflag:s9] =	ssyncadd.s32 $0xFFFFD800  }
0x136: {  	[tilespmem:s23], [sflag:$0x1] =	stream.linear.gather [hbm4b:s19+s2], $0x50, $0x38;
	[tilespmem:$0x1B380] =	vst v63  }
0x137: {  	s19 =	sadd.s32 $0x1E, s18  }
0x138: {  	[tilespmem:s24], [sflag:$0x4] =	stream.linear.gather [hbm4b:s19+s2], $0x50, $0x38;
	[tilespmem:$0x1B380] =	vst v63  }
0x139: {  	_ =	swait.ge [sflag:s10], $0x50  }
0x13a: {  	[sflag:s10] =	ssyncset.done $0x0  }
0x13b: {  	[sflag:s10] =	ssyncadd.s32 $0xFFFFFFB0  }
0x13c: {  	[tilespmem:s11], [sflag:$0x9] =	stream.indirect.gather [hbm4b:s4+s31], $0x80, s28, s31, $0xb8;
	[tilespmem:$0x1B380] =	vst v63  }
0x13d: {  	_ =	swait.ge [sflag:s12], $0x2800  }
0x13e: {  	[sflag:s12] =	ssyncset.done $0x0  }
0x13f: {  	[sflag:s12] =	ssyncadd.s32 $0xFFFFD800  }
0x140: {  	_ =	swait.ge [sflag:s13], $0x50  }
0x141: {  	[sflag:s13] =	ssyncset.done $0x0  }
0x142: {  	[sflag:s13] =	ssyncadd.s32 $0xFFFFFFB0  }
0x143: {  	[spmem:s1] =	stream.indirect.scatter.add.f32 [tilespmem:s6], [sflag:$0xA], $0x80, s26, s31, $0xb8;
	[tilespmem:$0x1B380] =	vst v63  }
0x144: {  	_ =	swait.ge [sflag:s9], $0x2800  }
0x145: {  	[sflag:s9] =	ssyncset.done $0x0  }
0x146: {  	s19 =	sadd.s32 $0x28, s17;
	[sflag:s9] =	ssyncadd.s32 $0xFFFFD800  }
0x147: {  	[tilespmem:s25], [sflag:$0x2] =	stream.linear.gather [hbm4b:s19+s2], $0x50, $0x38;
	[tilespmem:$0x1B380] =	vst v63  }
0x148: {  	s19 =	sadd.s32 $0x28, s18  }
0x149: {  	[tilespmem:s26], [sflag:$0x5] =	stream.linear.gather [hbm4b:s19+s2], $0x50, $0x38;
	[tilespmem:$0x1B380] =	vst v63  }
0x14a: {  	_ =	swait.ge [sflag:s30], $0x50  }
0x14b: {  	[sflag:s30] =	ssyncset.done $0x0  }
0x14c: {  	[sflag:s30] =	ssyncadd.s32 $0xFFFFFFB0  }
0x14d: {  	[tilespmem:s0], [sflag:$0x7] =	stream.indirect.gather [hbm4b:s4+s31], $0x80, s23, s31, $0xb8;
	[tilespmem:$0x1B380] =	vst v63  }
0x14e: {  	_ =	swait.ge [sflag:s14], $0x2800  }
0x14f: {  	[sflag:s14] =	ssyncset.done $0x0  }
0x150: {  	[sflag:s14] =	ssyncadd.s32 $0xFFFFD800  }
0x151: {  	_ =	swait.ge [sflag:s15], $0x50  }
0x152: {  	[sflag:s15] =	ssyncset.done $0x0  }
0x153: {  	[sflag:s15] =	ssyncadd.s32 $0xFFFFFFB0  }
0x154: {  	[spmem:s1] =	stream.indirect.scatter.add.f32 [tilespmem:s11], [sflag:$0xA], $0x80, s29, s31, $0xb8;
	[tilespmem:$0x1B380] =	vst v63  }
.Ltmp5:
0x155: {  	_ =	swait.ge [sflag:s9], $0x2800;
	(pc) =	sbr.rel @!p2 .LBB2_3-.Ltmp5, $4  }
0x156: {  	[sflag:s9] =	ssyncset.done $0x0  }
0x157: {  	s17 =	sadd.s32 $0x32, s17;
	[sflag:s9] =	ssyncadd.s32 $0xFFFFD800  }
0x158: {  	[tilespmem:s28], [sflag:$0x3] =	stream.linear.gather [hbm4b:s17+s2], $0x50, $0x38;
	[tilespmem:$0x1B380] =	vst v63  }
0x159: {  	s17 =	sadd.s32 $0x32, s18  }
.Ltmp6:
0x15a: {  	(pc) =	sbr.rel .LBB2_8-.Ltmp6, $3  }
0x15b: {  	_ =	sdelay $0x1  }
0x15c: {  	[tilespmem:s29], [sflag:$0x6] =	stream.linear.gather [hbm4b:s17+s2], $0x50, $0x38;
	[tilespmem:$0x1B380] =	vst v63  }
0x15d: {  	s17 =	smov.u32 s4  }
.LBB2_9:
0x15e: {  	_ =	sfence.sel $0x180000  }
0x15f: {  	[bflag:$0x0] =	sbarrier.arrive $0xFFFF  }
0x160: {  	_ =	strace $0x9000004A  }
0x161: {  	s0 =	stileid.u32;
	[bflag:$0x2] =	sbarrier.arrive $0xFFFF  }
0x162: {  	p0 =	sne.s32 s0, $0x0;
	s0 =	rddreg [dreg:$0x2]  }
0x163: {  	s0 =	sadd.s32 @!p0 $0x100000, s0  }
0x164: {  	[sflag:s0] =	ssyncadd.tile.s32 @!p0 $0x1;
	_ =	shalt  }
.Lfunc_end2:
_tile_overlayer_lowered:
.L_overlay_start_2:
0x165: {  	(tag) =	ssettag $0x2  }
0x166: {  	s0 =	rddreg [dreg:$0x0];
	s2 =	stileid.u32  }
0x167: {  	s1 =	rddreg [dreg:$0x1];
	p0 =	sne.s32 s2, $0x0  }
0x168: {  	s3 =	rddreg [dreg:$0x2];
	[bflag:$0x3] =	sbarrier.arrive $0xFFFF;
	s2 =	simm.s32 @!p0 $0x1C0A  }
0x169: {  	[timem:s3], [sflag:s2] =	dma.local @!p0 [hbm:s0], s1  }
0x16a: {  	s0 =	simm.s32 @!p0 $0xA  }
0x16b: {  	_ =	swait.ge @!p0 [sflag:s0], s1  }
0x16c: {  	s1 =	ssub.s32 @!p0 $0x0, s1;
	[sflag:s0] =	ssyncset.done @!p0 $0x0  }
0x16d: {  	[sflag:s0] =	ssyncadd.s32 @!p0 s1  }
0x16e: {  	[bflag:$0x3] =	sbarrier.arrive $0xFFFF  }
0x16f: {  	_ =	shalt  }

</sc_bundles>
